<compile_context>
chip_gen: v7x
topology: tpu7x:2x2x1
jax: 0.10.2.dev20260603
libtpu: 0.0.44.dev20260713+nightly
codegen_flags: <defaults>
</compile_context>

<pallas_src>
import functools

import jax
import jax.numpy as jnp
from jax import lax
from jax.experimental import pallas as pl
from jax.experimental.pallas import tpu as pltpu
from jax.experimental.pallas import tpu_sc as plsc

_L = 16
_CH = 8192
_NCH = 2
_U = 32
_NACC = 8
_TCB = 262144
_NBUF = 4


def _chunk_sum_reg(buf, accs, nvec):
  accs = list(accs)
  full = nvec // _U

  def body(j, accs):
    accs = list(accs)
    base = j * (_L * _U)
    vs = [buf[pl.ds(base + k * _L, _L)] for k in range(_U)]
    for k in range(_U):
      accs[k % _NACC] = accs[k % _NACC] + vs[k]
    return tuple(accs)

  accs = lax.fori_loop(0, full, body, tuple(accs))
  accs = list(accs)
  for k in range(nvec - full * _U):
    accs[k % _NACC] = accs[k % _NACC] + buf[pl.ds((full * _U + k) * _L, _L)]
  return tuple(accs)


def _tree_sum(accs):
  accs = list(accs)
  while len(accs) > 1:
    accs = [accs[i] + accs[i + 1] for i in range(0, len(accs), 2)]
  return accs[0]


@functools.cache
def _build_sc(off, length):
  info = plsc.get_sparse_core_info()
  nc = info.num_cores
  nw = nc * info.num_subcores
  per_w = _NCH * _CH
  main_elems = nw * per_w
  extra = (length - main_elems) // _CH
  rem = length - main_elems - extra * _CH
  rem_vecs = (rem + _L - 1) // _L
  assert 0 <= extra < nw and off % 8 == 0 and _NCH % 2 == 0
  mesh = plsc.VectorSubcoreMesh(core_axis_name="c", subcore_axis_name="s")

  @functools.partial(
      pl.kernel,
      mesh=mesh,
      out_type=jax.ShapeDtypeStruct((nw, _L), jnp.float32),
      scratch_types=[
          pltpu.VMEM((_CH,), jnp.float32),
          pltpu.VMEM((_CH,), jnp.float32),
          pltpu.VMEM((_CH,), jnp.float32),
          pltpu.VMEM((_L,), jnp.float32),
          pltpu.SemaphoreType.DMA,
          pltpu.SemaphoreType.DMA,
          pltpu.SemaphoreType.DMA,
      ],
  )
  def ksum(vals, out, buf0, buf1, bufx, stage, sem0, sem1, semx):
    wid = lax.axis_index("s") * nc + lax.axis_index("c")
    base = off + wid * per_w
    zero = jnp.zeros((_L,), jnp.float32)
    bufs = (buf0, buf1)
    sems = (sem0, sem1)

    def start(c, b):
      pltpu.async_copy(
          vals.at[pl.ds(base + c * _CH, _CH)], bufs[b], sems[b])

    def wait(b):
      pltpu.make_async_copy(
          vals.at[pl.ds(0, _CH)], bufs[b], sems[b]).wait()

    if extra:
      @pl.when(wid < extra)
      def _():
        pltpu.async_copy(
            vals.at[pl.ds(off + main_elems + wid * _CH, _CH)], bufx, semx)
    if rem:
      @pl.when(wid == nw - 1)
      def _():
        bufx[pl.ds(rem_vecs * _L - _L, _L)] = zero
        pltpu.async_copy(
            vals.at[pl.ds(off + main_elems + extra * _CH, rem)],
            bufx.at[pl.ds(0, rem)], semx)

    start(0, 0)
    start(1, 1)

    def pair_body(p, accs):
      c0 = 2 * p
      wait(0)
      accs = _chunk_sum_reg(buf0, accs, _CH // _L)

      @pl.when(c0 + 2 < _NCH)
      def _():
        start(c0 + 2, 0)

      wait(1)
      accs = _chunk_sum_reg(buf1, accs, _CH // _L)

      @pl.when(c0 + 3 < _NCH)
      def _():
        start(c0 + 3, 1)

      return accs

    accs = lax.fori_loop(0, _NCH // 2, pair_body, (zero,) * _NACC)
    stage[...] = _tree_sum(accs)

    if extra:
      @pl.when(wid < extra)
      def _():
        pltpu.make_async_copy(
            vals.at[pl.ds(0, _CH)], bufx, semx).wait()
        t = _chunk_sum_reg(bufx, (zero,) * _NACC, _CH // _L)
        stage[...] = stage[...] + _tree_sum(t)
    if rem:
      @pl.when(wid == nw - 1)
      def _():
        pltpu.make_async_copy(
            vals.at[pl.ds(0, rem)], bufx.at[pl.ds(0, rem)], semx).wait()
        t = _chunk_sum_reg(bufx, (zero,) * _NACC, rem_vecs)
        stage[...] = stage[...] + _tree_sum(t)

    pltpu.sync_copy(stage, out.at[wid])

  return ksum


_SUB = 32768


@functools.cache
def _build_tc(n, length):
  nch = length // _TCB
  assert nch >= _NBUF

  def body(vals, out, acc, *rest):
    bufs = rest[:_NBUF]
    sems = rest[_NBUF:]

    def start(c, b):
      pltpu.make_async_copy(
          vals.at[pl.ds(c * _TCB, _TCB)], bufs[b], sems[b]).start()

    def wait(b):
      pltpu.make_async_copy(
          vals.at[pl.ds(0, _TCB)], bufs[b], sems[b]).wait()

    acc[...] = jnp.zeros((8, 128), jnp.float32)
    for b in range(_NBUF):
      start(b, b)
    for c in range(nch):
      b = c % _NBUF

      def sub(j, _, b=b):
        x = bufs[b][pl.ds(j * _SUB, _SUB)].reshape(_SUB // 128, 128)
        parts = []
        for k in range(8):
          t = x[k * 32:k * 32 + 8, :]
          for r in range(1, 4):
            t = t + x[k * 32 + r * 8:k * 32 + (r + 1) * 8, :]
          parts.append(t)
        acc[...] = acc[...] + _tree_sum(parts)
        return 0

      wait(b)
      lax.fori_loop(0, _TCB // _SUB, sub, 0)
      if c + _NBUF < nch:
        start(c + _NBUF, b)
    out[0, 0] = jnp.sum(acc[...])

  return pl.pallas_call(
      body,
      in_specs=[pl.BlockSpec(memory_space=pl.ANY)],
      out_specs=pl.BlockSpec(memory_space=pltpu.SMEM),
      out_shape=jax.ShapeDtypeStruct((1, 1), jnp.float32),
      scratch_shapes=(
          [pltpu.VMEM((8, 128), jnp.float32)]
          + [pltpu.VMEM((_TCB,), jnp.float32) for _ in range(_NBUF)]
          + [pltpu.SemaphoreType.DMA for _ in range(_NBUF)]
      ),
  )


def kernel(values, indices):
  del indices
  n = values.shape[0]
  info = plsc.get_sparse_core_info()
  nw = info.num_cores * info.num_subcores
  sc_min = nw * _NCH * _CH
  tc_len = ((n - sc_min) // _TCB) * _TCB
  sc_partials = _build_sc(tc_len, n - tc_len)(values)
  tc_part = _build_tc(n, tc_len)(values)
  return jnp.sum(sc_partials) + tc_part[0, 0]

# --- scband reference (transcript-rebuilt; emitter-appended) ---
"""Pipeline reference for scband-sparse-sum-op-73710228734303 (READ-ONLY COPY).

The authoritative reference and input builder live on the scoring server;
editing this copy changes nothing except your own understanding.
"""

import jax, jax.numpy as jnp
import numpy as np

NNZ = 4294967
N = 65536

def setup_inputs(seed: int = 0) -> dict:
    key = jax.random.key(seed)
    k1, k2 = jax.random.split(key)
    values = jax.random.normal(k1, (NNZ,), dtype=jnp.float32)
    indices = jax.random.randint(k2, (2, NNZ), 0, N, dtype=jnp.int64)
    return {"values": values, "indices": indices}

def reference(values, indices):
    # torch.sparse.sum(x) with no dim argument sums ALL nonzero values of the
    # sparse COO tensor, returning a 0-dim dense tensor. For an (un)coalesced
    # COO tensor this equals the sum of the values array (duplicate indices
    # accumulate additively, so summing raw values is exact).
    # indices participate only in defining the sparse structure; the full
    # reduction does not depend on them numerically.
    return jnp.sum(values)

if __name__ == "__main__":
    import jax
    _d = setup_inputs()
    print(jax.jit(kernel)(*tuple(_d.values())))

</pallas_src>

<mosaic_0001>
#map = affine_map<(d0, d1) -> (0)>
#map1 = affine_map<(d0, d1) -> (0, 0)>
module attributes {stable_mosaic.version = 14 : i64} {
  func.func @ksum(%arg0: i32, %arg1: i32, %arg2: memref<4294967xf32, #tpu.memory_space<hbm>>, %arg3: memref<32x16xf32, #tpu.memory_space<hbm>>, %arg4: memref<8192xf32, #tpu.memory_space<vmem>>, %arg5: memref<8192xf32, #tpu.memory_space<vmem>>, %arg6: memref<8192xf32, #tpu.memory_space<vmem>>, %arg7: memref<16xf32, #tpu.memory_space<vmem>>, %arg8: memref<!tpu.dma_semaphore, #tpu.memory_space<semaphore_mem>>, %arg9: memref<!tpu.dma_semaphore, #tpu.memory_space<semaphore_mem>>, %arg10: memref<!tpu.dma_semaphore, #tpu.memory_space<semaphore_mem>>) attributes {dimension_semantics = [#tpu.dimension_semantics<core_parallel>, #tpu.dimension_semantics<subcore_parallel>], iteration_bounds = array<i64: 2, 16>, scalar_prefetch = 0 : i64, scratch_operands = 7 : i64, tpu.core_type = #tpu.core_type<sc_vector_subcore>, window_params = [{transform_indices = #map}, {transform_indices = #map1}]} {
    %mul3A = arith.constant 2 : i32
    %mul3A_0 = arith.muli %arg1, %mul3A : i32
    %add3A = arith.addi %mul3A_0, %arg0 : i32
    %mul3A_1 = arith.constant 16384 : i32
    %mul3A_2 = arith.muli %add3A, %mul3A_1 : i32
    %add3A_3 = arith.constant 3670016 : i32
    %add3A_4 = arith.addi %add3A_3, %mul3A_2 : i32
    %broadcast_in_dim3A = arith.constant 0.000000e+00 : f32
    %broadcast_in_dim3A_5 = vector.broadcast %broadcast_in_dim3A : f32 to vector<16xf32>
    %lt3A = arith.constant 12 : i32
    %lt3A_6 = arith.cmpi slt, %add3A, %lt3A : i32
    %convert_element_type3A = arith.extui %lt3A_6 : i1 to i32
    %cond3A = arith.constant 0 : i32
    %cond3A_7 = arith.cmpi ne, %convert_element_type3A, %cond3A : i32
    scf.if %cond3A_7 {
      %mul3A_75 = arith.constant 8192 : i32
      %mul3A_76 = arith.muli %add3A, %mul3A_75 : i32
      %add3A_77 = arith.constant 4194304 : i32
      %add3A_78 = arith.addi %add3A_77, %mul3A_76 : i32
      %dma_start3A_79 = tpu.memref_slice %arg2[%add3A_78] : memref<4294967xf32, #tpu.memory_space<hbm>> -> memref<8192xf32, #tpu.memory_space<hbm>>
      %dma_start3A_80 = tpu.memref_slice %arg2[%add3A_78] : memref<4294967xf32, #tpu.memory_space<hbm>> -> memref<8192xf32, #tpu.memory_space<hbm>>
      tpu.enqueue_dma source(%dma_start3A_80 : memref<8192xf32, #tpu.memory_space<hbm>>) target(%arg6 : memref<8192xf32, #tpu.memory_space<vmem>>) target_semaphore(%arg10 : memref<!tpu.dma_semaphore, #tpu.memory_space<semaphore_mem>>)
    } else {
    }
    %eq3A = arith.constant 31 : i32
    %eq3A_8 = arith.cmpi eq, %add3A, %eq3A : i32
    %convert_element_type3A_9 = arith.extui %eq3A_8 : i1 to i32
    %cond3A_10 = arith.constant 0 : i32
    %cond3A_11 = arith.cmpi ne, %convert_element_type3A_9, %cond3A_10 : i32
    scf.if %cond3A_11 {
      %swap3A_75 = arith.constant 2352 : index
      %swap3A_76 = tpu.vector_load %arg6[%swap3A_75] {strides = array<i32>} : memref<8192xf32, #tpu.memory_space<vmem>>, vector<16xf32>,
      %swap3A_77 = vector.shape_cast %swap3A_76 : vector<16xf32> to vector<16xf32>
      %swap3A_78 = vector.shape_cast %broadcast_in_dim3A_5 : vector<16xf32> to vector<16xf32>
      tpu.vector_store %arg6[%swap3A_75], %swap3A_78 {strides = array<i32>} : memref<8192xf32, #tpu.memory_space<vmem>>, vector<16xf32>,
      %dma_start3A_79 = arith.constant 0 : i32
      %dma_start3A_80 = tpu.memref_slice %arg6[%dma_start3A_79] : memref<8192xf32, #tpu.memory_space<vmem>> -> memref<2359xf32, #tpu.memory_space<vmem>>
      %dma_start3A_81 = arith.constant 4292608 : i32
      %dma_start3A_82 = tpu.memref_slice %arg2[%dma_start3A_81] : memref<4294967xf32, #tpu.memory_space<hbm>> -> memref<2359xf32, #tpu.memory_space<hbm>>
      %dma_start3A_83 = arith.constant 0 : i32
      %dma_start3A_84 = tpu.memref_slice %arg6[%dma_start3A_83] : memref<8192xf32, #tpu.memory_space<vmem>> -> memref<2359xf32, #tpu.memory_space<vmem>>
      %dma_start3A_85 = arith.constant 4292608 : i32
      %dma_start3A_86 = tpu.memref_slice %arg2[%dma_start3A_85] : memref<4294967xf32, #tpu.memory_space<hbm>> -> memref<2359xf32, #tpu.memory_space<hbm>>
      tpu.enqueue_dma source(%dma_start3A_86 : memref<2359xf32, #tpu.memory_space<hbm>>) target(%dma_start3A_84 : memref<2359xf32, #tpu.memory_space<vmem>>) target_semaphore(%arg10 : memref<!tpu.dma_semaphore, #tpu.memory_space<semaphore_mem>>)
    } else {
    }
    %add3A_12 = arith.constant 0 : i32
    %add3A_13 = arith.addi %add3A_4, %add3A_12 : i32
    %dma_start3A = tpu.memref_slice %arg2[%add3A_13] : memref<4294967xf32, #tpu.memory_space<hbm>> -> memref<8192xf32, #tpu.memory_space<hbm>>
    %dma_start3A_14 = tpu.memref_slice %arg2[%add3A_13] : memref<4294967xf32, #tpu.memory_space<hbm>> -> memref<8192xf32, #tpu.memory_space<hbm>>
    tpu.enqueue_dma source(%dma_start3A_14 : memref<8192xf32, #tpu.memory_space<hbm>>) target(%arg4 : memref<8192xf32, #tpu.memory_space<vmem>>) target_semaphore(%arg8 : memref<!tpu.dma_semaphore, #tpu.memory_space<semaphore_mem>>)
    %add3A_15 = arith.constant 8192 : i32
    %add3A_16 = arith.addi %add3A_4, %add3A_15 : i32
    %dma_start3A_17 = tpu.memref_slice %arg2[%add3A_16] : memref<4294967xf32, #tpu.memory_space<hbm>> -> memref<8192xf32, #tpu.memory_space<hbm>>
    %dma_start3A_18 = tpu.memref_slice %arg2[%add3A_16] : memref<4294967xf32, #tpu.memory_space<hbm>> -> memref<8192xf32, #tpu.memory_space<hbm>>
    tpu.enqueue_dma source(%dma_start3A_18 : memref<8192xf32, #tpu.memory_space<hbm>>) target(%arg5 : memref<8192xf32, #tpu.memory_space<vmem>>) target_semaphore(%arg9 : memref<!tpu.dma_semaphore, #tpu.memory_space<semaphore_mem>>)
    %scan3A = arith.constant 0 : i32
    %mul3A_19 = arith.constant 2 : i32
    %mul3A_20 = arith.muli %mul3A_19, %scan3A : i32
    %dma_wait3A = arith.constant 0 : i32
    %dma_wait3A_21 = tpu.memref_slice %arg2[%dma_wait3A] : memref<4294967xf32, #tpu.memory_space<hbm>> -> memref<8192xf32, #tpu.memory_space<hbm>>
    %dma_wait3A_22 = arith.constant 0 : i32
    %dma_wait3A_23 = tpu.memref_slice %arg2[%dma_wait3A_22] : memref<4294967xf32, #tpu.memory_space<hbm>> -> memref<8192xf32, #tpu.memory_space<hbm>>
    tpu.wait_dma2 semaphore(%arg8 : memref<!tpu.dma_semaphore, #tpu.memory_space<semaphore_mem>>) src(%dma_wait3A_23 : memref<8192xf32, #tpu.memory_space<hbm>>) dst(%arg4 : memref<8192xf32, #tpu.memory_space<vmem>>)
    %scan3A_24 = arith.constant 0 : i32
    %scan3A_25 = arith.constant 16 : i32
    %scan3A_26 = arith.addi %scan3A_24, %scan3A_25 : i32
    %scan3A_27 = arith.constant 1 : i32
    %scan3A_28:8 = scf.for %scan3A_75 = %scan3A_24 to %scan3A_26 step %scan3A_27 iter_args(%scan3A_76 = %broadcast_in_dim3A_5, %scan3A_77 = %broadcast_in_dim3A_5, %scan3A_78 = %broadcast_in_dim3A_5, %scan3A_79 = %broadcast_in_dim3A_5, %scan3A_80 = %broadcast_in_dim3A_5, %scan3A_81 = %broadcast_in_dim3A_5, %scan3A_82 = %broadcast_in_dim3A_5, %scan3A_83 = %broadcast_in_dim3A_5) -> (vector<16xf32>, vector<16xf32>, vector<16xf32>, vector<16xf32>, vector<16xf32>, vector<16xf32>, vector<16xf32>, vector<16xf32>)  : i32 {
      %mul3A_84 = arith.constant 512 : i32
      %mul3A_85 = arith.muli %scan3A_75, %mul3A_84 : i32
      %add3A_86 = arith.constant 0 : i32
      %add3A_87 = arith.addi %mul3A_85, %add3A_86 : i32
      %get3A = arith.index_cast %add3A_87 : i32 to index
      %get3A_88 = tpu.vector_load %arg4[%get3A] {strides = array<i32>} : memref<8192xf32, #tpu.memory_space<vmem>>, vector<16xf32>,
      %get3A_89 = vector.shape_cast %get3A_88 : vector<16xf32> to vector<16xf32>
      %add3A_90 = arith.constant 16 : i32
      %add3A_91 = arith.addi %mul3A_85, %add3A_90 : i32
      %get3A_92 = arith.index_cast %add3A_91 : i32 to index
      %get3A_93 = tpu.vector_load %arg4[%get3A_92] {strides = array<i32>} : memref<8192xf32, #tpu.memory_space<vmem>>, vector<16xf32>,
      %get3A_94 = vector.shape_cast %get3A_93 : vector<16xf32> to vector<16xf32>
      %add3A_95 = arith.constant 32 : i32
      %add3A_96 = arith.addi %mul3A_85, %add3A_95 : i32
      %get3A_97 = arith.index_cast %add3A_96 : i32 to index
      %get3A_98 = tpu.vector_load %arg4[%get3A_97] {strides = array<i32>} : memref<8192xf32, #tpu.memory_space<vmem>>, vector<16xf32>,
      %get3A_99 = vector.shape_cast %get3A_98 : vector<16xf32> to vector<16xf32>
      %add3A_100 = arith.constant 48 : i32
      %add3A_101 = arith.addi %mul3A_85, %add3A_100 : i32
      %get3A_102 = arith.index_cast %add3A_101 : i32 to index
      %get3A_103 = tpu.vector_load %arg4[%get3A_102] {strides = array<i32>} : memref<8192xf32, #tpu.memory_space<vmem>>, vector<16xf32>,
      %get3A_104 = vector.shape_cast %get3A_103 : vector<16xf32> to vector<16xf32>
      %add3A_105 = arith.constant 64 : i32
      %add3A_106 = arith.addi %mul3A_85, %add3A_105 : i32
      %get3A_107 = arith.index_cast %add3A_106 : i32 to index
      %get3A_108 = tpu.vector_load %arg4[%get3A_107] {strides = array<i32>} : memref<8192xf32, #tpu.memory_space<vmem>>, vector<16xf32>,
      %get3A_109 = vector.shape_cast %get3A_108 : vector<16xf32> to vector<16xf32>
      %add3A_110 = arith.constant 80 : i32
      %add3A_111 = arith.addi %mul3A_85, %add3A_110 : i32
      %get3A_112 = arith.index_cast %add3A_111 : i32 to index
      %get3A_113 = tpu.vector_load %arg4[%get3A_112] {strides = array<i32>} : memref<8192xf32, #tpu.memory_space<vmem>>, vector<16xf32>,
      %get3A_114 = vector.shape_cast %get3A_113 : vector<16xf32> to vector<16xf32>
      %add3A_115 = arith.constant 96 : i32
      %add3A_116 = arith.addi %mul3A_85, %add3A_115 : i32
      %get3A_117 = arith.index_cast %add3A_116 : i32 to index
      %get3A_118 = tpu.vector_load %arg4[%get3A_117] {strides = array<i32>} : memref<8192xf32, #tpu.memory_space<vmem>>, vector<16xf32>,
      %get3A_119 = vector.shape_cast %get3A_118 : vector<16xf32> to vector<16xf32>
      %add3A_120 = arith.constant 112 : i32
      %add3A_121 = arith.addi %mul3A_85, %add3A_120 : i32
      %get3A_122 = arith.index_cast %add3A_121 : i32 to index
      %get3A_123 = tpu.vector_load %arg4[%get3A_122] {strides = array<i32>} : memref<8192xf32, #tpu.memory_space<vmem>>, vector<16xf32>,
      %get3A_124 = vector.shape_cast %get3A_123 : vector<16xf32> to vector<16xf32>
      %add3A_125 = arith.constant 128 : i32
      %add3A_126 = arith.addi %mul3A_85, %add3A_125 : i32
      %get3A_127 = arith.index_cast %add3A_126 : i32 to index
      %get3A_128 = tpu.vector_load %arg4[%get3A_127] {strides = array<i32>} : memref<8192xf32, #tpu.memory_space<vmem>>, vector<16xf32>,
      %get3A_129 = vector.shape_cast %get3A_128 : vector<16xf32> to vector<16xf32>
      %add3A_130 = arith.constant 144 : i32
      %add3A_131 = arith.addi %mul3A_85, %add3A_130 : i32
      %get3A_132 = arith.index_cast %add3A_131 : i32 to index
      %get3A_133 = tpu.vector_load %arg4[%get3A_132] {strides = array<i32>} : memref<8192xf32, #tpu.memory_space<vmem>>, vector<16xf32>,
      %get3A_134 = vector.shape_cast %get3A_133 : vector<16xf32> to vector<16xf32>
      %add3A_135 = arith.constant 160 : i32
      %add3A_136 = arith.addi %mul3A_85, %add3A_135 : i32
      %get3A_137 = arith.index_cast %add3A_136 : i32 to index
      %get3A_138 = tpu.vector_load %arg4[%get3A_137] {strides = array<i32>} : memref<8192xf32, #tpu.memory_space<vmem>>, vector<16xf32>,
      %get3A_139 = vector.shape_cast %get3A_138 : vector<16xf32> to vector<16xf32>
      %add3A_140 = arith.constant 176 : i32
      %add3A_141 = arith.addi %mul3A_85, %add3A_140 : i32
      %get3A_142 = arith.index_cast %add3A_141 : i32 to index
      %get3A_143 = tpu.vector_load %arg4[%get3A_142] {strides = array<i32>} : memref<8192xf32, #tpu.memory_space<vmem>>, vector<16xf32>,
      %get3A_144 = vector.shape_cast %get3A_143 : vector<16xf32> to vector<16xf32>
      %add3A_145 = arith.constant 192 : i32
      %add3A_146 = arith.addi %mul3A_85, %add3A_145 : i32
      %get3A_147 = arith.index_cast %add3A_146 : i32 to index
      %get3A_148 = tpu.vector_load %arg4[%get3A_147] {strides = array<i32>} : memref<8192xf32, #tpu.memory_space<vmem>>, vector<16xf32>,
      %get3A_149 = vector.shape_cast %get3A_148 : vector<16xf32> to vector<16xf32>
      %add3A_150 = arith.constant 208 : i32
      %add3A_151 = arith.addi %mul3A_85, %add3A_150 : i32
      %get3A_152 = arith.index_cast %add3A_151 : i32 to index
      %get3A_153 = tpu.vector_load %arg4[%get3A_152] {strides = array<i32>} : memref<8192xf32, #tpu.memory_space<vmem>>, vector<16xf32>,
      %get3A_154 = vector.shape_cast %get3A_153 : vector<16xf32> to vector<16xf32>
      %add3A_155 = arith.constant 224 : i32
      %add3A_156 = arith.addi %mul3A_85, %add3A_155 : i32
      %get3A_157 = arith.index_cast %add3A_156 : i32 to index
      %get3A_158 = tpu.vector_load %arg4[%get3A_157] {strides = array<i32>} : memref<8192xf32, #tpu.memory_space<vmem>>, vector<16xf32>,
      %get3A_159 = vector.shape_cast %get3A_158 : vector<16xf32> to vector<16xf32>
      %add3A_160 = arith.constant 240 : i32
      %add3A_161 = arith.addi %mul3A_85, %add3A_160 : i32
      %get3A_162 = arith.index_cast %add3A_161 : i32 to index
      %get3A_163 = tpu.vector_load %arg4[%get3A_162] {strides = array<i32>} : memref<8192xf32, #tpu.memory_space<vmem>>, vector<16xf32>,
      %get3A_164 = vector.shape_cast %get3A_163 : vector<16xf32> to vector<16xf32>
      %add3A_165 = arith.constant 256 : i32
      %add3A_166 = arith.addi %mul3A_85, %add3A_165 : i32
      %get3A_167 = arith.index_cast %add3A_166 : i32 to index
      %get3A_168 = tpu.vector_load %arg4[%get3A_167] {strides = array<i32>} : memref<8192xf32, #tpu.memory_space<vmem>>, vector<16xf32>,
      %get3A_169 = vector.shape_cast %get3A_168 : vector<16xf32> to vector<16xf32>
      %add3A_170 = arith.constant 272 : i32
      %add3A_171 = arith.addi %mul3A_85, %add3A_170 : i32
      %get3A_172 = arith.index_cast %add3A_171 : i32 to index
      %get3A_173 = tpu.vector_load %arg4[%get3A_172] {strides = array<i32>} : memref<8192xf32, #tpu.memory_space<vmem>>, vector<16xf32>,
      %get3A_174 = vector.shape_cast %get3A_173 : vector<16xf32> to vector<16xf32>
      %add3A_175 = arith.constant 288 : i32
      %add3A_176 = arith.addi %mul3A_85, %add3A_175 : i32
      %get3A_177 = arith.index_cast %add3A_176 : i32 to index
      %get3A_178 = tpu.vector_load %arg4[%get3A_177] {strides = array<i32>} : memref<8192xf32, #tpu.memory_space<vmem>>, vector<16xf32>,
      %get3A_179 = vector.shape_cast %get3A_178 : vector<16xf32> to vector<16xf32>
      %add3A_180 = arith.constant 304 : i32
      %add3A_181 = arith.addi %mul3A_85, %add3A_180 : i32
      %get3A_182 = arith.index_cast %add3A_181 : i32 to index
      %get3A_183 = tpu.vector_load %arg4[%get3A_182] {strides = array<i32>} : memref<8192xf32, #tpu.memory_space<vmem>>, vector<16xf32>,
      %get3A_184 = vector.shape_cast %get3A_183 : vector<16xf32> to vector<16xf32>
      %add3A_185 = arith.constant 320 : i32
      %add3A_186 = arith.addi %mul3A_85, %add3A_185 : i32
      %get3A_187 = arith.index_cast %add3A_186 : i32 to index
      %get3A_188 = tpu.vector_load %arg4[%get3A_187] {strides = array<i32>} : memref<8192xf32, #tpu.memory_space<vmem>>, vector<16xf32>,
      %get3A_189 = vector.shape_cast %get3A_188 : vector<16xf32> to vector<16xf32>
      %add3A_190 = arith.constant 336 : i32
      %add3A_191 = arith.addi %mul3A_85, %add3A_190 : i32
      %get3A_192 = arith.index_cast %add3A_191 : i32 to index
      %get3A_193 = tpu.vector_load %arg4[%get3A_192] {strides = array<i32>} : memref<8192xf32, #tpu.memory_space<vmem>>, vector<16xf32>,
      %get3A_194 = vector.shape_cast %get3A_193 : vector<16xf32> to vector<16xf32>
      %add3A_195 = arith.constant 352 : i32
      %add3A_196 = arith.addi %mul3A_85, %add3A_195 : i32
      %get3A_197 = arith.index_cast %add3A_196 : i32 to index
      %get3A_198 = tpu.vector_load %arg4[%get3A_197] {strides = array<i32>} : memref<8192xf32, #tpu.memory_space<vmem>>, vector<16xf32>,
      %get3A_199 = vector.shape_cast %get3A_198 : vector<16xf32> to vector<16xf32>
      %add3A_200 = arith.constant 368 : i32
      %add3A_201 = arith.addi %mul3A_85, %add3A_200 : i32
      %get3A_202 = arith.index_cast %add3A_201 : i32 to index
      %get3A_203 = tpu.vector_load %arg4[%get3A_202] {strides = array<i32>} : memref<8192xf32, #tpu.memory_space<vmem>>, vector<16xf32>,
      %get3A_204 = vector.shape_cast %get3A_203 : vector<16xf32> to vector<16xf32>
      %add3A_205 = arith.constant 384 : i32
      %add3A_206 = arith.addi %mul3A_85, %add3A_205 : i32
      %get3A_207 = arith.index_cast %add3A_206 : i32 to index
      %get3A_208 = tpu.vector_load %arg4[%get3A_207] {strides = array<i32>} : memref<8192xf32, #tpu.memory_space<vmem>>, vector<16xf32>,
      %get3A_209 = vector.shape_cast %get3A_208 : vector<16xf32> to vector<16xf32>
      %add3A_210 = arith.constant 400 : i32
      %add3A_211 = arith.addi %mul3A_85, %add3A_210 : i32
      %get3A_212 = arith.index_cast %add3A_211 : i32 to index
      %get3A_213 = tpu.vector_load %arg4[%get3A_212] {strides = array<i32>} : memref<8192xf32, #tpu.memory_space<vmem>>, vector<16xf32>,
      %get3A_214 = vector.shape_cast %get3A_213 : vector<16xf32> to vector<16xf32>
      %add3A_215 = arith.constant 416 : i32
      %add3A_216 = arith.addi %mul3A_85, %add3A_215 : i32
      %get3A_217 = arith.index_cast %add3A_216 : i32 to index
      %get3A_218 = tpu.vector_load %arg4[%get3A_217] {strides = array<i32>} : memref<8192xf32, #tpu.memory_space<vmem>>, vector<16xf32>,
      %get3A_219 = vector.shape_cast %get3A_218 : vector<16xf32> to vector<16xf32>
      %add3A_220 = arith.constant 432 : i32
      %add3A_221 = arith.addi %mul3A_85, %add3A_220 : i32
      %get3A_222 = arith.index_cast %add3A_221 : i32 to index
      %get3A_223 = tpu.vector_load %arg4[%get3A_222] {strides = array<i32>} : memref<8192xf32, #tpu.memory_space<vmem>>, vector<16xf32>,
      %get3A_224 = vector.shape_cast %get3A_223 : vector<16xf32> to vector<16xf32>
      %add3A_225 = arith.constant 448 : i32
      %add3A_226 = arith.addi %mul3A_85, %add3A_225 : i32
      %get3A_227 = arith.index_cast %add3A_226 : i32 to index
      %get3A_228 = tpu.vector_load %arg4[%get3A_227] {strides = array<i32>} : memref<8192xf32, #tpu.memory_space<vmem>>, vector<16xf32>,
      %get3A_229 = vector.shape_cast %get3A_228 : vector<16xf32> to vector<16xf32>
      %add3A_230 = arith.constant 464 : i32
      %add3A_231 = arith.addi %mul3A_85, %add3A_230 : i32
      %get3A_232 = arith.index_cast %add3A_231 : i32 to index
      %get3A_233 = tpu.vector_load %arg4[%get3A_232] {strides = array<i32>} : memref<8192xf32, #tpu.memory_space<vmem>>, vector<16xf32>,
      %get3A_234 = vector.shape_cast %get3A_233 : vector<16xf32> to vector<16xf32>
      %add3A_235 = arith.constant 480 : i32
      %add3A_236 = arith.addi %mul3A_85, %add3A_235 : i32
      %get3A_237 = arith.index_cast %add3A_236 : i32 to index
      %get3A_238 = tpu.vector_load %arg4[%get3A_237] {strides = array<i32>} : memref<8192xf32, #tpu.memory_space<vmem>>, vector<16xf32>,
      %get3A_239 = vector.shape_cast %get3A_238 : vector<16xf32> to vector<16xf32>
      %add3A_240 = arith.constant 496 : i32
      %add3A_241 = arith.addi %mul3A_85, %add3A_240 : i32
      %get3A_242 = arith.index_cast %add3A_241 : i32 to index
      %get3A_243 = tpu.vector_load %arg4[%get3A_242] {strides = array<i32>} : memref<8192xf32, #tpu.memory_space<vmem>>, vector<16xf32>,
      %get3A_244 = vector.shape_cast %get3A_243 : vector<16xf32> to vector<16xf32>
      %add3A_245 = arith.addf %scan3A_76, %get3A_89 : vector<16xf32>
      %add3A_246 = arith.addf %scan3A_77, %get3A_94 : vector<16xf32>
      %add3A_247 = arith.addf %scan3A_78, %get3A_99 : vector<16xf32>
      %add3A_248 = arith.addf %scan3A_79, %get3A_104 : vector<16xf32>
      %add3A_249 = arith.addf %scan3A_80, %get3A_109 : vector<16xf32>
      %add3A_250 = arith.addf %scan3A_81, %get3A_114 : vector<16xf32>
      %add3A_251 = arith.addf %scan3A_82, %get3A_119 : vector<16xf32>
      %add3A_252 = arith.addf %scan3A_83, %get3A_124 : vector<16xf32>
      %add3A_253 = arith.addf %add3A_245, %get3A_129 : vector<16xf32>
      %add3A_254 = arith.addf %add3A_246, %get3A_134 : vector<16xf32>
      %add3A_255 = arith.addf %add3A_247, %get3A_139 : vector<16xf32>
      %add3A_256 = arith.addf %add3A_248, %get3A_144 : vector<16xf32>
      %add3A_257 = arith.addf %add3A_249, %get3A_149 : vector<16xf32>
      %add3A_258 = arith.addf %add3A_250, %get3A_154 : vector<16xf32>
      %add3A_259 = arith.addf %add3A_251, %get3A_159 : vector<16xf32>
      %add3A_260 = arith.addf %add3A_252, %get3A_164 : vector<16xf32>
      %add3A_261 = arith.addf %add3A_253, %get3A_169 : vector<16xf32>
      %add3A_262 = arith.addf %add3A_254, %get3A_174 : vector<16xf32>
      %add3A_263 = arith.addf %add3A_255, %get3A_179 : vector<16xf32>
      %add3A_264 = arith.addf %add3A_256, %get3A_184 : vector<16xf32>
      %add3A_265 = arith.addf %add3A_257, %get3A_189 : vector<16xf32>
      %add3A_266 = arith.addf %add3A_258, %get3A_194 : vector<16xf32>
      %add3A_267 = arith.addf %add3A_259, %get3A_199 : vector<16xf32>
      %add3A_268 = arith.addf %add3A_260, %get3A_204 : vector<16xf32>
      %add3A_269 = arith.addf %add3A_261, %get3A_209 : vector<16xf32>
      %add3A_270 = arith.addf %add3A_262, %get3A_214 : vector<16xf32>
      %add3A_271 = arith.addf %add3A_263, %get3A_219 : vector<16xf32>
      %add3A_272 = arith.addf %add3A_264, %get3A_224 : vector<16xf32>
      %add3A_273 = arith.addf %add3A_265, %get3A_229 : vector<16xf32>
      %add3A_274 = arith.addf %add3A_266, %get3A_234 : vector<16xf32>
      %add3A_275 = arith.addf %add3A_267, %get3A_239 : vector<16xf32>
      %add3A_276 = arith.addf %add3A_268, %get3A_244 : vector<16xf32>
      scf.yield %add3A_269, %add3A_270, %add3A_271, %add3A_272, %add3A_273, %add3A_274, %add3A_275, %add3A_276 : vector<16xf32>, vector<16xf32>, vector<16xf32>, vector<16xf32>, vector<16xf32>, vector<16xf32>, vector<16xf32>, vector<16xf32>
    }
    %scan3A_29 = arith.constant 16 : i32
    %add3A_30 = arith.constant 2 : i32
    %add3A_31 = arith.addi %mul3A_20, %add3A_30 : i32
    %lt3A_32 = arith.constant 2 : i32
    %lt3A_33 = arith.cmpi slt, %add3A_31, %lt3A_32 : i32
    %convert_element_type3A_34 = arith.extui %lt3A_33 : i1 to i32
    %cond3A_35 = arith.constant 0 : i32
    %cond3A_36 = arith.cmpi ne, %convert_element_type3A_34, %cond3A_35 : i32
    scf.if %cond3A_36 {
      %add3A_75 = arith.constant 2 : i32
      %add3A_76 = arith.addi %mul3A_20, %add3A_75 : i32
      %mul3A_77 = arith.constant 8192 : i32
      %mul3A_78 = arith.muli %add3A_76, %mul3A_77 : i32
      %add3A_79 = arith.addi %add3A_4, %mul3A_78 : i32
      %dma_start3A_80 = tpu.memref_slice %arg2[%add3A_79] : memref<4294967xf32, #tpu.memory_space<hbm>> -> memref<8192xf32, #tpu.memory_space<hbm>>
      %dma_start3A_81 = tpu.memref_slice %arg2[%add3A_79] : memref<4294967xf32, #tpu.memory_space<hbm>> -> memref<8192xf32, #tpu.memory_space<hbm>>
      tpu.enqueue_dma source(%dma_start3A_81 : memref<8192xf32, #tpu.memory_space<hbm>>) target(%arg4 : memref<8192xf32, #tpu.memory_space<vmem>>) target_semaphore(%arg8 : memref<!tpu.dma_semaphore, #tpu.memory_space<semaphore_mem>>)
    } else {
    }
    %dma_wait3A_37 = arith.constant 0 : i32
    %dma_wait3A_38 = tpu.memref_slice %arg2[%dma_wait3A_37] : memref<4294967xf32, #tpu.memory_space<hbm>> -> memref<8192xf32, #tpu.memory_space<hbm>>
    %dma_wait3A_39 = arith.constant 0 : i32
    %dma_wait3A_40 = tpu.memref_slice %arg2[%dma_wait3A_39] : memref<4294967xf32, #tpu.memory_space<hbm>> -> memref<8192xf32, #tpu.memory_space<hbm>>
    tpu.wait_dma2 semaphore(%arg9 : memref<!tpu.dma_semaphore, #tpu.memory_space<semaphore_mem>>) src(%dma_wait3A_40 : memref<8192xf32, #tpu.memory_space<hbm>>) dst(%arg5 : memref<8192xf32, #tpu.memory_space<vmem>>)
    %scan3A_41 = arith.constant 0 : i32
    %scan3A_42 = arith.constant 16 : i32
    %scan3A_43 = arith.addi %scan3A_41, %scan3A_42 : i32
    %scan3A_44 = arith.constant 1 : i32
    %scan3A_45:8 = scf.for %scan3A_75 = %scan3A_41 to %scan3A_43 step %scan3A_44 iter_args(%scan3A_76 = %scan3A_28#0, %scan3A_77 = %scan3A_28#1, %scan3A_78 = %scan3A_28#2, %scan3A_79 = %scan3A_28#3, %scan3A_80 = %scan3A_28#4, %scan3A_81 = %scan3A_28#5, %scan3A_82 = %scan3A_28#6, %scan3A_83 = %scan3A_28#7) -> (vector<16xf32>, vector<16xf32>, vector<16xf32>, vector<16xf32>, vector<16xf32>, vector<16xf32>, vector<16xf32>, vector<16xf32>)  : i32 {
      %mul3A_84 = arith.constant 512 : i32
      %mul3A_85 = arith.muli %scan3A_75, %mul3A_84 : i32
      %add3A_86 = arith.constant 0 : i32
      %add3A_87 = arith.addi %mul3A_85, %add3A_86 : i32
      %get3A = arith.index_cast %add3A_87 : i32 to index
      %get3A_88 = tpu.vector_load %arg5[%get3A] {strides = array<i32>} : memref<8192xf32, #tpu.memory_space<vmem>>, vector<16xf32>,
      %get3A_89 = vector.shape_cast %get3A_88 : vector<16xf32> to vector<16xf32>
      %add3A_90 = arith.constant 16 : i32
      %add3A_91 = arith.addi %mul3A_85, %add3A_90 : i32
      %get3A_92 = arith.index_cast %add3A_91 : i32 to index
      %get3A_93 = tpu.vector_load %arg5[%get3A_92] {strides = array<i32>} : memref<8192xf32, #tpu.memory_space<vmem>>, vector<16xf32>,
      %get3A_94 = vector.shape_cast %get3A_93 : vector<16xf32> to vector<16xf32>
      %add3A_95 = arith.constant 32 : i32
      %add3A_96 = arith.addi %mul3A_85, %add3A_95 : i32
      %get3A_97 = arith.index_cast %add3A_96 : i32 to index
      %get3A_98 = tpu.vector_load %arg5[%get3A_97] {strides = array<i32>} : memref<8192xf32, #tpu.memory_space<vmem>>, vector<16xf32>,
      %get3A_99 = vector.shape_cast %get3A_98 : vector<16xf32> to vector<16xf32>
      %add3A_100 = arith.constant 48 : i32
      %add3A_101 = arith.addi %mul3A_85, %add3A_100 : i32
      %get3A_102 = arith.index_cast %add3A_101 : i32 to index
      %get3A_103 = tpu.vector_load %arg5[%get3A_102] {strides = array<i32>} : memref<8192xf32, #tpu.memory_space<vmem>>, vector<16xf32>,
      %get3A_104 = vector.shape_cast %get3A_103 : vector<16xf32> to vector<16xf32>
      %add3A_105 = arith.constant 64 : i32
      %add3A_106 = arith.addi %mul3A_85, %add3A_105 : i32
      %get3A_107 = arith.index_cast %add3A_106 : i32 to index
      %get3A_108 = tpu.vector_load %arg5[%get3A_107] {strides = array<i32>} : memref<8192xf32, #tpu.memory_space<vmem>>, vector<16xf32>,
      %get3A_109 = vector.shape_cast %get3A_108 : vector<16xf32> to vector<16xf32>
      %add3A_110 = arith.constant 80 : i32
      %add3A_111 = arith.addi %mul3A_85, %add3A_110 : i32
      %get3A_112 = arith.index_cast %add3A_111 : i32 to index
      %get3A_113 = tpu.vector_load %arg5[%get3A_112] {strides = array<i32>} : memref<8192xf32, #tpu.memory_space<vmem>>, vector<16xf32>,
      %get3A_114 = vector.shape_cast %get3A_113 : vector<16xf32> to vector<16xf32>
      %add3A_115 = arith.constant 96 : i32
      %add3A_116 = arith.addi %mul3A_85, %add3A_115 : i32
      %get3A_117 = arith.index_cast %add3A_116 : i32 to index
      %get3A_118 = tpu.vector_load %arg5[%get3A_117] {strides = array<i32>} : memref<8192xf32, #tpu.memory_space<vmem>>, vector<16xf32>,
      %get3A_119 = vector.shape_cast %get3A_118 : vector<16xf32> to vector<16xf32>
      %add3A_120 = arith.constant 112 : i32
      %add3A_121 = arith.addi %mul3A_85, %add3A_120 : i32
      %get3A_122 = arith.index_cast %add3A_121 : i32 to index
      %get3A_123 = tpu.vector_load %arg5[%get3A_122] {strides = array<i32>} : memref<8192xf32, #tpu.memory_space<vmem>>, vector<16xf32>,
      %get3A_124 = vector.shape_cast %get3A_123 : vector<16xf32> to vector<16xf32>
      %add3A_125 = arith.constant 128 : i32
      %add3A_126 = arith.addi %mul3A_85, %add3A_125 : i32
      %get3A_127 = arith.index_cast %add3A_126 : i32 to index
      %get3A_128 = tpu.vector_load %arg5[%get3A_127] {strides = array<i32>} : memref<8192xf32, #tpu.memory_space<vmem>>, vector<16xf32>,
      %get3A_129 = vector.shape_cast %get3A_128 : vector<16xf32> to vector<16xf32>
      %add3A_130 = arith.constant 144 : i32
      %add3A_131 = arith.addi %mul3A_85, %add3A_130 : i32
      %get3A_132 = arith.index_cast %add3A_131 : i32 to index
      %get3A_133 = tpu.vector_load %arg5[%get3A_132] {strides = array<i32>} : memref<8192xf32, #tpu.memory_space<vmem>>, vector<16xf32>,
      %get3A_134 = vector.shape_cast %get3A_133 : vector<16xf32> to vector<16xf32>
      %add3A_135 = arith.constant 160 : i32
      %add3A_136 = arith.addi %mul3A_85, %add3A_135 : i32
      %get3A_137 = arith.index_cast %add3A_136 : i32 to index
      %get3A_138 = tpu.vector_load %arg5[%get3A_137] {strides = array<i32>} : memref<8192xf32, #tpu.memory_space<vmem>>, vector<16xf32>,
      %get3A_139 = vector.shape_cast %get3A_138 : vector<16xf32> to vector<16xf32>
      %add3A_140 = arith.constant 176 : i32
      %add3A_141 = arith.addi %mul3A_85, %add3A_140 : i32
      %get3A_142 = arith.index_cast %add3A_141 : i32 to index
      %get3A_143 = tpu.vector_load %arg5[%get3A_142] {strides = array<i32>} : memref<8192xf32, #tpu.memory_space<vmem>>, vector<16xf32>,
      %get3A_144 = vector.shape_cast %get3A_143 : vector<16xf32> to vector<16xf32>
      %add3A_145 = arith.constant 192 : i32
      %add3A_146 = arith.addi %mul3A_85, %add3A_145 : i32
      %get3A_147 = arith.index_cast %add3A_146 : i32 to index
      %get3A_148 = tpu.vector_load %arg5[%get3A_147] {strides = array<i32>} : memref<8192xf32, #tpu.memory_space<vmem>>, vector<16xf32>,
      %get3A_149 = vector.shape_cast %get3A_148 : vector<16xf32> to vector<16xf32>
      %add3A_150 = arith.constant 208 : i32
      %add3A_151 = arith.addi %mul3A_85, %add3A_150 : i32
      %get3A_152 = arith.index_cast %add3A_151 : i32 to index
      %get3A_153 = tpu.vector_load %arg5[%get3A_152] {strides = array<i32>} : memref<8192xf32, #tpu.memory_space<vmem>>, vector<16xf32>,
      %get3A_154 = vector.shape_cast %get3A_153 : vector<16xf32> to vector<16xf32>
      %add3A_155 = arith.constant 224 : i32
      %add3A_156 = arith.addi %mul3A_85, %add3A_155 : i32
      %get3A_157 = arith.index_cast %add3A_156 : i32 to index
      %get3A_158 = tpu.vector_load %arg5[%get3A_157] {strides = array<i32>} : memref<8192xf32, #tpu.memory_space<vmem>>, vector<16xf32>,
      %get3A_159 = vector.shape_cast %get3A_158 : vector<16xf32> to vector<16xf32>
      %add3A_160 = arith.constant 240 : i32
      %add3A_161 = arith.addi %mul3A_85, %add3A_160 : i32
      %get3A_162 = arith.index_cast %add3A_161 : i32 to index
      %get3A_163 = tpu.vector_load %arg5[%get3A_162] {strides = array<i32>} : memref<8192xf32, #tpu.memory_space<vmem>>, vector<16xf32>,
      %get3A_164 = vector.shape_cast %get3A_163 : vector<16xf32> to vector<16xf32>
      %add3A_165 = arith.constant 256 : i32
      %add3A_166 = arith.addi %mul3A_85, %add3A_165 : i32
      %get3A_167 = arith.index_cast %add3A_166 : i32 to index
      %get3A_168 = tpu.vector_load %arg5[%get3A_167] {strides = array<i32>} : memref<8192xf32, #tpu.memory_space<vmem>>, vector<16xf32>,
      %get3A_169 = vector.shape_cast %get3A_168 : vector<16xf32> to vector<16xf32>
      %add3A_170 = arith.constant 272 : i32
      %add3A_171 = arith.addi %mul3A_85, %add3A_170 : i32
      %get3A_172 = arith.index_cast %add3A_171 : i32 to index
      %get3A_173 = tpu.vector_load %arg5[%get3A_172] {strides = array<i32>} : memref<8192xf32, #tpu.memory_space<vmem>>, vector<16xf32>,
      %get3A_174 = vector.shape_cast %get3A_173 : vector<16xf32> to vector<16xf32>
      %add3A_175 = arith.constant 288 : i32
      %add3A_176 = arith.addi %mul3A_85, %add3A_175 : i32
      %get3A_177 = arith.index_cast %add3A_176 : i32 to index
      %get3A_178 = tpu.vector_load %arg5[%get3A_177] {strides = array<i32>} : memref<8192xf32, #tpu.memory_space<vmem>>, vector<16xf32>,
      %get3A_179 = vector.shape_cast %get3A_178 : vector<16xf32> to vector<16xf32>
      %add3A_180 = arith.constant 304 : i32
      %add3A_181 = arith.addi %mul3A_85, %add3A_180 : i32
      %get3A_182 = arith.index_cast %add3A_181 : i32 to index
      %get3A_183 = tpu.vector_load %arg5[%get3A_182] {strides = array<i32>} : memref<8192xf32, #tpu.memory_space<vmem>>, vector<16xf32>,
      %get3A_184 = vector.shape_cast %get3A_183 : vector<16xf32> to vector<16xf32>
      %add3A_185 = arith.constant 320 : i32
      %add3A_186 = arith.addi %mul3A_85, %add3A_185 : i32
      %get3A_187 = arith.index_cast %add3A_186 : i32 to index
      %get3A_188 = tpu.vector_load %arg5[%get3A_187] {strides = array<i32>} : memref<8192xf32, #tpu.memory_space<vmem>>, vector<16xf32>,
      %get3A_189 = vector.shape_cast %get3A_188 : vector<16xf32> to vector<16xf32>
      %add3A_190 = arith.constant 336 : i32
      %add3A_191 = arith.addi %mul3A_85, %add3A_190 : i32
      %get3A_192 = arith.index_cast %add3A_191 : i32 to index
      %get3A_193 = tpu.vector_load %arg5[%get3A_192] {strides = array<i32>} : memref<8192xf32, #tpu.memory_space<vmem>>, vector<16xf32>,
      %get3A_194 = vector.shape_cast %get3A_193 : vector<16xf32> to vector<16xf32>
      %add3A_195 = arith.constant 352 : i32
      %add3A_196 = arith.addi %mul3A_85, %add3A_195 : i32
      %get3A_197 = arith.index_cast %add3A_196 : i32 to index
      %get3A_198 = tpu.vector_load %arg5[%get3A_197] {strides = array<i32>} : memref<8192xf32, #tpu.memory_space<vmem>>, vector<16xf32>,
      %get3A_199 = vector.shape_cast %get3A_198 : vector<16xf32> to vector<16xf32>
      %add3A_200 = arith.constant 368 : i32
      %add3A_201 = arith.addi %mul3A_85, %add3A_200 : i32
      %get3A_202 = arith.index_cast %add3A_201 : i32 to index
      %get3A_203 = tpu.vector_load %arg5[%get3A_202] {strides = array<i32>} : memref<8192xf32, #tpu.memory_space<vmem>>, vector<16xf32>,
      %get3A_204 = vector.shape_cast %get3A_203 : vector<16xf32> to vector<16xf32>
      %add3A_205 = arith.constant 384 : i32
      %add3A_206 = arith.addi %mul3A_85, %add3A_205 : i32
      %get3A_207 = arith.index_cast %add3A_206 : i32 to index
      %get3A_208 = tpu.vector_load %arg5[%get3A_207] {strides = array<i32>} : memref<8192xf32, #tpu.memory_space<vmem>>, vector<16xf32>,
      %get3A_209 = vector.shape_cast %get3A_208 : vector<16xf32> to vector<16xf32>
      %add3A_210 = arith.constant 400 : i32
      %add3A_211 = arith.addi %mul3A_85, %add3A_210 : i32
      %get3A_212 = arith.index_cast %add3A_211 : i32 to index
      %get3A_213 = tpu.vector_load %arg5[%get3A_212] {strides = array<i32>} : memref<8192xf32, #tpu.memory_space<vmem>>, vector<16xf32>,
      %get3A_214 = vector.shape_cast %get3A_213 : vector<16xf32> to vector<16xf32>
      %add3A_215 = arith.constant 416 : i32
      %add3A_216 = arith.addi %mul3A_85, %add3A_215 : i32
      %get3A_217 = arith.index_cast %add3A_216 : i32 to index
      %get3A_218 = tpu.vector_load %arg5[%get3A_217] {strides = array<i32>} : memref<8192xf32, #tpu.memory_space<vmem>>, vector<16xf32>,
      %get3A_219 = vector.shape_cast %get3A_218 : vector<16xf32> to vector<16xf32>
      %add3A_220 = arith.constant 432 : i32
      %add3A_221 = arith.addi %mul3A_85, %add3A_220 : i32
      %get3A_222 = arith.index_cast %add3A_221 : i32 to index
      %get3A_223 = tpu.vector_load %arg5[%get3A_222] {strides = array<i32>} : memref<8192xf32, #tpu.memory_space<vmem>>, vector<16xf32>,
      %get3A_224 = vector.shape_cast %get3A_223 : vector<16xf32> to vector<16xf32>
      %add3A_225 = arith.constant 448 : i32
      %add3A_226 = arith.addi %mul3A_85, %add3A_225 : i32
      %get3A_227 = arith.index_cast %add3A_226 : i32 to index
      %get3A_228 = tpu.vector_load %arg5[%get3A_227] {strides = array<i32>} : memref<8192xf32, #tpu.memory_space<vmem>>, vector<16xf32>,
      %get3A_229 = vector.shape_cast %get3A_228 : vector<16xf32> to vector<16xf32>
      %add3A_230 = arith.constant 464 : i32
      %add3A_231 = arith.addi %mul3A_85, %add3A_230 : i32
      %get3A_232 = arith.index_cast %add3A_231 : i32 to index
      %get3A_233 = tpu.vector_load %arg5[%get3A_232] {strides = array<i32>} : memref<8192xf32, #tpu.memory_space<vmem>>, vector<16xf32>,
      %get3A_234 = vector.shape_cast %get3A_233 : vector<16xf32> to vector<16xf32>
      %add3A_235 = arith.constant 480 : i32
      %add3A_236 = arith.addi %mul3A_85, %add3A_235 : i32
      %get3A_237 = arith.index_cast %add3A_236 : i32 to index
      %get3A_238 = tpu.vector_load %arg5[%get3A_237] {strides = array<i32>} : memref<8192xf32, #tpu.memory_space<vmem>>, vector<16xf32>,
      %get3A_239 = vector.shape_cast %get3A_238 : vector<16xf32> to vector<16xf32>
      %add3A_240 = arith.constant 496 : i32
      %add3A_241 = arith.addi %mul3A_85, %add3A_240 : i32
      %get3A_242 = arith.index_cast %add3A_241 : i32 to index
      %get3A_243 = tpu.vector_load %arg5[%get3A_242] {strides = array<i32>} : memref<8192xf32, #tpu.memory_space<vmem>>, vector<16xf32>,
      %get3A_244 = vector.shape_cast %get3A_243 : vector<16xf32> to vector<16xf32>
      %add3A_245 = arith.addf %scan3A_76, %get3A_89 : vector<16xf32>
      %add3A_246 = arith.addf %scan3A_77, %get3A_94 : vector<16xf32>
      %add3A_247 = arith.addf %scan3A_78, %get3A_99 : vector<16xf32>
      %add3A_248 = arith.addf %scan3A_79, %get3A_104 : vector<16xf32>
      %add3A_249 = arith.addf %scan3A_80, %get3A_109 : vector<16xf32>
      %add3A_250 = arith.addf %scan3A_81, %get3A_114 : vector<16xf32>
      %add3A_251 = arith.addf %scan3A_82, %get3A_119 : vector<16xf32>
      %add3A_252 = arith.addf %scan3A_83, %get3A_124 : vector<16xf32>
      %add3A_253 = arith.addf %add3A_245, %get3A_129 : vector<16xf32>
      %add3A_254 = arith.addf %add3A_246, %get3A_134 : vector<16xf32>
      %add3A_255 = arith.addf %add3A_247, %get3A_139 : vector<16xf32>
      %add3A_256 = arith.addf %add3A_248, %get3A_144 : vector<16xf32>
      %add3A_257 = arith.addf %add3A_249, %get3A_149 : vector<16xf32>
      %add3A_258 = arith.addf %add3A_250, %get3A_154 : vector<16xf32>
      %add3A_259 = arith.addf %add3A_251, %get3A_159 : vector<16xf32>
      %add3A_260 = arith.addf %add3A_252, %get3A_164 : vector<16xf32>
      %add3A_261 = arith.addf %add3A_253, %get3A_169 : vector<16xf32>
      %add3A_262 = arith.addf %add3A_254, %get3A_174 : vector<16xf32>
      %add3A_263 = arith.addf %add3A_255, %get3A_179 : vector<16xf32>
      %add3A_264 = arith.addf %add3A_256, %get3A_184 : vector<16xf32>
      %add3A_265 = arith.addf %add3A_257, %get3A_189 : vector<16xf32>
      %add3A_266 = arith.addf %add3A_258, %get3A_194 : vector<16xf32>
      %add3A_267 = arith.addf %add3A_259, %get3A_199 : vector<16xf32>
      %add3A_268 = arith.addf %add3A_260, %get3A_204 : vector<16xf32>
      %add3A_269 = arith.addf %add3A_261, %get3A_209 : vector<16xf32>
      %add3A_270 = arith.addf %add3A_262, %get3A_214 : vector<16xf32>
      %add3A_271 = arith.addf %add3A_263, %get3A_219 : vector<16xf32>
      %add3A_272 = arith.addf %add3A_264, %get3A_224 : vector<16xf32>
      %add3A_273 = arith.addf %add3A_265, %get3A_229 : vector<16xf32>
      %add3A_274 = arith.addf %add3A_266, %get3A_234 : vector<16xf32>
      %add3A_275 = arith.addf %add3A_267, %get3A_239 : vector<16xf32>
      %add3A_276 = arith.addf %add3A_268, %get3A_244 : vector<16xf32>
      scf.yield %add3A_269, %add3A_270, %add3A_271, %add3A_272, %add3A_273, %add3A_274, %add3A_275, %add3A_276 : vector<16xf32>, vector<16xf32>, vector<16xf32>, vector<16xf32>, vector<16xf32>, vector<16xf32>, vector<16xf32>, vector<16xf32>
    }
    %scan3A_46 = arith.constant 16 : i32
    %add3A_47 = arith.constant 3 : i32
    %add3A_48 = arith.addi %mul3A_20, %add3A_47 : i32
    %lt3A_49 = arith.constant 2 : i32
    %lt3A_50 = arith.cmpi slt, %add3A_48, %lt3A_49 : i32
    %convert_element_type3A_51 = arith.extui %lt3A_50 : i1 to i32
    %cond3A_52 = arith.constant 0 : i32
    %cond3A_53 = arith.cmpi ne, %convert_element_type3A_51, %cond3A_52 : i32
    scf.if %cond3A_53 {
      %add3A_75 = arith.constant 3 : i32
      %add3A_76 = arith.addi %mul3A_20, %add3A_75 : i32
      %mul3A_77 = arith.constant 8192 : i32
      %mul3A_78 = arith.muli %add3A_76, %mul3A_77 : i32
      %add3A_79 = arith.addi %add3A_4, %mul3A_78 : i32
      %dma_start3A_80 = tpu.memref_slice %arg2[%add3A_79] : memref<4294967xf32, #tpu.memory_space<hbm>> -> memref<8192xf32, #tpu.memory_space<hbm>>
      %dma_start3A_81 = tpu.memref_slice %arg2[%add3A_79] : memref<4294967xf32, #tpu.memory_space<hbm>> -> memref<8192xf32, #tpu.memory_space<hbm>>
      tpu.enqueue_dma source(%dma_start3A_81 : memref<8192xf32, #tpu.memory_space<hbm>>) target(%arg5 : memref<8192xf32, #tpu.memory_space<vmem>>) target_semaphore(%arg9 : memref<!tpu.dma_semaphore, #tpu.memory_space<semaphore_mem>>)
    } else {
    }
    %scan3A_54 = arith.constant 1 : i32
    %add3A_55 = arith.addf %scan3A_45#0, %scan3A_45#1 : vector<16xf32>
    %add3A_56 = arith.addf %scan3A_45#2, %scan3A_45#3 : vector<16xf32>
    %add3A_57 = arith.addf %scan3A_45#4, %scan3A_45#5 : vector<16xf32>
    %add3A_58 = arith.addf %scan3A_45#6, %scan3A_45#7 : vector<16xf32>
    %add3A_59 = arith.addf %add3A_55, %add3A_56 : vector<16xf32>
    %add3A_60 = arith.addf %add3A_57, %add3A_58 : vector<16xf32>
    %add3A_61 = arith.addf %add3A_59, %add3A_60 : vector<16xf32>
    %swap3A = arith.constant 0 : index
    %swap3A_62 = tpu.vector_load %arg7[%swap3A] {strides = array<i32>} : memref<16xf32, #tpu.memory_space<vmem>>, vector<16xf32>,
    %swap3A_63 = vector.shape_cast %swap3A_62 : vector<16xf32> to vector<16xf32>
    %swap3A_64 = vector.shape_cast %add3A_61 : vector<16xf32> to vector<16xf32>
    tpu.vector_store %arg7[%swap3A], %swap3A_64 {strides = array<i32>} : memref<16xf32, #tpu.memory_space<vmem>>, vector<16xf32>,
    %lt3A_65 = arith.constant 12 : i32
    %lt3A_66 = arith.cmpi slt, %add3A, %lt3A_65 : i32
    %convert_element_type3A_67 = arith.extui %lt3A_66 : i1 to i32
    %cond3A_68 = arith.constant 0 : i32
    %cond3A_69 = arith.cmpi ne, %convert_element_type3A_67, %cond3A_68 : i32
    scf.if %cond3A_69 {
      %dma_wait3A_75 = arith.constant 0 : i32
      %dma_wait3A_76 = tpu.memref_slice %arg2[%dma_wait3A_75] : memref<4294967xf32, #tpu.memory_space<hbm>> -> memref<8192xf32, #tpu.memory_space<hbm>>
      %dma_wait3A_77 = arith.constant 0 : i32
      %dma_wait3A_78 = tpu.memref_slice %arg2[%dma_wait3A_77] : memref<4294967xf32, #tpu.memory_space<hbm>> -> memref<8192xf32, #tpu.memory_space<hbm>>
      tpu.wait_dma2 semaphore(%arg10 : memref<!tpu.dma_semaphore, #tpu.memory_space<semaphore_mem>>) src(%dma_wait3A_78 : memref<8192xf32, #tpu.memory_space<hbm>>) dst(%arg6 : memref<8192xf32, #tpu.memory_space<vmem>>)
      %scan3A_79 = arith.constant 0 : i32
      %scan3A_80 = arith.constant 16 : i32
      %scan3A_81 = arith.addi %scan3A_79, %scan3A_80 : i32
      %scan3A_82 = arith.constant 1 : i32
      %scan3A_83:8 = scf.for %scan3A_99 = %scan3A_79 to %scan3A_81 step %scan3A_82 iter_args(%scan3A_100 = %broadcast_in_dim3A_5, %scan3A_101 = %broadcast_in_dim3A_5, %scan3A_102 = %broadcast_in_dim3A_5, %scan3A_103 = %broadcast_in_dim3A_5, %scan3A_104 = %broadcast_in_dim3A_5, %scan3A_105 = %broadcast_in_dim3A_5, %scan3A_106 = %broadcast_in_dim3A_5, %scan3A_107 = %broadcast_in_dim3A_5) -> (vector<16xf32>, vector<16xf32>, vector<16xf32>, vector<16xf32>, vector<16xf32>, vector<16xf32>, vector<16xf32>, vector<16xf32>)  : i32 {
        %mul3A_108 = arith.constant 512 : i32
        %mul3A_109 = arith.muli %scan3A_99, %mul3A_108 : i32
        %add3A_110 = arith.constant 0 : i32
        %add3A_111 = arith.addi %mul3A_109, %add3A_110 : i32
        %get3A_112 = arith.index_cast %add3A_111 : i32 to index
        %get3A_113 = tpu.vector_load %arg6[%get3A_112] {strides = array<i32>} : memref<8192xf32, #tpu.memory_space<vmem>>, vector<16xf32>,
        %get3A_114 = vector.shape_cast %get3A_113 : vector<16xf32> to vector<16xf32>
        %add3A_115 = arith.constant 16 : i32
        %add3A_116 = arith.addi %mul3A_109, %add3A_115 : i32
        %get3A_117 = arith.index_cast %add3A_116 : i32 to index
        %get3A_118 = tpu.vector_load %arg6[%get3A_117] {strides = array<i32>} : memref<8192xf32, #tpu.memory_space<vmem>>, vector<16xf32>,
        %get3A_119 = vector.shape_cast %get3A_118 : vector<16xf32> to vector<16xf32>
        %add3A_120 = arith.constant 32 : i32
        %add3A_121 = arith.addi %mul3A_109, %add3A_120 : i32
        %get3A_122 = arith.index_cast %add3A_121 : i32 to index
        %get3A_123 = tpu.vector_load %arg6[%get3A_122] {strides = array<i32>} : memref<8192xf32, #tpu.memory_space<vmem>>, vector<16xf32>,
        %get3A_124 = vector.shape_cast %get3A_123 : vector<16xf32> to vector<16xf32>
        %add3A_125 = arith.constant 48 : i32
        %add3A_126 = arith.addi %mul3A_109, %add3A_125 : i32
        %get3A_127 = arith.index_cast %add3A_126 : i32 to index
        %get3A_128 = tpu.vector_load %arg6[%get3A_127] {strides = array<i32>} : memref<8192xf32, #tpu.memory_space<vmem>>, vector<16xf32>,
        %get3A_129 = vector.shape_cast %get3A_128 : vector<16xf32> to vector<16xf32>
        %add3A_130 = arith.constant 64 : i32
        %add3A_131 = arith.addi %mul3A_109, %add3A_130 : i32
        %get3A_132 = arith.index_cast %add3A_131 : i32 to index
        %get3A_133 = tpu.vector_load %arg6[%get3A_132] {strides = array<i32>} : memref<8192xf32, #tpu.memory_space<vmem>>, vector<16xf32>,
        %get3A_134 = vector.shape_cast %get3A_133 : vector<16xf32> to vector<16xf32>
        %add3A_135 = arith.constant 80 : i32
        %add3A_136 = arith.addi %mul3A_109, %add3A_135 : i32
        %get3A_137 = arith.index_cast %add3A_136 : i32 to index
        %get3A_138 = tpu.vector_load %arg6[%get3A_137] {strides = array<i32>} : memref<8192xf32, #tpu.memory_space<vmem>>, vector<16xf32>,
        %get3A_139 = vector.shape_cast %get3A_138 : vector<16xf32> to vector<16xf32>
        %add3A_140 = arith.constant 96 : i32
        %add3A_141 = arith.addi %mul3A_109, %add3A_140 : i32
        %get3A_142 = arith.index_cast %add3A_141 : i32 to index
        %get3A_143 = tpu.vector_load %arg6[%get3A_142] {strides = array<i32>} : memref<8192xf32, #tpu.memory_space<vmem>>, vector<16xf32>,
        %get3A_144 = vector.shape_cast %get3A_143 : vector<16xf32> to vector<16xf32>
        %add3A_145 = arith.constant 112 : i32
        %add3A_146 = arith.addi %mul3A_109, %add3A_145 : i32
        %get3A_147 = arith.index_cast %add3A_146 : i32 to index
        %get3A_148 = tpu.vector_load %arg6[%get3A_147] {strides = array<i32>} : memref<8192xf32, #tpu.memory_space<vmem>>, vector<16xf32>,
        %get3A_149 = vector.shape_cast %get3A_148 : vector<16xf32> to vector<16xf32>
        %add3A_150 = arith.constant 128 : i32
        %add3A_151 = arith.addi %mul3A_109, %add3A_150 : i32
        %get3A_152 = arith.index_cast %add3A_151 : i32 to index
        %get3A_153 = tpu.vector_load %arg6[%get3A_152] {strides = array<i32>} : memref<8192xf32, #tpu.memory_space<vmem>>, vector<16xf32>,
        %get3A_154 = vector.shape_cast %get3A_153 : vector<16xf32> to vector<16xf32>
        %add3A_155 = arith.constant 144 : i32
        %add3A_156 = arith.addi %mul3A_109, %add3A_155 : i32
        %get3A_157 = arith.index_cast %add3A_156 : i32 to index
        %get3A_158 = tpu.vector_load %arg6[%get3A_157] {strides = array<i32>} : memref<8192xf32, #tpu.memory_space<vmem>>, vector<16xf32>,
        %get3A_159 = vector.shape_cast %get3A_158 : vector<16xf32> to vector<16xf32>
        %add3A_160 = arith.constant 160 : i32
        %add3A_161 = arith.addi %mul3A_109, %add3A_160 : i32
        %get3A_162 = arith.index_cast %add3A_161 : i32 to index
        %get3A_163 = tpu.vector_load %arg6[%get3A_162] {strides = array<i32>} : memref<8192xf32, #tpu.memory_space<vmem>>, vector<16xf32>,
        %get3A_164 = vector.shape_cast %get3A_163 : vector<16xf32> to vector<16xf32>
        %add3A_165 = arith.constant 176 : i32
        %add3A_166 = arith.addi %mul3A_109, %add3A_165 : i32
        %get3A_167 = arith.index_cast %add3A_166 : i32 to index
        %get3A_168 = tpu.vector_load %arg6[%get3A_167] {strides = array<i32>} : memref<8192xf32, #tpu.memory_space<vmem>>, vector<16xf32>,
        %get3A_169 = vector.shape_cast %get3A_168 : vector<16xf32> to vector<16xf32>
        %add3A_170 = arith.constant 192 : i32
        %add3A_171 = arith.addi %mul3A_109, %add3A_170 : i32
        %get3A_172 = arith.index_cast %add3A_171 : i32 to index
        %get3A_173 = tpu.vector_load %arg6[%get3A_172] {strides = array<i32>} : memref<8192xf32, #tpu.memory_space<vmem>>, vector<16xf32>,
        %get3A_174 = vector.shape_cast %get3A_173 : vector<16xf32> to vector<16xf32>
        %add3A_175 = arith.constant 208 : i32
        %add3A_176 = arith.addi %mul3A_109, %add3A_175 : i32
        %get3A_177 = arith.index_cast %add3A_176 : i32 to index
        %get3A_178 = tpu.vector_load %arg6[%get3A_177] {strides = array<i32>} : memref<8192xf32, #tpu.memory_space<vmem>>, vector<16xf32>,
        %get3A_179 = vector.shape_cast %get3A_178 : vector<16xf32> to vector<16xf32>
        %add3A_180 = arith.constant 224 : i32
        %add3A_181 = arith.addi %mul3A_109, %add3A_180 : i32
        %get3A_182 = arith.index_cast %add3A_181 : i32 to index
        %get3A_183 = tpu.vector_load %arg6[%get3A_182] {strides = array<i32>} : memref<8192xf32, #tpu.memory_space<vmem>>, vector<16xf32>,
        %get3A_184 = vector.shape_cast %get3A_183 : vector<16xf32> to vector<16xf32>
        %add3A_185 = arith.constant 240 : i32
        %add3A_186 = arith.addi %mul3A_109, %add3A_185 : i32
        %get3A_187 = arith.index_cast %add3A_186 : i32 to index
        %get3A_188 = tpu.vector_load %arg6[%get3A_187] {strides = array<i32>} : memref<8192xf32, #tpu.memory_space<vmem>>, vector<16xf32>,
        %get3A_189 = vector.shape_cast %get3A_188 : vector<16xf32> to vector<16xf32>
        %add3A_190 = arith.constant 256 : i32
        %add3A_191 = arith.addi %mul3A_109, %add3A_190 : i32
        %get3A_192 = arith.index_cast %add3A_191 : i32 to index
        %get3A_193 = tpu.vector_load %arg6[%get3A_192] {strides = array<i32>} : memref<8192xf32, #tpu.memory_space<vmem>>, vector<16xf32>,
        %get3A_194 = vector.shape_cast %get3A_193 : vector<16xf32> to vector<16xf32>
        %add3A_195 = arith.constant 272 : i32
        %add3A_196 = arith.addi %mul3A_109, %add3A_195 : i32
        %get3A_197 = arith.index_cast %add3A_196 : i32 to index
        %get3A_198 = tpu.vector_load %arg6[%get3A_197] {strides = array<i32>} : memref<8192xf32, #tpu.memory_space<vmem>>, vector<16xf32>,
        %get3A_199 = vector.shape_cast %get3A_198 : vector<16xf32> to vector<16xf32>
        %add3A_200 = arith.constant 288 : i32
        %add3A_201 = arith.addi %mul3A_109, %add3A_200 : i32
        %get3A_202 = arith.index_cast %add3A_201 : i32 to index
        %get3A_203 = tpu.vector_load %arg6[%get3A_202] {strides = array<i32>} : memref<8192xf32, #tpu.memory_space<vmem>>, vector<16xf32>,
        %get3A_204 = vector.shape_cast %get3A_203 : vector<16xf32> to vector<16xf32>
        %add3A_205 = arith.constant 304 : i32
        %add3A_206 = arith.addi %mul3A_109, %add3A_205 : i32
        %get3A_207 = arith.index_cast %add3A_206 : i32 to index
        %get3A_208 = tpu.vector_load %arg6[%get3A_207] {strides = array<i32>} : memref<8192xf32, #tpu.memory_space<vmem>>, vector<16xf32>,
        %get3A_209 = vector.shape_cast %get3A_208 : vector<16xf32> to vector<16xf32>
        %add3A_210 = arith.constant 320 : i32
        %add3A_211 = arith.addi %mul3A_109, %add3A_210 : i32
        %get3A_212 = arith.index_cast %add3A_211 : i32 to index
        %get3A_213 = tpu.vector_load %arg6[%get3A_212] {strides = array<i32>} : memref<8192xf32, #tpu.memory_space<vmem>>, vector<16xf32>,
        %get3A_214 = vector.shape_cast %get3A_213 : vector<16xf32> to vector<16xf32>
        %add3A_215 = arith.constant 336 : i32
        %add3A_216 = arith.addi %mul3A_109, %add3A_215 : i32
        %get3A_217 = arith.index_cast %add3A_216 : i32 to index
        %get3A_218 = tpu.vector_load %arg6[%get3A_217] {strides = array<i32>} : memref<8192xf32, #tpu.memory_space<vmem>>, vector<16xf32>,
        %get3A_219 = vector.shape_cast %get3A_218 : vector<16xf32> to vector<16xf32>
        %add3A_220 = arith.constant 352 : i32
        %add3A_221 = arith.addi %mul3A_109, %add3A_220 : i32
        %get3A_222 = arith.index_cast %add3A_221 : i32 to index
        %get3A_223 = tpu.vector_load %arg6[%get3A_222] {strides = array<i32>} : memref<8192xf32, #tpu.memory_space<vmem>>, vector<16xf32>,
        %get3A_224 = vector.shape_cast %get3A_223 : vector<16xf32> to vector<16xf32>
        %add3A_225 = arith.constant 368 : i32
        %add3A_226 = arith.addi %mul3A_109, %add3A_225 : i32
        %get3A_227 = arith.index_cast %add3A_226 : i32 to index
        %get3A_228 = tpu.vector_load %arg6[%get3A_227] {strides = array<i32>} : memref<8192xf32, #tpu.memory_space<vmem>>, vector<16xf32>,
        %get3A_229 = vector.shape_cast %get3A_228 : vector<16xf32> to vector<16xf32>
        %add3A_230 = arith.constant 384 : i32
        %add3A_231 = arith.addi %mul3A_109, %add3A_230 : i32
        %get3A_232 = arith.index_cast %add3A_231 : i32 to index
        %get3A_233 = tpu.vector_load %arg6[%get3A_232] {strides = array<i32>} : memref<8192xf32, #tpu.memory_space<vmem>>, vector<16xf32>,
        %get3A_234 = vector.shape_cast %get3A_233 : vector<16xf32> to vector<16xf32>
        %add3A_235 = arith.constant 400 : i32
        %add3A_236 = arith.addi %mul3A_109, %add3A_235 : i32
        %get3A_237 = arith.index_cast %add3A_236 : i32 to index
        %get3A_238 = tpu.vector_load %arg6[%get3A_237] {strides = array<i32>} : memref<8192xf32, #tpu.memory_space<vmem>>, vector<16xf32>,
        %get3A_239 = vector.shape_cast %get3A_238 : vector<16xf32> to vector<16xf32>
        %add3A_240 = arith.constant 416 : i32
        %add3A_241 = arith.addi %mul3A_109, %add3A_240 : i32
        %get3A_242 = arith.index_cast %add3A_241 : i32 to index
        %get3A_243 = tpu.vector_load %arg6[%get3A_242] {strides = array<i32>} : memref<8192xf32, #tpu.memory_space<vmem>>, vector<16xf32>,
        %get3A_244 = vector.shape_cast %get3A_243 : vector<16xf32> to vector<16xf32>
        %add3A_245 = arith.constant 432 : i32
        %add3A_246 = arith.addi %mul3A_109, %add3A_245 : i32
        %get3A_247 = arith.index_cast %add3A_246 : i32 to index
        %get3A_248 = tpu.vector_load %arg6[%get3A_247] {strides = array<i32>} : memref<8192xf32, #tpu.memory_space<vmem>>, vector<16xf32>,
        %get3A_249 = vector.shape_cast %get3A_248 : vector<16xf32> to vector<16xf32>
        %add3A_250 = arith.constant 448 : i32
        %add3A_251 = arith.addi %mul3A_109, %add3A_250 : i32
        %get3A_252 = arith.index_cast %add3A_251 : i32 to index
        %get3A_253 = tpu.vector_load %arg6[%get3A_252] {strides = array<i32>} : memref<8192xf32, #tpu.memory_space<vmem>>, vector<16xf32>,
        %get3A_254 = vector.shape_cast %get3A_253 : vector<16xf32> to vector<16xf32>
        %add3A_255 = arith.constant 464 : i32
        %add3A_256 = arith.addi %mul3A_109, %add3A_255 : i32
        %get3A_257 = arith.index_cast %add3A_256 : i32 to index
        %get3A_258 = tpu.vector_load %arg6[%get3A_257] {strides = array<i32>} : memref<8192xf32, #tpu.memory_space<vmem>>, vector<16xf32>,
        %get3A_259 = vector.shape_cast %get3A_258 : vector<16xf32> to vector<16xf32>
        %add3A_260 = arith.constant 480 : i32
        %add3A_261 = arith.addi %mul3A_109, %add3A_260 : i32
        %get3A_262 = arith.index_cast %add3A_261 : i32 to index
        %get3A_263 = tpu.vector_load %arg6[%get3A_262] {strides = array<i32>} : memref<8192xf32, #tpu.memory_space<vmem>>, vector<16xf32>,
        %get3A_264 = vector.shape_cast %get3A_263 : vector<16xf32> to vector<16xf32>
        %add3A_265 = arith.constant 496 : i32
        %add3A_266 = arith.addi %mul3A_109, %add3A_265 : i32
        %get3A_267 = arith.index_cast %add3A_266 : i32 to index
        %get3A_268 = tpu.vector_load %arg6[%get3A_267] {strides = array<i32>} : memref<8192xf32, #tpu.memory_space<vmem>>, vector<16xf32>,
        %get3A_269 = vector.shape_cast %get3A_268 : vector<16xf32> to vector<16xf32>
        %add3A_270 = arith.addf %scan3A_100, %get3A_114 : vector<16xf32>
        %add3A_271 = arith.addf %scan3A_101, %get3A_119 : vector<16xf32>
        %add3A_272 = arith.addf %scan3A_102, %get3A_124 : vector<16xf32>
        %add3A_273 = arith.addf %scan3A_103, %get3A_129 : vector<16xf32>
        %add3A_274 = arith.addf %scan3A_104, %get3A_134 : vector<16xf32>
        %add3A_275 = arith.addf %scan3A_105, %get3A_139 : vector<16xf32>
        %add3A_276 = arith.addf %scan3A_106, %get3A_144 : vector<16xf32>
        %add3A_277 = arith.addf %scan3A_107, %get3A_149 : vector<16xf32>
        %add3A_278 = arith.addf %add3A_270, %get3A_154 : vector<16xf32>
        %add3A_279 = arith.addf %add3A_271, %get3A_159 : vector<16xf32>
        %add3A_280 = arith.addf %add3A_272, %get3A_164 : vector<16xf32>
        %add3A_281 = arith.addf %add3A_273, %get3A_169 : vector<16xf32>
        %add3A_282 = arith.addf %add3A_274, %get3A_174 : vector<16xf32>
        %add3A_283 = arith.addf %add3A_275, %get3A_179 : vector<16xf32>
        %add3A_284 = arith.addf %add3A_276, %get3A_184 : vector<16xf32>
        %add3A_285 = arith.addf %add3A_277, %get3A_189 : vector<16xf32>
        %add3A_286 = arith.addf %add3A_278, %get3A_194 : vector<16xf32>
        %add3A_287 = arith.addf %add3A_279, %get3A_199 : vector<16xf32>
        %add3A_288 = arith.addf %add3A_280, %get3A_204 : vector<16xf32>
        %add3A_289 = arith.addf %add3A_281, %get3A_209 : vector<16xf32>
        %add3A_290 = arith.addf %add3A_282, %get3A_214 : vector<16xf32>
        %add3A_291 = arith.addf %add3A_283, %get3A_219 : vector<16xf32>
        %add3A_292 = arith.addf %add3A_284, %get3A_224 : vector<16xf32>
        %add3A_293 = arith.addf %add3A_285, %get3A_229 : vector<16xf32>
        %add3A_294 = arith.addf %add3A_286, %get3A_234 : vector<16xf32>
        %add3A_295 = arith.addf %add3A_287, %get3A_239 : vector<16xf32>
        %add3A_296 = arith.addf %add3A_288, %get3A_244 : vector<16xf32>
        %add3A_297 = arith.addf %add3A_289, %get3A_249 : vector<16xf32>
        %add3A_298 = arith.addf %add3A_290, %get3A_254 : vector<16xf32>
        %add3A_299 = arith.addf %add3A_291, %get3A_259 : vector<16xf32>
        %add3A_300 = arith.addf %add3A_292, %get3A_264 : vector<16xf32>
        %add3A_301 = arith.addf %add3A_293, %get3A_269 : vector<16xf32>
        scf.yield %add3A_294, %add3A_295, %add3A_296, %add3A_297, %add3A_298, %add3A_299, %add3A_300, %add3A_301 : vector<16xf32>, vector<16xf32>, vector<16xf32>, vector<16xf32>, vector<16xf32>, vector<16xf32>, vector<16xf32>, vector<16xf32>
      }
      %scan3A_84 = arith.constant 16 : i32
      %get3A = arith.constant 0 : index
      %get3A_85 = tpu.vector_load %arg7[%get3A] {strides = array<i32>} : memref<16xf32, #tpu.memory_space<vmem>>, vector<16xf32>,
      %get3A_86 = vector.shape_cast %get3A_85 : vector<16xf32> to vector<16xf32>
      %add3A_87 = arith.addf %scan3A_83#0, %scan3A_83#1 : vector<16xf32>
      %add3A_88 = arith.addf %scan3A_83#2, %scan3A_83#3 : vector<16xf32>
      %add3A_89 = arith.addf %scan3A_83#4, %scan3A_83#5 : vector<16xf32>
      %add3A_90 = arith.addf %scan3A_83#6, %scan3A_83#7 : vector<16xf32>
      %add3A_91 = arith.addf %add3A_87, %add3A_88 : vector<16xf32>
      %add3A_92 = arith.addf %add3A_89, %add3A_90 : vector<16xf32>
      %add3A_93 = arith.addf %add3A_91, %add3A_92 : vector<16xf32>
      %add3A_94 = arith.addf %get3A_86, %add3A_93 : vector<16xf32>
      %swap3A_95 = arith.constant 0 : index
      %swap3A_96 = tpu.vector_load %arg7[%swap3A_95] {strides = array<i32>} : memref<16xf32, #tpu.memory_space<vmem>>, vector<16xf32>,
      %swap3A_97 = vector.shape_cast %swap3A_96 : vector<16xf32> to vector<16xf32>
      %swap3A_98 = vector.shape_cast %add3A_94 : vector<16xf32> to vector<16xf32>
      tpu.vector_store %arg7[%swap3A_95], %swap3A_98 {strides = array<i32>} : memref<16xf32, #tpu.memory_space<vmem>>, vector<16xf32>,
    } else {
    }
    %eq3A_70 = arith.constant 31 : i32
    %eq3A_71 = arith.cmpi eq, %add3A, %eq3A_70 : i32
    %convert_element_type3A_72 = arith.extui %eq3A_71 : i1 to i32
    %cond3A_73 = arith.constant 0 : i32
    %cond3A_74 = arith.cmpi ne, %convert_element_type3A_72, %cond3A_73 : i32
    scf.if %cond3A_74 {
      %dma_wait3A_75 = arith.constant 0 : i32
      %dma_wait3A_76 = tpu.memref_slice %arg6[%dma_wait3A_75] : memref<8192xf32, #tpu.memory_space<vmem>> -> memref<2359xf32, #tpu.memory_space<vmem>>
      %dma_wait3A_77 = arith.constant 0 : i32
      %dma_wait3A_78 = tpu.memref_slice %arg2[%dma_wait3A_77] : memref<4294967xf32, #tpu.memory_space<hbm>> -> memref<2359xf32, #tpu.memory_space<hbm>>
      %dma_wait3A_79 = arith.constant 0 : i32
      %dma_wait3A_80 = tpu.memref_slice %arg6[%dma_wait3A_79] : memref<8192xf32, #tpu.memory_space<vmem>> -> memref<2359xf32, #tpu.memory_space<vmem>>
      %dma_wait3A_81 = arith.constant 0 : i32
      %dma_wait3A_82 = tpu.memref_slice %arg2[%dma_wait3A_81] : memref<4294967xf32, #tpu.memory_space<hbm>> -> memref<2359xf32, #tpu.memory_space<hbm>>
      tpu.wait_dma2 semaphore(%arg10 : memref<!tpu.dma_semaphore, #tpu.memory_space<semaphore_mem>>) src(%dma_wait3A_82 : memref<2359xf32, #tpu.memory_space<hbm>>) dst(%dma_wait3A_80 : memref<2359xf32, #tpu.memory_space<vmem>>)
      %scan3A_83 = arith.constant 0 : i32
      %scan3A_84 = arith.constant 4 : i32
      %scan3A_85 = arith.addi %scan3A_83, %scan3A_84 : i32
      %scan3A_86 = arith.constant 1 : i32
      %scan3A_87:8 = scf.for %scan3A_183 = %scan3A_83 to %scan3A_85 step %scan3A_86 iter_args(%scan3A_184 = %broadcast_in_dim3A_5, %scan3A_185 = %broadcast_in_dim3A_5, %scan3A_186 = %broadcast_in_dim3A_5, %scan3A_187 = %broadcast_in_dim3A_5, %scan3A_188 = %broadcast_in_dim3A_5, %scan3A_189 = %broadcast_in_dim3A_5, %scan3A_190 = %broadcast_in_dim3A_5, %scan3A_191 = %broadcast_in_dim3A_5) -> (vector<16xf32>, vector<16xf32>, vector<16xf32>, vector<16xf32>, vector<16xf32>, vector<16xf32>, vector<16xf32>, vector<16xf32>)  : i32 {
        %mul3A_192 = arith.constant 512 : i32
        %mul3A_193 = arith.muli %scan3A_183, %mul3A_192 : i32
        %add3A_194 = arith.constant 0 : i32
        %add3A_195 = arith.addi %mul3A_193, %add3A_194 : i32
        %get3A_196 = arith.index_cast %add3A_195 : i32 to index
        %get3A_197 = tpu.vector_load %arg6[%get3A_196] {strides = array<i32>} : memref<8192xf32, #tpu.memory_space<vmem>>, vector<16xf32>,
        %get3A_198 = vector.shape_cast %get3A_197 : vector<16xf32> to vector<16xf32>
        %add3A_199 = arith.constant 16 : i32
        %add3A_200 = arith.addi %mul3A_193, %add3A_199 : i32
        %get3A_201 = arith.index_cast %add3A_200 : i32 to index
        %get3A_202 = tpu.vector_load %arg6[%get3A_201] {strides = array<i32>} : memref<8192xf32, #tpu.memory_space<vmem>>, vector<16xf32>,
        %get3A_203 = vector.shape_cast %get3A_202 : vector<16xf32> to vector<16xf32>
        %add3A_204 = arith.constant 32 : i32
        %add3A_205 = arith.addi %mul3A_193, %add3A_204 : i32
        %get3A_206 = arith.index_cast %add3A_205 : i32 to index
        %get3A_207 = tpu.vector_load %arg6[%get3A_206] {strides = array<i32>} : memref<8192xf32, #tpu.memory_space<vmem>>, vector<16xf32>,
        %get3A_208 = vector.shape_cast %get3A_207 : vector<16xf32> to vector<16xf32>
        %add3A_209 = arith.constant 48 : i32
        %add3A_210 = arith.addi %mul3A_193, %add3A_209 : i32
        %get3A_211 = arith.index_cast %add3A_210 : i32 to index
        %get3A_212 = tpu.vector_load %arg6[%get3A_211] {strides = array<i32>} : memref<8192xf32, #tpu.memory_space<vmem>>, vector<16xf32>,
        %get3A_213 = vector.shape_cast %get3A_212 : vector<16xf32> to vector<16xf32>
        %add3A_214 = arith.constant 64 : i32
        %add3A_215 = arith.addi %mul3A_193, %add3A_214 : i32
        %get3A_216 = arith.index_cast %add3A_215 : i32 to index
        %get3A_217 = tpu.vector_load %arg6[%get3A_216] {strides = array<i32>} : memref<8192xf32, #tpu.memory_space<vmem>>, vector<16xf32>,
        %get3A_218 = vector.shape_cast %get3A_217 : vector<16xf32> to vector<16xf32>
        %add3A_219 = arith.constant 80 : i32
        %add3A_220 = arith.addi %mul3A_193, %add3A_219 : i32
        %get3A_221 = arith.index_cast %add3A_220 : i32 to index
        %get3A_222 = tpu.vector_load %arg6[%get3A_221] {strides = array<i32>} : memref<8192xf32, #tpu.memory_space<vmem>>, vector<16xf32>,
        %get3A_223 = vector.shape_cast %get3A_222 : vector<16xf32> to vector<16xf32>
        %add3A_224 = arith.constant 96 : i32
        %add3A_225 = arith.addi %mul3A_193, %add3A_224 : i32
        %get3A_226 = arith.index_cast %add3A_225 : i32 to index
        %get3A_227 = tpu.vector_load %arg6[%get3A_226] {strides = array<i32>} : memref<8192xf32, #tpu.memory_space<vmem>>, vector<16xf32>,
        %get3A_228 = vector.shape_cast %get3A_227 : vector<16xf32> to vector<16xf32>
        %add3A_229 = arith.constant 112 : i32
        %add3A_230 = arith.addi %mul3A_193, %add3A_229 : i32
        %get3A_231 = arith.index_cast %add3A_230 : i32 to index
        %get3A_232 = tpu.vector_load %arg6[%get3A_231] {strides = array<i32>} : memref<8192xf32, #tpu.memory_space<vmem>>, vector<16xf32>,
        %get3A_233 = vector.shape_cast %get3A_232 : vector<16xf32> to vector<16xf32>
        %add3A_234 = arith.constant 128 : i32
        %add3A_235 = arith.addi %mul3A_193, %add3A_234 : i32
        %get3A_236 = arith.index_cast %add3A_235 : i32 to index
        %get3A_237 = tpu.vector_load %arg6[%get3A_236] {strides = array<i32>} : memref<8192xf32, #tpu.memory_space<vmem>>, vector<16xf32>,
        %get3A_238 = vector.shape_cast %get3A_237 : vector<16xf32> to vector<16xf32>
        %add3A_239 = arith.constant 144 : i32
        %add3A_240 = arith.addi %mul3A_193, %add3A_239 : i32
        %get3A_241 = arith.index_cast %add3A_240 : i32 to index
        %get3A_242 = tpu.vector_load %arg6[%get3A_241] {strides = array<i32>} : memref<8192xf32, #tpu.memory_space<vmem>>, vector<16xf32>,
        %get3A_243 = vector.shape_cast %get3A_242 : vector<16xf32> to vector<16xf32>
        %add3A_244 = arith.constant 160 : i32
        %add3A_245 = arith.addi %mul3A_193, %add3A_244 : i32
        %get3A_246 = arith.index_cast %add3A_245 : i32 to index
        %get3A_247 = tpu.vector_load %arg6[%get3A_246] {strides = array<i32>} : memref<8192xf32, #tpu.memory_space<vmem>>, vector<16xf32>,
        %get3A_248 = vector.shape_cast %get3A_247 : vector<16xf32> to vector<16xf32>
        %add3A_249 = arith.constant 176 : i32
        %add3A_250 = arith.addi %mul3A_193, %add3A_249 : i32
        %get3A_251 = arith.index_cast %add3A_250 : i32 to index
        %get3A_252 = tpu.vector_load %arg6[%get3A_251] {strides = array<i32>} : memref<8192xf32, #tpu.memory_space<vmem>>, vector<16xf32>,
        %get3A_253 = vector.shape_cast %get3A_252 : vector<16xf32> to vector<16xf32>
        %add3A_254 = arith.constant 192 : i32
        %add3A_255 = arith.addi %mul3A_193, %add3A_254 : i32
        %get3A_256 = arith.index_cast %add3A_255 : i32 to index
        %get3A_257 = tpu.vector_load %arg6[%get3A_256] {strides = array<i32>} : memref<8192xf32, #tpu.memory_space<vmem>>, vector<16xf32>,
        %get3A_258 = vector.shape_cast %get3A_257 : vector<16xf32> to vector<16xf32>
        %add3A_259 = arith.constant 208 : i32
        %add3A_260 = arith.addi %mul3A_193, %add3A_259 : i32
        %get3A_261 = arith.index_cast %add3A_260 : i32 to index
        %get3A_262 = tpu.vector_load %arg6[%get3A_261] {strides = array<i32>} : memref<8192xf32, #tpu.memory_space<vmem>>, vector<16xf32>,
        %get3A_263 = vector.shape_cast %get3A_262 : vector<16xf32> to vector<16xf32>
        %add3A_264 = arith.constant 224 : i32
        %add3A_265 = arith.addi %mul3A_193, %add3A_264 : i32
        %get3A_266 = arith.index_cast %add3A_265 : i32 to index
        %get3A_267 = tpu.vector_load %arg6[%get3A_266] {strides = array<i32>} : memref<8192xf32, #tpu.memory_space<vmem>>, vector<16xf32>,
        %get3A_268 = vector.shape_cast %get3A_267 : vector<16xf32> to vector<16xf32>
        %add3A_269 = arith.constant 240 : i32
        %add3A_270 = arith.addi %mul3A_193, %add3A_269 : i32
        %get3A_271 = arith.index_cast %add3A_270 : i32 to index
        %get3A_272 = tpu.vector_load %arg6[%get3A_271] {strides = array<i32>} : memref<8192xf32, #tpu.memory_space<vmem>>, vector<16xf32>,
        %get3A_273 = vector.shape_cast %get3A_272 : vector<16xf32> to vector<16xf32>
        %add3A_274 = arith.constant 256 : i32
        %add3A_275 = arith.addi %mul3A_193, %add3A_274 : i32
        %get3A_276 = arith.index_cast %add3A_275 : i32 to index
        %get3A_277 = tpu.vector_load %arg6[%get3A_276] {strides = array<i32>} : memref<8192xf32, #tpu.memory_space<vmem>>, vector<16xf32>,
        %get3A_278 = vector.shape_cast %get3A_277 : vector<16xf32> to vector<16xf32>
        %add3A_279 = arith.constant 272 : i32
        %add3A_280 = arith.addi %mul3A_193, %add3A_279 : i32
        %get3A_281 = arith.index_cast %add3A_280 : i32 to index
        %get3A_282 = tpu.vector_load %arg6[%get3A_281] {strides = array<i32>} : memref<8192xf32, #tpu.memory_space<vmem>>, vector<16xf32>,
        %get3A_283 = vector.shape_cast %get3A_282 : vector<16xf32> to vector<16xf32>
        %add3A_284 = arith.constant 288 : i32
        %add3A_285 = arith.addi %mul3A_193, %add3A_284 : i32
        %get3A_286 = arith.index_cast %add3A_285 : i32 to index
        %get3A_287 = tpu.vector_load %arg6[%get3A_286] {strides = array<i32>} : memref<8192xf32, #tpu.memory_space<vmem>>, vector<16xf32>,
        %get3A_288 = vector.shape_cast %get3A_287 : vector<16xf32> to vector<16xf32>
        %add3A_289 = arith.constant 304 : i32
        %add3A_290 = arith.addi %mul3A_193, %add3A_289 : i32
        %get3A_291 = arith.index_cast %add3A_290 : i32 to index
        %get3A_292 = tpu.vector_load %arg6[%get3A_291] {strides = array<i32>} : memref<8192xf32, #tpu.memory_space<vmem>>, vector<16xf32>,
        %get3A_293 = vector.shape_cast %get3A_292 : vector<16xf32> to vector<16xf32>
        %add3A_294 = arith.constant 320 : i32
        %add3A_295 = arith.addi %mul3A_193, %add3A_294 : i32
        %get3A_296 = arith.index_cast %add3A_295 : i32 to index
        %get3A_297 = tpu.vector_load %arg6[%get3A_296] {strides = array<i32>} : memref<8192xf32, #tpu.memory_space<vmem>>, vector<16xf32>,
        %get3A_298 = vector.shape_cast %get3A_297 : vector<16xf32> to vector<16xf32>
        %add3A_299 = arith.constant 336 : i32
        %add3A_300 = arith.addi %mul3A_193, %add3A_299 : i32
        %get3A_301 = arith.index_cast %add3A_300 : i32 to index
        %get3A_302 = tpu.vector_load %arg6[%get3A_301] {strides = array<i32>} : memref<8192xf32, #tpu.memory_space<vmem>>, vector<16xf32>,
        %get3A_303 = vector.shape_cast %get3A_302 : vector<16xf32> to vector<16xf32>
        %add3A_304 = arith.constant 352 : i32
        %add3A_305 = arith.addi %mul3A_193, %add3A_304 : i32
        %get3A_306 = arith.index_cast %add3A_305 : i32 to index
        %get3A_307 = tpu.vector_load %arg6[%get3A_306] {strides = array<i32>} : memref<8192xf32, #tpu.memory_space<vmem>>, vector<16xf32>,
        %get3A_308 = vector.shape_cast %get3A_307 : vector<16xf32> to vector<16xf32>
        %add3A_309 = arith.constant 368 : i32
        %add3A_310 = arith.addi %mul3A_193, %add3A_309 : i32
        %get3A_311 = arith.index_cast %add3A_310 : i32 to index
        %get3A_312 = tpu.vector_load %arg6[%get3A_311] {strides = array<i32>} : memref<8192xf32, #tpu.memory_space<vmem>>, vector<16xf32>,
        %get3A_313 = vector.shape_cast %get3A_312 : vector<16xf32> to vector<16xf32>
        %add3A_314 = arith.constant 384 : i32
        %add3A_315 = arith.addi %mul3A_193, %add3A_314 : i32
        %get3A_316 = arith.index_cast %add3A_315 : i32 to index
        %get3A_317 = tpu.vector_load %arg6[%get3A_316] {strides = array<i32>} : memref<8192xf32, #tpu.memory_space<vmem>>, vector<16xf32>,
        %get3A_318 = vector.shape_cast %get3A_317 : vector<16xf32> to vector<16xf32>
        %add3A_319 = arith.constant 400 : i32
        %add3A_320 = arith.addi %mul3A_193, %add3A_319 : i32
        %get3A_321 = arith.index_cast %add3A_320 : i32 to index
        %get3A_322 = tpu.vector_load %arg6[%get3A_321] {strides = array<i32>} : memref<8192xf32, #tpu.memory_space<vmem>>, vector<16xf32>,
        %get3A_323 = vector.shape_cast %get3A_322 : vector<16xf32> to vector<16xf32>
        %add3A_324 = arith.constant 416 : i32
        %add3A_325 = arith.addi %mul3A_193, %add3A_324 : i32
        %get3A_326 = arith.index_cast %add3A_325 : i32 to index
        %get3A_327 = tpu.vector_load %arg6[%get3A_326] {strides = array<i32>} : memref<8192xf32, #tpu.memory_space<vmem>>, vector<16xf32>,
        %get3A_328 = vector.shape_cast %get3A_327 : vector<16xf32> to vector<16xf32>
        %add3A_329 = arith.constant 432 : i32
        %add3A_330 = arith.addi %mul3A_193, %add3A_329 : i32
        %get3A_331 = arith.index_cast %add3A_330 : i32 to index
        %get3A_332 = tpu.vector_load %arg6[%get3A_331] {strides = array<i32>} : memref<8192xf32, #tpu.memory_space<vmem>>, vector<16xf32>,
        %get3A_333 = vector.shape_cast %get3A_332 : vector<16xf32> to vector<16xf32>
        %add3A_334 = arith.constant 448 : i32
        %add3A_335 = arith.addi %mul3A_193, %add3A_334 : i32
        %get3A_336 = arith.index_cast %add3A_335 : i32 to index
        %get3A_337 = tpu.vector_load %arg6[%get3A_336] {strides = array<i32>} : memref<8192xf32, #tpu.memory_space<vmem>>, vector<16xf32>,
        %get3A_338 = vector.shape_cast %get3A_337 : vector<16xf32> to vector<16xf32>
        %add3A_339 = arith.constant 464 : i32
        %add3A_340 = arith.addi %mul3A_193, %add3A_339 : i32
        %get3A_341 = arith.index_cast %add3A_340 : i32 to index
        %get3A_342 = tpu.vector_load %arg6[%get3A_341] {strides = array<i32>} : memref<8192xf32, #tpu.memory_space<vmem>>, vector<16xf32>,
        %get3A_343 = vector.shape_cast %get3A_342 : vector<16xf32> to vector<16xf32>
        %add3A_344 = arith.constant 480 : i32
        %add3A_345 = arith.addi %mul3A_193, %add3A_344 : i32
        %get3A_346 = arith.index_cast %add3A_345 : i32 to index
        %get3A_347 = tpu.vector_load %arg6[%get3A_346] {strides = array<i32>} : memref<8192xf32, #tpu.memory_space<vmem>>, vector<16xf32>,
        %get3A_348 = vector.shape_cast %get3A_347 : vector<16xf32> to vector<16xf32>
        %add3A_349 = arith.constant 496 : i32
        %add3A_350 = arith.addi %mul3A_193, %add3A_349 : i32
        %get3A_351 = arith.index_cast %add3A_350 : i32 to index
        %get3A_352 = tpu.vector_load %arg6[%get3A_351] {strides = array<i32>} : memref<8192xf32, #tpu.memory_space<vmem>>, vector<16xf32>,
        %get3A_353 = vector.shape_cast %get3A_352 : vector<16xf32> to vector<16xf32>
        %add3A_354 = arith.addf %scan3A_184, %get3A_198 : vector<16xf32>
        %add3A_355 = arith.addf %scan3A_185, %get3A_203 : vector<16xf32>
        %add3A_356 = arith.addf %scan3A_186, %get3A_208 : vector<16xf32>
        %add3A_357 = arith.addf %scan3A_187, %get3A_213 : vector<16xf32>
        %add3A_358 = arith.addf %scan3A_188, %get3A_218 : vector<16xf32>
        %add3A_359 = arith.addf %scan3A_189, %get3A_223 : vector<16xf32>
        %add3A_360 = arith.addf %scan3A_190, %get3A_228 : vector<16xf32>
        %add3A_361 = arith.addf %scan3A_191, %get3A_233 : vector<16xf32>
        %add3A_362 = arith.addf %add3A_354, %get3A_238 : vector<16xf32>
        %add3A_363 = arith.addf %add3A_355, %get3A_243 : vector<16xf32>
        %add3A_364 = arith.addf %add3A_356, %get3A_248 : vector<16xf32>
        %add3A_365 = arith.addf %add3A_357, %get3A_253 : vector<16xf32>
        %add3A_366 = arith.addf %add3A_358, %get3A_258 : vector<16xf32>
        %add3A_367 = arith.addf %add3A_359, %get3A_263 : vector<16xf32>
        %add3A_368 = arith.addf %add3A_360, %get3A_268 : vector<16xf32>
        %add3A_369 = arith.addf %add3A_361, %get3A_273 : vector<16xf32>
        %add3A_370 = arith.addf %add3A_362, %get3A_278 : vector<16xf32>
        %add3A_371 = arith.addf %add3A_363, %get3A_283 : vector<16xf32>
        %add3A_372 = arith.addf %add3A_364, %get3A_288 : vector<16xf32>
        %add3A_373 = arith.addf %add3A_365, %get3A_293 : vector<16xf32>
        %add3A_374 = arith.addf %add3A_366, %get3A_298 : vector<16xf32>
        %add3A_375 = arith.addf %add3A_367, %get3A_303 : vector<16xf32>
        %add3A_376 = arith.addf %add3A_368, %get3A_308 : vector<16xf32>
        %add3A_377 = arith.addf %add3A_369, %get3A_313 : vector<16xf32>
        %add3A_378 = arith.addf %add3A_370, %get3A_318 : vector<16xf32>
        %add3A_379 = arith.addf %add3A_371, %get3A_323 : vector<16xf32>
        %add3A_380 = arith.addf %add3A_372, %get3A_328 : vector<16xf32>
        %add3A_381 = arith.addf %add3A_373, %get3A_333 : vector<16xf32>
        %add3A_382 = arith.addf %add3A_374, %get3A_338 : vector<16xf32>
        %add3A_383 = arith.addf %add3A_375, %get3A_343 : vector<16xf32>
        %add3A_384 = arith.addf %add3A_376, %get3A_348 : vector<16xf32>
        %add3A_385 = arith.addf %add3A_377, %get3A_353 : vector<16xf32>
        scf.yield %add3A_378, %add3A_379, %add3A_380, %add3A_381, %add3A_382, %add3A_383, %add3A_384, %add3A_385 : vector<16xf32>, vector<16xf32>, vector<16xf32>, vector<16xf32>, vector<16xf32>, vector<16xf32>, vector<16xf32>, vector<16xf32>
      }
      %scan3A_88 = arith.constant 4 : i32
      %get3A = arith.constant 2048 : index
      %get3A_89 = tpu.vector_load %arg6[%get3A] {strides = array<i32>} : memref<8192xf32, #tpu.memory_space<vmem>>, vector<16xf32>,
      %get3A_90 = vector.shape_cast %get3A_89 : vector<16xf32> to vector<16xf32>
      %add3A_91 = arith.addf %scan3A_87#0, %get3A_90 : vector<16xf32>
      %get3A_92 = arith.constant 2064 : index
      %get3A_93 = tpu.vector_load %arg6[%get3A_92] {strides = array<i32>} : memref<8192xf32, #tpu.memory_space<vmem>>, vector<16xf32>,
      %get3A_94 = vector.shape_cast %get3A_93 : vector<16xf32> to vector<16xf32>
      %add3A_95 = arith.addf %scan3A_87#1, %get3A_94 : vector<16xf32>
      %get3A_96 = arith.constant 2080 : index
      %get3A_97 = tpu.vector_load %arg6[%get3A_96] {strides = array<i32>} : memref<8192xf32, #tpu.memory_space<vmem>>, vector<16xf32>,
      %get3A_98 = vector.shape_cast %get3A_97 : vector<16xf32> to vector<16xf32>
      %add3A_99 = arith.addf %scan3A_87#2, %get3A_98 : vector<16xf32>
      %get3A_100 = arith.constant 2096 : index
      %get3A_101 = tpu.vector_load %arg6[%get3A_100] {strides = array<i32>} : memref<8192xf32, #tpu.memory_space<vmem>>, vector<16xf32>,
      %get3A_102 = vector.shape_cast %get3A_101 : vector<16xf32> to vector<16xf32>
      %add3A_103 = arith.addf %scan3A_87#3, %get3A_102 : vector<16xf32>
      %get3A_104 = arith.constant 2112 : index
      %get3A_105 = tpu.vector_load %arg6[%get3A_104] {strides = array<i32>} : memref<8192xf32, #tpu.memory_space<vmem>>, vector<16xf32>,
      %get3A_106 = vector.shape_cast %get3A_105 : vector<16xf32> to vector<16xf32>
      %add3A_107 = arith.addf %scan3A_87#4, %get3A_106 : vector<16xf32>
      %get3A_108 = arith.constant 2128 : index
      %get3A_109 = tpu.vector_load %arg6[%get3A_108] {strides = array<i32>} : memref<8192xf32, #tpu.memory_space<vmem>>, vector<16xf32>,
      %get3A_110 = vector.shape_cast %get3A_109 : vector<16xf32> to vector<16xf32>
      %add3A_111 = arith.addf %scan3A_87#5, %get3A_110 : vector<16xf32>
      %get3A_112 = arith.constant 2144 : index
      %get3A_113 = tpu.vector_load %arg6[%get3A_112] {strides = array<i32>} : memref<8192xf32, #tpu.memory_space<vmem>>, vector<16xf32>,
      %get3A_114 = vector.shape_cast %get3A_113 : vector<16xf32> to vector<16xf32>
      %add3A_115 = arith.addf %scan3A_87#6, %get3A_114 : vector<16xf32>
      %get3A_116 = arith.constant 2160 : index
      %get3A_117 = tpu.vector_load %arg6[%get3A_116] {strides = array<i32>} : memref<8192xf32, #tpu.memory_space<vmem>>, vector<16xf32>,
      %get3A_118 = vector.shape_cast %get3A_117 : vector<16xf32> to vector<16xf32>
      %add3A_119 = arith.addf %scan3A_87#7, %get3A_118 : vector<16xf32>
      %get3A_120 = arith.constant 2176 : index
      %get3A_121 = tpu.vector_load %arg6[%get3A_120] {strides = array<i32>} : memref<8192xf32, #tpu.memory_space<vmem>>, vector<16xf32>,
      %get3A_122 = vector.shape_cast %get3A_121 : vector<16xf32> to vector<16xf32>
      %add3A_123 = arith.addf %add3A_91, %get3A_122 : vector<16xf32>
      %get3A_124 = arith.constant 2192 : index
      %get3A_125 = tpu.vector_load %arg6[%get3A_124] {strides = array<i32>} : memref<8192xf32, #tpu.memory_space<vmem>>, vector<16xf32>,
      %get3A_126 = vector.shape_cast %get3A_125 : vector<16xf32> to vector<16xf32>
      %add3A_127 = arith.addf %add3A_95, %get3A_126 : vector<16xf32>
      %get3A_128 = arith.constant 2208 : index
      %get3A_129 = tpu.vector_load %arg6[%get3A_128] {strides = array<i32>} : memref<8192xf32, #tpu.memory_space<vmem>>, vector<16xf32>,
      %get3A_130 = vector.shape_cast %get3A_129 : vector<16xf32> to vector<16xf32>
      %add3A_131 = arith.addf %add3A_99, %get3A_130 : vector<16xf32>
      %get3A_132 = arith.constant 2224 : index
      %get3A_133 = tpu.vector_load %arg6[%get3A_132] {strides = array<i32>} : memref<8192xf32, #tpu.memory_space<vmem>>, vector<16xf32>,
      %get3A_134 = vector.shape_cast %get3A_133 : vector<16xf32> to vector<16xf32>
      %add3A_135 = arith.addf %add3A_103, %get3A_134 : vector<16xf32>
      %get3A_136 = arith.constant 2240 : index
      %get3A_137 = tpu.vector_load %arg6[%get3A_136] {strides = array<i32>} : memref<8192xf32, #tpu.memory_space<vmem>>, vector<16xf32>,
      %get3A_138 = vector.shape_cast %get3A_137 : vector<16xf32> to vector<16xf32>
      %add3A_139 = arith.addf %add3A_107, %get3A_138 : vector<16xf32>
      %get3A_140 = arith.constant 2256 : index
      %get3A_141 = tpu.vector_load %arg6[%get3A_140] {strides = array<i32>} : memref<8192xf32, #tpu.memory_space<vmem>>, vector<16xf32>,
      %get3A_142 = vector.shape_cast %get3A_141 : vector<16xf32> to vector<16xf32>
      %add3A_143 = arith.addf %add3A_111, %get3A_142 : vector<16xf32>
      %get3A_144 = arith.constant 2272 : index
      %get3A_145 = tpu.vector_load %arg6[%get3A_144] {strides = array<i32>} : memref<8192xf32, #tpu.memory_space<vmem>>, vector<16xf32>,
      %get3A_146 = vector.shape_cast %get3A_145 : vector<16xf32> to vector<16xf32>
      %add3A_147 = arith.addf %add3A_115, %get3A_146 : vector<16xf32>
      %get3A_148 = arith.constant 2288 : index
      %get3A_149 = tpu.vector_load %arg6[%get3A_148] {strides = array<i32>} : memref<8192xf32, #tpu.memory_space<vmem>>, vector<16xf32>,
      %get3A_150 = vector.shape_cast %get3A_149 : vector<16xf32> to vector<16xf32>
      %add3A_151 = arith.addf %add3A_119, %get3A_150 : vector<16xf32>
      %get3A_152 = arith.constant 2304 : index
      %get3A_153 = tpu.vector_load %arg6[%get3A_152] {strides = array<i32>} : memref<8192xf32, #tpu.memory_space<vmem>>, vector<16xf32>,
      %get3A_154 = vector.shape_cast %get3A_153 : vector<16xf32> to vector<16xf32>
      %add3A_155 = arith.addf %add3A_123, %get3A_154 : vector<16xf32>
      %get3A_156 = arith.constant 2320 : index
      %get3A_157 = tpu.vector_load %arg6[%get3A_156] {strides = array<i32>} : memref<8192xf32, #tpu.memory_space<vmem>>, vector<16xf32>,
      %get3A_158 = vector.shape_cast %get3A_157 : vector<16xf32> to vector<16xf32>
      %add3A_159 = arith.addf %add3A_127, %get3A_158 : vector<16xf32>
      %get3A_160 = arith.constant 2336 : index
      %get3A_161 = tpu.vector_load %arg6[%get3A_160] {strides = array<i32>} : memref<8192xf32, #tpu.memory_space<vmem>>, vector<16xf32>,
      %get3A_162 = vector.shape_cast %get3A_161 : vector<16xf32> to vector<16xf32>
      %add3A_163 = arith.addf %add3A_131, %get3A_162 : vector<16xf32>
      %get3A_164 = arith.constant 2352 : index
      %get3A_165 = tpu.vector_load %arg6[%get3A_164] {strides = array<i32>} : memref<8192xf32, #tpu.memory_space<vmem>>, vector<16xf32>,
      %get3A_166 = vector.shape_cast %get3A_165 : vector<16xf32> to vector<16xf32>
      %add3A_167 = arith.addf %add3A_135, %get3A_166 : vector<16xf32>
      %get3A_168 = arith.constant 0 : index
      %get3A_169 = tpu.vector_load %arg7[%get3A_168] {strides = array<i32>} : memref<16xf32, #tpu.memory_space<vmem>>, vector<16xf32>,
      %get3A_170 = vector.shape_cast %get3A_169 : vector<16xf32> to vector<16xf32>
      %add3A_171 = arith.addf %add3A_155, %add3A_159 : vector<16xf32>
      %add3A_172 = arith.addf %add3A_163, %add3A_167 : vector<16xf32>
      %add3A_173 = arith.addf %add3A_139, %add3A_143 : vector<16xf32>
      %add3A_174 = arith.addf %add3A_147, %add3A_151 : vector<16xf32>
      %add3A_175 = arith.addf %add3A_171, %add3A_172 : vector<16xf32>
      %add3A_176 = arith.addf %add3A_173, %add3A_174 : vector<16xf32>
      %add3A_177 = arith.addf %add3A_175, %add3A_176 : vector<16xf32>
      %add3A_178 = arith.addf %get3A_170, %add3A_177 : vector<16xf32>
      %swap3A_179 = arith.constant 0 : index
      %swap3A_180 = tpu.vector_load %arg7[%swap3A_179] {strides = array<i32>} : memref<16xf32, #tpu.memory_space<vmem>>, vector<16xf32>,
      %swap3A_181 = vector.shape_cast %swap3A_180 : vector<16xf32> to vector<16xf32>
      %swap3A_182 = vector.shape_cast %add3A_178 : vector<16xf32> to vector<16xf32>
      tpu.vector_store %arg7[%swap3A_179], %swap3A_182 {strides = array<i32>} : memref<16xf32, #tpu.memory_space<vmem>>, vector<16xf32>,
    } else {
    }
    "tpu.region"() ({
      %run_scoped3A = tpu.sem_alloc : memref<!tpu.dma_semaphore, #tpu.memory_space<semaphore_mem>>
      %dma_start3A_75 = arith.constant 0 : i32
      %dma_start3A_76 = tpu.memref_slice %arg3[%add3A, %dma_start3A_75] : memref<32x16xf32, #tpu.memory_space<hbm>> -> memref<1x16xf32, #tpu.memory_space<hbm>>
      %dma_start3A_77 = tpu.memref_squeeze %dma_start3A_76 : memref<1x16xf32, #tpu.memory_space<hbm>> -> memref<16xf32, #tpu.memory_space<hbm>>
      %dma_start3A_78 = arith.constant 0 : i32
      %dma_start3A_79 = tpu.memref_slice %arg3[%add3A, %dma_start3A_78] : memref<32x16xf32, #tpu.memory_space<hbm>> -> memref<1x16xf32, #tpu.memory_space<hbm>>
      %dma_start3A_80 = tpu.memref_squeeze %dma_start3A_79 : memref<1x16xf32, #tpu.memory_space<hbm>> -> memref<16xf32, #tpu.memory_space<hbm>>
      tpu.enqueue_dma source(%arg7 : memref<16xf32, #tpu.memory_space<vmem>>) target(%dma_start3A_80 : memref<16xf32, #tpu.memory_space<hbm>>) target_semaphore(%run_scoped3A : memref<!tpu.dma_semaphore, #tpu.memory_space<semaphore_mem>>)
      %dma_wait3A_81 = arith.constant 0 : i32
      %dma_wait3A_82 = tpu.memref_slice %arg3[%add3A, %dma_wait3A_81] : memref<32x16xf32, #tpu.memory_space<hbm>> -> memref<1x16xf32, #tpu.memory_space<hbm>>
      %dma_wait3A_83 = tpu.memref_squeeze %dma_wait3A_82 : memref<1x16xf32, #tpu.memory_space<hbm>> -> memref<16xf32, #tpu.memory_space<hbm>>
      %dma_wait3A_84 = arith.constant 0 : i32
      %dma_wait3A_85 = tpu.memref_slice %arg3[%add3A, %dma_wait3A_84] : memref<32x16xf32, #tpu.memory_space<hbm>> -> memref<1x16xf32, #tpu.memory_space<hbm>>
      %dma_wait3A_86 = tpu.memref_squeeze %dma_wait3A_85 : memref<1x16xf32, #tpu.memory_space<hbm>> -> memref<16xf32, #tpu.memory_space<hbm>>
      tpu.wait_dma2 semaphore(%run_scoped3A : memref<!tpu.dma_semaphore, #tpu.memory_space<semaphore_mem>>) src(%arg7 : memref<16xf32, #tpu.memory_space<vmem>>) dst(%dma_wait3A_86 : memref<16xf32, #tpu.memory_space<hbm>>)
      tpu.yield
    }) : () -> ()
    return
  }
}

module attributes {stable_mosaic.version = 14 : i64} {
  func.func @body(%arg0: memref<4294967xf32, #tpu.memory_space<any>>, %arg1: memref<1x1xf32, #tpu.memory_space<smem>>, %arg2: memref<8x128xf32, #tpu.memory_space<vmem>>, %arg3: memref<262144xf32, #tpu.memory_space<vmem>>, %arg4: memref<262144xf32, #tpu.memory_space<vmem>>, %arg5: memref<262144xf32, #tpu.memory_space<vmem>>, %arg6: memref<262144xf32, #tpu.memory_space<vmem>>, %arg7: memref<!tpu.dma_semaphore, #tpu.memory_space<semaphore_mem>>, %arg8: memref<!tpu.dma_semaphore, #tpu.memory_space<semaphore_mem>>, %arg9: memref<!tpu.dma_semaphore, #tpu.memory_space<semaphore_mem>>, %arg10: memref<!tpu.dma_semaphore, #tpu.memory_space<semaphore_mem>>) attributes {dimension_semantics = [], scalar_prefetch = 0 : i64, scratch_operands = 9 : i64, tpu.core_type = #tpu.core_type<tc>} {
    %broadcast_in_dim3A = arith.constant 0.000000e+00 : f32
    %broadcast_in_dim3A_0 = vector.broadcast %broadcast_in_dim3A : f32 to vector<8x128xf32>
    %swap3A = arith.constant 0 : index
    %swap3A_1 = arith.constant 0 : index
    %swap3A_2 = vector.load %arg2[%swap3A, %swap3A_1] : memref<8x128xf32, #tpu.memory_space<vmem>>, vector<8x128xf32>
    tpu.vector_store %arg2[%swap3A, %swap3A_1], %broadcast_in_dim3A_0 {strides = array<i32>} : memref<8x128xf32, #tpu.memory_space<vmem>>, vector<8x128xf32>,
    %dma_start3A = arith.constant 0 : i32
    %dma_start3A_3 = tpu.memref_slice %arg0[%dma_start3A] : memref<4294967xf32, #tpu.memory_space<any>> -> memref<262144xf32, #tpu.memory_space<any>>
    tpu.enqueue_dma source(%dma_start3A_3 : memref<262144xf32, #tpu.memory_space<any>>) target(%arg3 : memref<262144xf32, #tpu.memory_space<vmem>>) target_semaphore(%arg7 : memref<!tpu.dma_semaphore, #tpu.memory_space<semaphore_mem>>)
    %dma_start3A_4 = arith.constant 262144 : i32
    %dma_start3A_5 = tpu.memref_slice %arg0[%dma_start3A_4] : memref<4294967xf32, #tpu.memory_space<any>> -> memref<262144xf32, #tpu.memory_space<any>>
    tpu.enqueue_dma source(%dma_start3A_5 : memref<262144xf32, #tpu.memory_space<any>>) target(%arg4 : memref<262144xf32, #tpu.memory_space<vmem>>) target_semaphore(%arg8 : memref<!tpu.dma_semaphore, #tpu.memory_space<semaphore_mem>>)
    %dma_start3A_6 = arith.constant 524288 : i32
    %dma_start3A_7 = tpu.memref_slice %arg0[%dma_start3A_6] : memref<4294967xf32, #tpu.memory_space<any>> -> memref<262144xf32, #tpu.memory_space<any>>
    tpu.enqueue_dma source(%dma_start3A_7 : memref<262144xf32, #tpu.memory_space<any>>) target(%arg5 : memref<262144xf32, #tpu.memory_space<vmem>>) target_semaphore(%arg9 : memref<!tpu.dma_semaphore, #tpu.memory_space<semaphore_mem>>)
    %dma_start3A_8 = arith.constant 786432 : i32
    %dma_start3A_9 = tpu.memref_slice %arg0[%dma_start3A_8] : memref<4294967xf32, #tpu.memory_space<any>> -> memref<262144xf32, #tpu.memory_space<any>>
    tpu.enqueue_dma source(%dma_start3A_9 : memref<262144xf32, #tpu.memory_space<any>>) target(%arg6 : memref<262144xf32, #tpu.memory_space<vmem>>) target_semaphore(%arg10 : memref<!tpu.dma_semaphore, #tpu.memory_space<semaphore_mem>>)
    %dma_wait3A = arith.constant 0 : i32
    %dma_wait3A_10 = tpu.memref_slice %arg0[%dma_wait3A] : memref<4294967xf32, #tpu.memory_space<any>> -> memref<262144xf32, #tpu.memory_space<any>>
    tpu.wait_dma2 semaphore(%arg7 : memref<!tpu.dma_semaphore, #tpu.memory_space<semaphore_mem>>) src(%dma_wait3A_10 : memref<262144xf32, #tpu.memory_space<any>>) dst(%arg3 : memref<262144xf32, #tpu.memory_space<vmem>>)
    %scan3A = arith.constant 0 : i32
    %scan3A_11 = arith.constant 8 : i32
    %scan3A_12 = arith.addi %scan3A, %scan3A_11 : i32
    %scan3A_13 = arith.constant 1 : i32
    scf.for %scan3A_135 = %scan3A to %scan3A_12 step %scan3A_13  : i32 {
      %mul3A = arith.constant 32768 : i32
      %mul3A_136 = arith.muli %scan3A_135, %mul3A : i32
      %get3A_137 = arith.index_cast %mul3A_136 : i32 to index
      %get3A_138 = vector.load %arg3[%get3A_137] : memref<262144xf32, #tpu.memory_space<vmem>>, vector<32768xf32>
      %reshape3A = vector.shape_cast %get3A_138 : vector<32768xf32> to vector<256x128xf32>
      %slice3A = vector.extract_strided_slice %reshape3A {offsets = [0, 0], sizes = [8, 128], strides = [1, 1]} : vector<256x128xf32> to vector<8x128xf32>
      %slice3A_139 = vector.extract_strided_slice %reshape3A {offsets = [8, 0], sizes = [8, 128], strides = [1, 1]} : vector<256x128xf32> to vector<8x128xf32>
      %add3A = arith.addf %slice3A, %slice3A_139 : vector<8x128xf32>
      %slice3A_140 = vector.extract_strided_slice %reshape3A {offsets = [16, 0], sizes = [8, 128], strides = [1, 1]} : vector<256x128xf32> to vector<8x128xf32>
      %add3A_141 = arith.addf %add3A, %slice3A_140 : vector<8x128xf32>
      %slice3A_142 = vector.extract_strided_slice %reshape3A {offsets = [24, 0], sizes = [8, 128], strides = [1, 1]} : vector<256x128xf32> to vector<8x128xf32>
      %add3A_143 = arith.addf %add3A_141, %slice3A_142 : vector<8x128xf32>
      %slice3A_144 = vector.extract_strided_slice %reshape3A {offsets = [32, 0], sizes = [8, 128], strides = [1, 1]} : vector<256x128xf32> to vector<8x128xf32>
      %slice3A_145 = vector.extract_strided_slice %reshape3A {offsets = [40, 0], sizes = [8, 128], strides = [1, 1]} : vector<256x128xf32> to vector<8x128xf32>
      %add3A_146 = arith.addf %slice3A_144, %slice3A_145 : vector<8x128xf32>
      %slice3A_147 = vector.extract_strided_slice %reshape3A {offsets = [48, 0], sizes = [8, 128], strides = [1, 1]} : vector<256x128xf32> to vector<8x128xf32>
      %add3A_148 = arith.addf %add3A_146, %slice3A_147 : vector<8x128xf32>
      %slice3A_149 = vector.extract_strided_slice %reshape3A {offsets = [56, 0], sizes = [8, 128], strides = [1, 1]} : vector<256x128xf32> to vector<8x128xf32>
      %add3A_150 = arith.addf %add3A_148, %slice3A_149 : vector<8x128xf32>
      %slice3A_151 = vector.extract_strided_slice %reshape3A {offsets = [64, 0], sizes = [8, 128], strides = [1, 1]} : vector<256x128xf32> to vector<8x128xf32>
      %slice3A_152 = vector.extract_strided_slice %reshape3A {offsets = [72, 0], sizes = [8, 128], strides = [1, 1]} : vector<256x128xf32> to vector<8x128xf32>
      %add3A_153 = arith.addf %slice3A_151, %slice3A_152 : vector<8x128xf32>
      %slice3A_154 = vector.extract_strided_slice %reshape3A {offsets = [80, 0], sizes = [8, 128], strides = [1, 1]} : vector<256x128xf32> to vector<8x128xf32>
      %add3A_155 = arith.addf %add3A_153, %slice3A_154 : vector<8x128xf32>
      %slice3A_156 = vector.extract_strided_slice %reshape3A {offsets = [88, 0], sizes = [8, 128], strides = [1, 1]} : vector<256x128xf32> to vector<8x128xf32>
      %add3A_157 = arith.addf %add3A_155, %slice3A_156 : vector<8x128xf32>
      %slice3A_158 = vector.extract_strided_slice %reshape3A {offsets = [96, 0], sizes = [8, 128], strides = [1, 1]} : vector<256x128xf32> to vector<8x128xf32>
      %slice3A_159 = vector.extract_strided_slice %reshape3A {offsets = [104, 0], sizes = [8, 128], strides = [1, 1]} : vector<256x128xf32> to vector<8x128xf32>
      %add3A_160 = arith.addf %slice3A_158, %slice3A_159 : vector<8x128xf32>
      %slice3A_161 = vector.extract_strided_slice %reshape3A {offsets = [112, 0], sizes = [8, 128], strides = [1, 1]} : vector<256x128xf32> to vector<8x128xf32>
      %add3A_162 = arith.addf %add3A_160, %slice3A_161 : vector<8x128xf32>
      %slice3A_163 = vector.extract_strided_slice %reshape3A {offsets = [120, 0], sizes = [8, 128], strides = [1, 1]} : vector<256x128xf32> to vector<8x128xf32>
      %add3A_164 = arith.addf %add3A_162, %slice3A_163 : vector<8x128xf32>
      %slice3A_165 = vector.extract_strided_slice %reshape3A {offsets = [128, 0], sizes = [8, 128], strides = [1, 1]} : vector<256x128xf32> to vector<8x128xf32>
      %slice3A_166 = vector.extract_strided_slice %reshape3A {offsets = [136, 0], sizes = [8, 128], strides = [1, 1]} : vector<256x128xf32> to vector<8x128xf32>
      %add3A_167 = arith.addf %slice3A_165, %slice3A_166 : vector<8x128xf32>
      %slice3A_168 = vector.extract_strided_slice %reshape3A {offsets = [144, 0], sizes = [8, 128], strides = [1, 1]} : vector<256x128xf32> to vector<8x128xf32>
      %add3A_169 = arith.addf %add3A_167, %slice3A_168 : vector<8x128xf32>
      %slice3A_170 = vector.extract_strided_slice %reshape3A {offsets = [152, 0], sizes = [8, 128], strides = [1, 1]} : vector<256x128xf32> to vector<8x128xf32>
      %add3A_171 = arith.addf %add3A_169, %slice3A_170 : vector<8x128xf32>
      %slice3A_172 = vector.extract_strided_slice %reshape3A {offsets = [160, 0], sizes = [8, 128], strides = [1, 1]} : vector<256x128xf32> to vector<8x128xf32>
      %slice3A_173 = vector.extract_strided_slice %reshape3A {offsets = [168, 0], sizes = [8, 128], strides = [1, 1]} : vector<256x128xf32> to vector<8x128xf32>
      %add3A_174 = arith.addf %slice3A_172, %slice3A_173 : vector<8x128xf32>
      %slice3A_175 = vector.extract_strided_slice %reshape3A {offsets = [176, 0], sizes = [8, 128], strides = [1, 1]} : vector<256x128xf32> to vector<8x128xf32>
      %add3A_176 = arith.addf %add3A_174, %slice3A_175 : vector<8x128xf32>
      %slice3A_177 = vector.extract_strided_slice %reshape3A {offsets = [184, 0], sizes = [8, 128], strides = [1, 1]} : vector<256x128xf32> to vector<8x128xf32>
      %add3A_178 = arith.addf %add3A_176, %slice3A_177 : vector<8x128xf32>
      %slice3A_179 = vector.extract_strided_slice %reshape3A {offsets = [192, 0], sizes = [8, 128], strides = [1, 1]} : vector<256x128xf32> to vector<8x128xf32>
      %slice3A_180 = vector.extract_strided_slice %reshape3A {offsets = [200, 0], sizes = [8, 128], strides = [1, 1]} : vector<256x128xf32> to vector<8x128xf32>
      %add3A_181 = arith.addf %slice3A_179, %slice3A_180 : vector<8x128xf32>
      %slice3A_182 = vector.extract_strided_slice %reshape3A {offsets = [208, 0], sizes = [8, 128], strides = [1, 1]} : vector<256x128xf32> to vector<8x128xf32>
      %add3A_183 = arith.addf %add3A_181, %slice3A_182 : vector<8x128xf32>
      %slice3A_184 = vector.extract_strided_slice %reshape3A {offsets = [216, 0], sizes = [8, 128], strides = [1, 1]} : vector<256x128xf32> to vector<8x128xf32>
      %add3A_185 = arith.addf %add3A_183, %slice3A_184 : vector<8x128xf32>
      %slice3A_186 = vector.extract_strided_slice %reshape3A {offsets = [224, 0], sizes = [8, 128], strides = [1, 1]} : vector<256x128xf32> to vector<8x128xf32>
      %slice3A_187 = vector.extract_strided_slice %reshape3A {offsets = [232, 0], sizes = [8, 128], strides = [1, 1]} : vector<256x128xf32> to vector<8x128xf32>
      %add3A_188 = arith.addf %slice3A_186, %slice3A_187 : vector<8x128xf32>
      %slice3A_189 = vector.extract_strided_slice %reshape3A {offsets = [240, 0], sizes = [8, 128], strides = [1, 1]} : vector<256x128xf32> to vector<8x128xf32>
      %add3A_190 = arith.addf %add3A_188, %slice3A_189 : vector<8x128xf32>
      %slice3A_191 = vector.extract_strided_slice %reshape3A {offsets = [248, 0], sizes = [8, 128], strides = [1, 1]} : vector<256x128xf32> to vector<8x128xf32>
      %add3A_192 = arith.addf %add3A_190, %slice3A_191 : vector<8x128xf32>
      %get3A_193 = arith.constant 0 : index
      %get3A_194 = arith.constant 0 : index
      %get3A_195 = vector.load %arg2[%get3A_193, %get3A_194] : memref<8x128xf32, #tpu.memory_space<vmem>>, vector<8x128xf32>
      %add3A_196 = arith.addf %add3A_143, %add3A_150 : vector<8x128xf32>
      %add3A_197 = arith.addf %add3A_157, %add3A_164 : vector<8x128xf32>
      %add3A_198 = arith.addf %add3A_171, %add3A_178 : vector<8x128xf32>
      %add3A_199 = arith.addf %add3A_185, %add3A_192 : vector<8x128xf32>
      %add3A_200 = arith.addf %add3A_196, %add3A_197 : vector<8x128xf32>
      %add3A_201 = arith.addf %add3A_198, %add3A_199 : vector<8x128xf32>
      %add3A_202 = arith.addf %add3A_200, %add3A_201 : vector<8x128xf32>
      %add3A_203 = arith.addf %get3A_195, %add3A_202 : vector<8x128xf32>
      %swap3A_204 = arith.constant 0 : index
      %swap3A_205 = arith.constant 0 : index
      %swap3A_206 = vector.load %arg2[%swap3A_204, %swap3A_205] : memref<8x128xf32, #tpu.memory_space<vmem>>, vector<8x128xf32>
      tpu.vector_store %arg2[%swap3A_204, %swap3A_205], %add3A_203 {strides = array<i32>} : memref<8x128xf32, #tpu.memory_space<vmem>>, vector<8x128xf32>,
    }
    %scan3A_14 = arith.constant 8 : i32
    %dma_start3A_15 = arith.constant 1048576 : i32
    %dma_start3A_16 = tpu.memref_slice %arg0[%dma_start3A_15] : memref<4294967xf32, #tpu.memory_space<any>> -> memref<262144xf32, #tpu.memory_space<any>>
    tpu.enqueue_dma source(%dma_start3A_16 : memref<262144xf32, #tpu.memory_space<any>>) target(%arg3 : memref<262144xf32, #tpu.memory_space<vmem>>) target_semaphore(%arg7 : memref<!tpu.dma_semaphore, #tpu.memory_space<semaphore_mem>>)
    %dma_wait3A_17 = arith.constant 0 : i32
    %dma_wait3A_18 = tpu.memref_slice %arg0[%dma_wait3A_17] : memref<4294967xf32, #tpu.memory_space<any>> -> memref<262144xf32, #tpu.memory_space<any>>
    tpu.wait_dma2 semaphore(%arg8 : memref<!tpu.dma_semaphore, #tpu.memory_space<semaphore_mem>>) src(%dma_wait3A_18 : memref<262144xf32, #tpu.memory_space<any>>) dst(%arg4 : memref<262144xf32, #tpu.memory_space<vmem>>)
    %scan3A_19 = arith.constant 0 : i32
    %scan3A_20 = arith.constant 8 : i32
    %scan3A_21 = arith.addi %scan3A_19, %scan3A_20 : i32
    %scan3A_22 = arith.constant 1 : i32
    scf.for %scan3A_135 = %scan3A_19 to %scan3A_21 step %scan3A_22  : i32 {
      %mul3A = arith.constant 32768 : i32
      %mul3A_136 = arith.muli %scan3A_135, %mul3A : i32
      %get3A_137 = arith.index_cast %mul3A_136 : i32 to index
      %get3A_138 = vector.load %arg4[%get3A_137] : memref<262144xf32, #tpu.memory_space<vmem>>, vector<32768xf32>
      %reshape3A = vector.shape_cast %get3A_138 : vector<32768xf32> to vector<256x128xf32>
      %slice3A = vector.extract_strided_slice %reshape3A {offsets = [0, 0], sizes = [8, 128], strides = [1, 1]} : vector<256x128xf32> to vector<8x128xf32>
      %slice3A_139 = vector.extract_strided_slice %reshape3A {offsets = [8, 0], sizes = [8, 128], strides = [1, 1]} : vector<256x128xf32> to vector<8x128xf32>
      %add3A = arith.addf %slice3A, %slice3A_139 : vector<8x128xf32>
      %slice3A_140 = vector.extract_strided_slice %reshape3A {offsets = [16, 0], sizes = [8, 128], strides = [1, 1]} : vector<256x128xf32> to vector<8x128xf32>
      %add3A_141 = arith.addf %add3A, %slice3A_140 : vector<8x128xf32>
      %slice3A_142 = vector.extract_strided_slice %reshape3A {offsets = [24, 0], sizes = [8, 128], strides = [1, 1]} : vector<256x128xf32> to vector<8x128xf32>
      %add3A_143 = arith.addf %add3A_141, %slice3A_142 : vector<8x128xf32>
      %slice3A_144 = vector.extract_strided_slice %reshape3A {offsets = [32, 0], sizes = [8, 128], strides = [1, 1]} : vector<256x128xf32> to vector<8x128xf32>
      %slice3A_145 = vector.extract_strided_slice %reshape3A {offsets = [40, 0], sizes = [8, 128], strides = [1, 1]} : vector<256x128xf32> to vector<8x128xf32>
      %add3A_146 = arith.addf %slice3A_144, %slice3A_145 : vector<8x128xf32>
      %slice3A_147 = vector.extract_strided_slice %reshape3A {offsets = [48, 0], sizes = [8, 128], strides = [1, 1]} : vector<256x128xf32> to vector<8x128xf32>
      %add3A_148 = arith.addf %add3A_146, %slice3A_147 : vector<8x128xf32>
      %slice3A_149 = vector.extract_strided_slice %reshape3A {offsets = [56, 0], sizes = [8, 128], strides = [1, 1]} : vector<256x128xf32> to vector<8x128xf32>
      %add3A_150 = arith.addf %add3A_148, %slice3A_149 : vector<8x128xf32>
      %slice3A_151 = vector.extract_strided_slice %reshape3A {offsets = [64, 0], sizes = [8, 128], strides = [1, 1]} : vector<256x128xf32> to vector<8x128xf32>
      %slice3A_152 = vector.extract_strided_slice %reshape3A {offsets = [72, 0], sizes = [8, 128], strides = [1, 1]} : vector<256x128xf32> to vector<8x128xf32>
      %add3A_153 = arith.addf %slice3A_151, %slice3A_152 : vector<8x128xf32>
      %slice3A_154 = vector.extract_strided_slice %reshape3A {offsets = [80, 0], sizes = [8, 128], strides = [1, 1]} : vector<256x128xf32> to vector<8x128xf32>
      %add3A_155 = arith.addf %add3A_153, %slice3A_154 : vector<8x128xf32>
      %slice3A_156 = vector.extract_strided_slice %reshape3A {offsets = [88, 0], sizes = [8, 128], strides = [1, 1]} : vector<256x128xf32> to vector<8x128xf32>
      %add3A_157 = arith.addf %add3A_155, %slice3A_156 : vector<8x128xf32>
      %slice3A_158 = vector.extract_strided_slice %reshape3A {offsets = [96, 0], sizes = [8, 128], strides = [1, 1]} : vector<256x128xf32> to vector<8x128xf32>
      %slice3A_159 = vector.extract_strided_slice %reshape3A {offsets = [104, 0], sizes = [8, 128], strides = [1, 1]} : vector<256x128xf32> to vector<8x128xf32>
      %add3A_160 = arith.addf %slice3A_158, %slice3A_159 : vector<8x128xf32>
      %slice3A_161 = vector.extract_strided_slice %reshape3A {offsets = [112, 0], sizes = [8, 128], strides = [1, 1]} : vector<256x128xf32> to vector<8x128xf32>
      %add3A_162 = arith.addf %add3A_160, %slice3A_161 : vector<8x128xf32>
      %slice3A_163 = vector.extract_strided_slice %reshape3A {offsets = [120, 0], sizes = [8, 128], strides = [1, 1]} : vector<256x128xf32> to vector<8x128xf32>
      %add3A_164 = arith.addf %add3A_162, %slice3A_163 : vector<8x128xf32>
      %slice3A_165 = vector.extract_strided_slice %reshape3A {offsets = [128, 0], sizes = [8, 128], strides = [1, 1]} : vector<256x128xf32> to vector<8x128xf32>
      %slice3A_166 = vector.extract_strided_slice %reshape3A {offsets = [136, 0], sizes = [8, 128], strides = [1, 1]} : vector<256x128xf32> to vector<8x128xf32>
      %add3A_167 = arith.addf %slice3A_165, %slice3A_166 : vector<8x128xf32>
      %slice3A_168 = vector.extract_strided_slice %reshape3A {offsets = [144, 0], sizes = [8, 128], strides = [1, 1]} : vector<256x128xf32> to vector<8x128xf32>
      %add3A_169 = arith.addf %add3A_167, %slice3A_168 : vector<8x128xf32>
      %slice3A_170 = vector.extract_strided_slice %reshape3A {offsets = [152, 0], sizes = [8, 128], strides = [1, 1]} : vector<256x128xf32> to vector<8x128xf32>
      %add3A_171 = arith.addf %add3A_169, %slice3A_170 : vector<8x128xf32>
      %slice3A_172 = vector.extract_strided_slice %reshape3A {offsets = [160, 0], sizes = [8, 128], strides = [1, 1]} : vector<256x128xf32> to vector<8x128xf32>
      %slice3A_173 = vector.extract_strided_slice %reshape3A {offsets = [168, 0], sizes = [8, 128], strides = [1, 1]} : vector<256x128xf32> to vector<8x128xf32>
      %add3A_174 = arith.addf %slice3A_172, %slice3A_173 : vector<8x128xf32>
      %slice3A_175 = vector.extract_strided_slice %reshape3A {offsets = [176, 0], sizes = [8, 128], strides = [1, 1]} : vector<256x128xf32> to vector<8x128xf32>
      %add3A_176 = arith.addf %add3A_174, %slice3A_175 : vector<8x128xf32>
      %slice3A_177 = vector.extract_strided_slice %reshape3A {offsets = [184, 0], sizes = [8, 128], strides = [1, 1]} : vector<256x128xf32> to vector<8x128xf32>
      %add3A_178 = arith.addf %add3A_176, %slice3A_177 : vector<8x128xf32>
      %slice3A_179 = vector.extract_strided_slice %reshape3A {offsets = [192, 0], sizes = [8, 128], strides = [1, 1]} : vector<256x128xf32> to vector<8x128xf32>
      %slice3A_180 = vector.extract_strided_slice %reshape3A {offsets = [200, 0], sizes = [8, 128], strides = [1, 1]} : vector<256x128xf32> to vector<8x128xf32>
      %add3A_181 = arith.addf %slice3A_179, %slice3A_180 : vector<8x128xf32>
      %slice3A_182 = vector.extract_strided_slice %reshape3A {offsets = [208, 0], sizes = [8, 128], strides = [1, 1]} : vector<256x128xf32> to vector<8x128xf32>
      %add3A_183 = arith.addf %add3A_181, %slice3A_182 : vector<8x128xf32>
      %slice3A_184 = vector.extract_strided_slice %reshape3A {offsets = [216, 0], sizes = [8, 128], strides = [1, 1]} : vector<256x128xf32> to vector<8x128xf32>
      %add3A_185 = arith.addf %add3A_183, %slice3A_184 : vector<8x128xf32>
      %slice3A_186 = vector.extract_strided_slice %reshape3A {offsets = [224, 0], sizes = [8, 128], strides = [1, 1]} : vector<256x128xf32> to vector<8x128xf32>
      %slice3A_187 = vector.extract_strided_slice %reshape3A {offsets = [232, 0], sizes = [8, 128], strides = [1, 1]} : vector<256x128xf32> to vector<8x128xf32>
      %add3A_188 = arith.addf %slice3A_186, %slice3A_187 : vector<8x128xf32>
      %slice3A_189 = vector.extract_strided_slice %reshape3A {offsets = [240, 0], sizes = [8, 128], strides = [1, 1]} : vector<256x128xf32> to vector<8x128xf32>
      %add3A_190 = arith.addf %add3A_188, %slice3A_189 : vector<8x128xf32>
      %slice3A_191 = vector.extract_strided_slice %reshape3A {offsets = [248, 0], sizes = [8, 128], strides = [1, 1]} : vector<256x128xf32> to vector<8x128xf32>
      %add3A_192 = arith.addf %add3A_190, %slice3A_191 : vector<8x128xf32>
      %get3A_193 = arith.constant 0 : index
      %get3A_194 = arith.constant 0 : index
      %get3A_195 = vector.load %arg2[%get3A_193, %get3A_194] : memref<8x128xf32, #tpu.memory_space<vmem>>, vector<8x128xf32>
      %add3A_196 = arith.addf %add3A_143, %add3A_150 : vector<8x128xf32>
      %add3A_197 = arith.addf %add3A_157, %add3A_164 : vector<8x128xf32>
      %add3A_198 = arith.addf %add3A_171, %add3A_178 : vector<8x128xf32>
      %add3A_199 = arith.addf %add3A_185, %add3A_192 : vector<8x128xf32>
      %add3A_200 = arith.addf %add3A_196, %add3A_197 : vector<8x128xf32>
      %add3A_201 = arith.addf %add3A_198, %add3A_199 : vector<8x128xf32>
      %add3A_202 = arith.addf %add3A_200, %add3A_201 : vector<8x128xf32>
      %add3A_203 = arith.addf %get3A_195, %add3A_202 : vector<8x128xf32>
      %swap3A_204 = arith.constant 0 : index
      %swap3A_205 = arith.constant 0 : index
      %swap3A_206 = vector.load %arg2[%swap3A_204, %swap3A_205] : memref<8x128xf32, #tpu.memory_space<vmem>>, vector<8x128xf32>
      tpu.vector_store %arg2[%swap3A_204, %swap3A_205], %add3A_203 {strides = array<i32>} : memref<8x128xf32, #tpu.memory_space<vmem>>, vector<8x128xf32>,
    }
    %scan3A_23 = arith.constant 8 : i32
    %dma_start3A_24 = arith.constant 1310720 : i32
    %dma_start3A_25 = tpu.memref_slice %arg0[%dma_start3A_24] : memref<4294967xf32, #tpu.memory_space<any>> -> memref<262144xf32, #tpu.memory_space<any>>
    tpu.enqueue_dma source(%dma_start3A_25 : memref<262144xf32, #tpu.memory_space<any>>) target(%arg4 : memref<262144xf32, #tpu.memory_space<vmem>>) target_semaphore(%arg8 : memref<!tpu.dma_semaphore, #tpu.memory_space<semaphore_mem>>)
    %dma_wait3A_26 = arith.constant 0 : i32
    %dma_wait3A_27 = tpu.memref_slice %arg0[%dma_wait3A_26] : memref<4294967xf32, #tpu.memory_space<any>> -> memref<262144xf32, #tpu.memory_space<any>>
    tpu.wait_dma2 semaphore(%arg9 : memref<!tpu.dma_semaphore, #tpu.memory_space<semaphore_mem>>) src(%dma_wait3A_27 : memref<262144xf32, #tpu.memory_space<any>>) dst(%arg5 : memref<262144xf32, #tpu.memory_space<vmem>>)
    %scan3A_28 = arith.constant 0 : i32
    %scan3A_29 = arith.constant 8 : i32
    %scan3A_30 = arith.addi %scan3A_28, %scan3A_29 : i32
    %scan3A_31 = arith.constant 1 : i32
    scf.for %scan3A_135 = %scan3A_28 to %scan3A_30 step %scan3A_31  : i32 {
      %mul3A = arith.constant 32768 : i32
      %mul3A_136 = arith.muli %scan3A_135, %mul3A : i32
      %get3A_137 = arith.index_cast %mul3A_136 : i32 to index
      %get3A_138 = vector.load %arg5[%get3A_137] : memref<262144xf32, #tpu.memory_space<vmem>>, vector<32768xf32>
      %reshape3A = vector.shape_cast %get3A_138 : vector<32768xf32> to vector<256x128xf32>
      %slice3A = vector.extract_strided_slice %reshape3A {offsets = [0, 0], sizes = [8, 128], strides = [1, 1]} : vector<256x128xf32> to vector<8x128xf32>
      %slice3A_139 = vector.extract_strided_slice %reshape3A {offsets = [8, 0], sizes = [8, 128], strides = [1, 1]} : vector<256x128xf32> to vector<8x128xf32>
      %add3A = arith.addf %slice3A, %slice3A_139 : vector<8x128xf32>
      %slice3A_140 = vector.extract_strided_slice %reshape3A {offsets = [16, 0], sizes = [8, 128], strides = [1, 1]} : vector<256x128xf32> to vector<8x128xf32>
      %add3A_141 = arith.addf %add3A, %slice3A_140 : vector<8x128xf32>
      %slice3A_142 = vector.extract_strided_slice %reshape3A {offsets = [24, 0], sizes = [8, 128], strides = [1, 1]} : vector<256x128xf32> to vector<8x128xf32>
      %add3A_143 = arith.addf %add3A_141, %slice3A_142 : vector<8x128xf32>
      %slice3A_144 = vector.extract_strided_slice %reshape3A {offsets = [32, 0], sizes = [8, 128], strides = [1, 1]} : vector<256x128xf32> to vector<8x128xf32>
      %slice3A_145 = vector.extract_strided_slice %reshape3A {offsets = [40, 0], sizes = [8, 128], strides = [1, 1]} : vector<256x128xf32> to vector<8x128xf32>
      %add3A_146 = arith.addf %slice3A_144, %slice3A_145 : vector<8x128xf32>
      %slice3A_147 = vector.extract_strided_slice %reshape3A {offsets = [48, 0], sizes = [8, 128], strides = [1, 1]} : vector<256x128xf32> to vector<8x128xf32>
      %add3A_148 = arith.addf %add3A_146, %slice3A_147 : vector<8x128xf32>
      %slice3A_149 = vector.extract_strided_slice %reshape3A {offsets = [56, 0], sizes = [8, 128], strides = [1, 1]} : vector<256x128xf32> to vector<8x128xf32>
      %add3A_150 = arith.addf %add3A_148, %slice3A_149 : vector<8x128xf32>
      %slice3A_151 = vector.extract_strided_slice %reshape3A {offsets = [64, 0], sizes = [8, 128], strides = [1, 1]} : vector<256x128xf32> to vector<8x128xf32>
      %slice3A_152 = vector.extract_strided_slice %reshape3A {offsets = [72, 0], sizes = [8, 128], strides = [1, 1]} : vector<256x128xf32> to vector<8x128xf32>
      %add3A_153 = arith.addf %slice3A_151, %slice3A_152 : vector<8x128xf32>
      %slice3A_154 = vector.extract_strided_slice %reshape3A {offsets = [80, 0], sizes = [8, 128], strides = [1, 1]} : vector<256x128xf32> to vector<8x128xf32>
      %add3A_155 = arith.addf %add3A_153, %slice3A_154 : vector<8x128xf32>
      %slice3A_156 = vector.extract_strided_slice %reshape3A {offsets = [88, 0], sizes = [8, 128], strides = [1, 1]} : vector<256x128xf32> to vector<8x128xf32>
      %add3A_157 = arith.addf %add3A_155, %slice3A_156 : vector<8x128xf32>
      %slice3A_158 = vector.extract_strided_slice %reshape3A {offsets = [96, 0], sizes = [8, 128], strides = [1, 1]} : vector<256x128xf32> to vector<8x128xf32>
      %slice3A_159 = vector.extract_strided_slice %reshape3A {offsets = [104, 0], sizes = [8, 128], strides = [1, 1]} : vector<256x128xf32> to vector<8x128xf32>
      %add3A_160 = arith.addf %slice3A_158, %slice3A_159 : vector<8x128xf32>
      %slice3A_161 = vector.extract_strided_slice %reshape3A {offsets = [112, 0], sizes = [8, 128], strides = [1, 1]} : vector<256x128xf32> to vector<8x128xf32>
      %add3A_162 = arith.addf %add3A_160, %slice3A_161 : vector<8x128xf32>
      %slice3A_163 = vector.extract_strided_slice %reshape3A {offsets = [120, 0], sizes = [8, 128], strides = [1, 1]} : vector<256x128xf32> to vector<8x128xf32>
      %add3A_164 = arith.addf %add3A_162, %slice3A_163 : vector<8x128xf32>
      %slice3A_165 = vector.extract_strided_slice %reshape3A {offsets = [128, 0], sizes = [8, 128], strides = [1, 1]} : vector<256x128xf32> to vector<8x128xf32>
      %slice3A_166 = vector.extract_strided_slice %reshape3A {offsets = [136, 0], sizes = [8, 128], strides = [1, 1]} : vector<256x128xf32> to vector<8x128xf32>
      %add3A_167 = arith.addf %slice3A_165, %slice3A_166 : vector<8x128xf32>
      %slice3A_168 = vector.extract_strided_slice %reshape3A {offsets = [144, 0], sizes = [8, 128], strides = [1, 1]} : vector<256x128xf32> to vector<8x128xf32>
      %add3A_169 = arith.addf %add3A_167, %slice3A_168 : vector<8x128xf32>
      %slice3A_170 = vector.extract_strided_slice %reshape3A {offsets = [152, 0], sizes = [8, 128], strides = [1, 1]} : vector<256x128xf32> to vector<8x128xf32>
      %add3A_171 = arith.addf %add3A_169, %slice3A_170 : vector<8x128xf32>
      %slice3A_172 = vector.extract_strided_slice %reshape3A {offsets = [160, 0], sizes = [8, 128], strides = [1, 1]} : vector<256x128xf32> to vector<8x128xf32>
      %slice3A_173 = vector.extract_strided_slice %reshape3A {offsets = [168, 0], sizes = [8, 128], strides = [1, 1]} : vector<256x128xf32> to vector<8x128xf32>
      %add3A_174 = arith.addf %slice3A_172, %slice3A_173 : vector<8x128xf32>
      %slice3A_175 = vector.extract_strided_slice %reshape3A {offsets = [176, 0], sizes = [8, 128], strides = [1, 1]} : vector<256x128xf32> to vector<8x128xf32>
      %add3A_176 = arith.addf %add3A_174, %slice3A_175 : vector<8x128xf32>
      %slice3A_177 = vector.extract_strided_slice %reshape3A {offsets = [184, 0], sizes = [8, 128], strides = [1, 1]} : vector<256x128xf32> to vector<8x128xf32>
      %add3A_178 = arith.addf %add3A_176, %slice3A_177 : vector<8x128xf32>
      %slice3A_179 = vector.extract_strided_slice %reshape3A {offsets = [192, 0], sizes = [8, 128], strides = [1, 1]} : vector<256x128xf32> to vector<8x128xf32>
      %slice3A_180 = vector.extract_strided_slice %reshape3A {offsets = [200, 0], sizes = [8, 128], strides = [1, 1]} : vector<256x128xf32> to vector<8x128xf32>
      %add3A_181 = arith.addf %slice3A_179, %slice3A_180 : vector<8x128xf32>
      %slice3A_182 = vector.extract_strided_slice %reshape3A {offsets = [208, 0], sizes = [8, 128], strides = [1, 1]} : vector<256x128xf32> to vector<8x128xf32>
      %add3A_183 = arith.addf %add3A_181, %slice3A_182 : vector<8x128xf32>
      %slice3A_184 = vector.extract_strided_slice %reshape3A {offsets = [216, 0], sizes = [8, 128], strides = [1, 1]} : vector<256x128xf32> to vector<8x128xf32>
      %add3A_185 = arith.addf %add3A_183, %slice3A_184 : vector<8x128xf32>
      %slice3A_186 = vector.extract_strided_slice %reshape3A {offsets = [224, 0], sizes = [8, 128], strides = [1, 1]} : vector<256x128xf32> to vector<8x128xf32>
      %slice3A_187 = vector.extract_strided_slice %reshape3A {offsets = [232, 0], sizes = [8, 128], strides = [1, 1]} : vector<256x128xf32> to vector<8x128xf32>
      %add3A_188 = arith.addf %slice3A_186, %slice3A_187 : vector<8x128xf32>
      %slice3A_189 = vector.extract_strided_slice %reshape3A {offsets = [240, 0], sizes = [8, 128], strides = [1, 1]} : vector<256x128xf32> to vector<8x128xf32>
      %add3A_190 = arith.addf %add3A_188, %slice3A_189 : vector<8x128xf32>
      %slice3A_191 = vector.extract_strided_slice %reshape3A {offsets = [248, 0], sizes = [8, 128], strides = [1, 1]} : vector<256x128xf32> to vector<8x128xf32>
      %add3A_192 = arith.addf %add3A_190, %slice3A_191 : vector<8x128xf32>
      %get3A_193 = arith.constant 0 : index
      %get3A_194 = arith.constant 0 : index
      %get3A_195 = vector.load %arg2[%get3A_193, %get3A_194] : memref<8x128xf32, #tpu.memory_space<vmem>>, vector<8x128xf32>
      %add3A_196 = arith.addf %add3A_143, %add3A_150 : vector<8x128xf32>
      %add3A_197 = arith.addf %add3A_157, %add3A_164 : vector<8x128xf32>
      %add3A_198 = arith.addf %add3A_171, %add3A_178 : vector<8x128xf32>
      %add3A_199 = arith.addf %add3A_185, %add3A_192 : vector<8x128xf32>
      %add3A_200 = arith.addf %add3A_196, %add3A_197 : vector<8x128xf32>
      %add3A_201 = arith.addf %add3A_198, %add3A_199 : vector<8x128xf32>
      %add3A_202 = arith.addf %add3A_200, %add3A_201 : vector<8x128xf32>
      %add3A_203 = arith.addf %get3A_195, %add3A_202 : vector<8x128xf32>
      %swap3A_204 = arith.constant 0 : index
      %swap3A_205 = arith.constant 0 : index
      %swap3A_206 = vector.load %arg2[%swap3A_204, %swap3A_205] : memref<8x128xf32, #tpu.memory_space<vmem>>, vector<8x128xf32>
      tpu.vector_store %arg2[%swap3A_204, %swap3A_205], %add3A_203 {strides = array<i32>} : memref<8x128xf32, #tpu.memory_space<vmem>>, vector<8x128xf32>,
    }
    %scan3A_32 = arith.constant 8 : i32
    %dma_start3A_33 = arith.constant 1572864 : i32
    %dma_start3A_34 = tpu.memref_slice %arg0[%dma_start3A_33] : memref<4294967xf32, #tpu.memory_space<any>> -> memref<262144xf32, #tpu.memory_space<any>>
    tpu.enqueue_dma source(%dma_start3A_34 : memref<262144xf32, #tpu.memory_space<any>>) target(%arg5 : memref<262144xf32, #tpu.memory_space<vmem>>) target_semaphore(%arg9 : memref<!tpu.dma_semaphore, #tpu.memory_space<semaphore_mem>>)
    %dma_wait3A_35 = arith.constant 0 : i32
    %dma_wait3A_36 = tpu.memref_slice %arg0[%dma_wait3A_35] : memref<4294967xf32, #tpu.memory_space<any>> -> memref<262144xf32, #tpu.memory_space<any>>
    tpu.wait_dma2 semaphore(%arg10 : memref<!tpu.dma_semaphore, #tpu.memory_space<semaphore_mem>>) src(%dma_wait3A_36 : memref<262144xf32, #tpu.memory_space<any>>) dst(%arg6 : memref<262144xf32, #tpu.memory_space<vmem>>)
    %scan3A_37 = arith.constant 0 : i32
    %scan3A_38 = arith.constant 8 : i32
    %scan3A_39 = arith.addi %scan3A_37, %scan3A_38 : i32
    %scan3A_40 = arith.constant 1 : i32
    scf.for %scan3A_135 = %scan3A_37 to %scan3A_39 step %scan3A_40  : i32 {
      %mul3A = arith.constant 32768 : i32
      %mul3A_136 = arith.muli %scan3A_135, %mul3A : i32
      %get3A_137 = arith.index_cast %mul3A_136 : i32 to index
      %get3A_138 = vector.load %arg6[%get3A_137] : memref<262144xf32, #tpu.memory_space<vmem>>, vector<32768xf32>
      %reshape3A = vector.shape_cast %get3A_138 : vector<32768xf32> to vector<256x128xf32>
      %slice3A = vector.extract_strided_slice %reshape3A {offsets = [0, 0], sizes = [8, 128], strides = [1, 1]} : vector<256x128xf32> to vector<8x128xf32>
      %slice3A_139 = vector.extract_strided_slice %reshape3A {offsets = [8, 0], sizes = [8, 128], strides = [1, 1]} : vector<256x128xf32> to vector<8x128xf32>
      %add3A = arith.addf %slice3A, %slice3A_139 : vector<8x128xf32>
      %slice3A_140 = vector.extract_strided_slice %reshape3A {offsets = [16, 0], sizes = [8, 128], strides = [1, 1]} : vector<256x128xf32> to vector<8x128xf32>
      %add3A_141 = arith.addf %add3A, %slice3A_140 : vector<8x128xf32>
      %slice3A_142 = vector.extract_strided_slice %reshape3A {offsets = [24, 0], sizes = [8, 128], strides = [1, 1]} : vector<256x128xf32> to vector<8x128xf32>
      %add3A_143 = arith.addf %add3A_141, %slice3A_142 : vector<8x128xf32>
      %slice3A_144 = vector.extract_strided_slice %reshape3A {offsets = [32, 0], sizes = [8, 128], strides = [1, 1]} : vector<256x128xf32> to vector<8x128xf32>
      %slice3A_145 = vector.extract_strided_slice %reshape3A {offsets = [40, 0], sizes = [8, 128], strides = [1, 1]} : vector<256x128xf32> to vector<8x128xf32>
      %add3A_146 = arith.addf %slice3A_144, %slice3A_145 : vector<8x128xf32>
      %slice3A_147 = vector.extract_strided_slice %reshape3A {offsets = [48, 0], sizes = [8, 128], strides = [1, 1]} : vector<256x128xf32> to vector<8x128xf32>
      %add3A_148 = arith.addf %add3A_146, %slice3A_147 : vector<8x128xf32>
      %slice3A_149 = vector.extract_strided_slice %reshape3A {offsets = [56, 0], sizes = [8, 128], strides = [1, 1]} : vector<256x128xf32> to vector<8x128xf32>
      %add3A_150 = arith.addf %add3A_148, %slice3A_149 : vector<8x128xf32>
      %slice3A_151 = vector.extract_strided_slice %reshape3A {offsets = [64, 0], sizes = [8, 128], strides = [1, 1]} : vector<256x128xf32> to vector<8x128xf32>
      %slice3A_152 = vector.extract_strided_slice %reshape3A {offsets = [72, 0], sizes = [8, 128], strides = [1, 1]} : vector<256x128xf32> to vector<8x128xf32>
      %add3A_153 = arith.addf %slice3A_151, %slice3A_152 : vector<8x128xf32>
      %slice3A_154 = vector.extract_strided_slice %reshape3A {offsets = [80, 0], sizes = [8, 128], strides = [1, 1]} : vector<256x128xf32> to vector<8x128xf32>
      %add3A_155 = arith.addf %add3A_153, %slice3A_154 : vector<8x128xf32>
      %slice3A_156 = vector.extract_strided_slice %reshape3A {offsets = [88, 0], sizes = [8, 128], strides = [1, 1]} : vector<256x128xf32> to vector<8x128xf32>
      %add3A_157 = arith.addf %add3A_155, %slice3A_156 : vector<8x128xf32>
      %slice3A_158 = vector.extract_strided_slice %reshape3A {offsets = [96, 0], sizes = [8, 128], strides = [1, 1]} : vector<256x128xf32> to vector<8x128xf32>
      %slice3A_159 = vector.extract_strided_slice %reshape3A {offsets = [104, 0], sizes = [8, 128], strides = [1, 1]} : vector<256x128xf32> to vector<8x128xf32>
      %add3A_160 = arith.addf %slice3A_158, %slice3A_159 : vector<8x128xf32>
      %slice3A_161 = vector.extract_strided_slice %reshape3A {offsets = [112, 0], sizes = [8, 128], strides = [1, 1]} : vector<256x128xf32> to vector<8x128xf32>
      %add3A_162 = arith.addf %add3A_160, %slice3A_161 : vector<8x128xf32>
      %slice3A_163 = vector.extract_strided_slice %reshape3A {offsets = [120, 0], sizes = [8, 128], strides = [1, 1]} : vector<256x128xf32> to vector<8x128xf32>
      %add3A_164 = arith.addf %add3A_162, %slice3A_163 : vector<8x128xf32>
      %slice3A_165 = vector.extract_strided_slice %reshape3A {offsets = [128, 0], sizes = [8, 128], strides = [1, 1]} : vector<256x128xf32> to vector<8x128xf32>
      %slice3A_166 = vector.extract_strided_slice %reshape3A {offsets = [136, 0], sizes = [8, 128], strides = [1, 1]} : vector<256x128xf32> to vector<8x128xf32>
      %add3A_167 = arith.addf %slice3A_165, %slice3A_166 : vector<8x128xf32>
      %slice3A_168 = vector.extract_strided_slice %reshape3A {offsets = [144, 0], sizes = [8, 128], strides = [1, 1]} : vector<256x128xf32> to vector<8x128xf32>
      %add3A_169 = arith.addf %add3A_167, %slice3A_168 : vector<8x128xf32>
      %slice3A_170 = vector.extract_strided_slice %reshape3A {offsets = [152, 0], sizes = [8, 128], strides = [1, 1]} : vector<256x128xf32> to vector<8x128xf32>
      %add3A_171 = arith.addf %add3A_169, %slice3A_170 : vector<8x128xf32>
      %slice3A_172 = vector.extract_strided_slice %reshape3A {offsets = [160, 0], sizes = [8, 128], strides = [1, 1]} : vector<256x128xf32> to vector<8x128xf32>
      %slice3A_173 = vector.extract_strided_slice %reshape3A {offsets = [168, 0], sizes = [8, 128], strides = [1, 1]} : vector<256x128xf32> to vector<8x128xf32>
      %add3A_174 = arith.addf %slice3A_172, %slice3A_173 : vector<8x128xf32>
      %slice3A_175 = vector.extract_strided_slice %reshape3A {offsets = [176, 0], sizes = [8, 128], strides = [1, 1]} : vector<256x128xf32> to vector<8x128xf32>
      %add3A_176 = arith.addf %add3A_174, %slice3A_175 : vector<8x128xf32>
      %slice3A_177 = vector.extract_strided_slice %reshape3A {offsets = [184, 0], sizes = [8, 128], strides = [1, 1]} : vector<256x128xf32> to vector<8x128xf32>
      %add3A_178 = arith.addf %add3A_176, %slice3A_177 : vector<8x128xf32>
      %slice3A_179 = vector.extract_strided_slice %reshape3A {offsets = [192, 0], sizes = [8, 128], strides = [1, 1]} : vector<256x128xf32> to vector<8x128xf32>
      %slice3A_180 = vector.extract_strided_slice %reshape3A {offsets = [200, 0], sizes = [8, 128], strides = [1, 1]} : vector<256x128xf32> to vector<8x128xf32>
      %add3A_181 = arith.addf %slice3A_179, %slice3A_180 : vector<8x128xf32>
      %slice3A_182 = vector.extract_strided_slice %reshape3A {offsets = [208, 0], sizes = [8, 128], strides = [1, 1]} : vector<256x128xf32> to vector<8x128xf32>
      %add3A_183 = arith.addf %add3A_181, %slice3A_182 : vector<8x128xf32>
      %slice3A_184 = vector.extract_strided_slice %reshape3A {offsets = [216, 0], sizes = [8, 128], strides = [1, 1]} : vector<256x128xf32> to vector<8x128xf32>
      %add3A_185 = arith.addf %add3A_183, %slice3A_184 : vector<8x128xf32>
      %slice3A_186 = vector.extract_strided_slice %reshape3A {offsets = [224, 0], sizes = [8, 128], strides = [1, 1]} : vector<256x128xf32> to vector<8x128xf32>
      %slice3A_187 = vector.extract_strided_slice %reshape3A {offsets = [232, 0], sizes = [8, 128], strides = [1, 1]} : vector<256x128xf32> to vector<8x128xf32>
      %add3A_188 = arith.addf %slice3A_186, %slice3A_187 : vector<8x128xf32>
      %slice3A_189 = vector.extract_strided_slice %reshape3A {offsets = [240, 0], sizes = [8, 128], strides = [1, 1]} : vector<256x128xf32> to vector<8x128xf32>
      %add3A_190 = arith.addf %add3A_188, %slice3A_189 : vector<8x128xf32>
      %slice3A_191 = vector.extract_strided_slice %reshape3A {offsets = [248, 0], sizes = [8, 128], strides = [1, 1]} : vector<256x128xf32> to vector<8x128xf32>
      %add3A_192 = arith.addf %add3A_190, %slice3A_191 : vector<8x128xf32>
      %get3A_193 = arith.constant 0 : index
      %get3A_194 = arith.constant 0 : index
      %get3A_195 = vector.load %arg2[%get3A_193, %get3A_194] : memref<8x128xf32, #tpu.memory_space<vmem>>, vector<8x128xf32>
      %add3A_196 = arith.addf %add3A_143, %add3A_150 : vector<8x128xf32>
      %add3A_197 = arith.addf %add3A_157, %add3A_164 : vector<8x128xf32>
      %add3A_198 = arith.addf %add3A_171, %add3A_178 : vector<8x128xf32>
      %add3A_199 = arith.addf %add3A_185, %add3A_192 : vector<8x128xf32>
      %add3A_200 = arith.addf %add3A_196, %add3A_197 : vector<8x128xf32>
      %add3A_201 = arith.addf %add3A_198, %add3A_199 : vector<8x128xf32>
      %add3A_202 = arith.addf %add3A_200, %add3A_201 : vector<8x128xf32>
      %add3A_203 = arith.addf %get3A_195, %add3A_202 : vector<8x128xf32>
      %swap3A_204 = arith.constant 0 : index
      %swap3A_205 = arith.constant 0 : index
      %swap3A_206 = vector.load %arg2[%swap3A_204, %swap3A_205] : memref<8x128xf32, #tpu.memory_space<vmem>>, vector<8x128xf32>
      tpu.vector_store %arg2[%swap3A_204, %swap3A_205], %add3A_203 {strides = array<i32>} : memref<8x128xf32, #tpu.memory_space<vmem>>, vector<8x128xf32>,
    }
    %scan3A_41 = arith.constant 8 : i32
    %dma_start3A_42 = arith.constant 1835008 : i32
    %dma_start3A_43 = tpu.memref_slice %arg0[%dma_start3A_42] : memref<4294967xf32, #tpu.memory_space<any>> -> memref<262144xf32, #tpu.memory_space<any>>
    tpu.enqueue_dma source(%dma_start3A_43 : memref<262144xf32, #tpu.memory_space<any>>) target(%arg6 : memref<262144xf32, #tpu.memory_space<vmem>>) target_semaphore(%arg10 : memref<!tpu.dma_semaphore, #tpu.memory_space<semaphore_mem>>)
    %dma_wait3A_44 = arith.constant 0 : i32
    %dma_wait3A_45 = tpu.memref_slice %arg0[%dma_wait3A_44] : memref<4294967xf32, #tpu.memory_space<any>> -> memref<262144xf32, #tpu.memory_space<any>>
    tpu.wait_dma2 semaphore(%arg7 : memref<!tpu.dma_semaphore, #tpu.memory_space<semaphore_mem>>) src(%dma_wait3A_45 : memref<262144xf32, #tpu.memory_space<any>>) dst(%arg3 : memref<262144xf32, #tpu.memory_space<vmem>>)
    %scan3A_46 = arith.constant 0 : i32
    %scan3A_47 = arith.constant 8 : i32
    %scan3A_48 = arith.addi %scan3A_46, %scan3A_47 : i32
    %scan3A_49 = arith.constant 1 : i32
    scf.for %scan3A_135 = %scan3A_46 to %scan3A_48 step %scan3A_49  : i32 {
      %mul3A = arith.constant 32768 : i32
      %mul3A_136 = arith.muli %scan3A_135, %mul3A : i32
      %get3A_137 = arith.index_cast %mul3A_136 : i32 to index
      %get3A_138 = vector.load %arg3[%get3A_137] : memref<262144xf32, #tpu.memory_space<vmem>>, vector<32768xf32>
      %reshape3A = vector.shape_cast %get3A_138 : vector<32768xf32> to vector<256x128xf32>
      %slice3A = vector.extract_strided_slice %reshape3A {offsets = [0, 0], sizes = [8, 128], strides = [1, 1]} : vector<256x128xf32> to vector<8x128xf32>
      %slice3A_139 = vector.extract_strided_slice %reshape3A {offsets = [8, 0], sizes = [8, 128], strides = [1, 1]} : vector<256x128xf32> to vector<8x128xf32>
      %add3A = arith.addf %slice3A, %slice3A_139 : vector<8x128xf32>
      %slice3A_140 = vector.extract_strided_slice %reshape3A {offsets = [16, 0], sizes = [8, 128], strides = [1, 1]} : vector<256x128xf32> to vector<8x128xf32>
      %add3A_141 = arith.addf %add3A, %slice3A_140 : vector<8x128xf32>
      %slice3A_142 = vector.extract_strided_slice %reshape3A {offsets = [24, 0], sizes = [8, 128], strides = [1, 1]} : vector<256x128xf32> to vector<8x128xf32>
      %add3A_143 = arith.addf %add3A_141, %slice3A_142 : vector<8x128xf32>
      %slice3A_144 = vector.extract_strided_slice %reshape3A {offsets = [32, 0], sizes = [8, 128], strides = [1, 1]} : vector<256x128xf32> to vector<8x128xf32>
      %slice3A_145 = vector.extract_strided_slice %reshape3A {offsets = [40, 0], sizes = [8, 128], strides = [1, 1]} : vector<256x128xf32> to vector<8x128xf32>
      %add3A_146 = arith.addf %slice3A_144, %slice3A_145 : vector<8x128xf32>
      %slice3A_147 = vector.extract_strided_slice %reshape3A {offsets = [48, 0], sizes = [8, 128], strides = [1, 1]} : vector<256x128xf32> to vector<8x128xf32>
      %add3A_148 = arith.addf %add3A_146, %slice3A_147 : vector<8x128xf32>
      %slice3A_149 = vector.extract_strided_slice %reshape3A {offsets = [56, 0], sizes = [8, 128], strides = [1, 1]} : vector<256x128xf32> to vector<8x128xf32>
      %add3A_150 = arith.addf %add3A_148, %slice3A_149 : vector<8x128xf32>
      %slice3A_151 = vector.extract_strided_slice %reshape3A {offsets = [64, 0], sizes = [8, 128], strides = [1, 1]} : vector<256x128xf32> to vector<8x128xf32>
      %slice3A_152 = vector.extract_strided_slice %reshape3A {offsets = [72, 0], sizes = [8, 128], strides = [1, 1]} : vector<256x128xf32> to vector<8x128xf32>
      %add3A_153 = arith.addf %slice3A_151, %slice3A_152 : vector<8x128xf32>
      %slice3A_154 = vector.extract_strided_slice %reshape3A {offsets = [80, 0], sizes = [8, 128], strides = [1, 1]} : vector<256x128xf32> to vector<8x128xf32>
      %add3A_155 = arith.addf %add3A_153, %slice3A_154 : vector<8x128xf32>
      %slice3A_156 = vector.extract_strided_slice %reshape3A {offsets = [88, 0], sizes = [8, 128], strides = [1, 1]} : vector<256x128xf32> to vector<8x128xf32>
      %add3A_157 = arith.addf %add3A_155, %slice3A_156 : vector<8x128xf32>
      %slice3A_158 = vector.extract_strided_slice %reshape3A {offsets = [96, 0], sizes = [8, 128], strides = [1, 1]} : vector<256x128xf32> to vector<8x128xf32>
      %slice3A_159 = vector.extract_strided_slice %reshape3A {offsets = [104, 0], sizes = [8, 128], strides = [1, 1]} : vector<256x128xf32> to vector<8x128xf32>
      %add3A_160 = arith.addf %slice3A_158, %slice3A_159 : vector<8x128xf32>
      %slice3A_161 = vector.extract_strided_slice %reshape3A {offsets = [112, 0], sizes = [8, 128], strides = [1, 1]} : vector<256x128xf32> to vector<8x128xf32>
      %add3A_162 = arith.addf %add3A_160, %slice3A_161 : vector<8x128xf32>
      %slice3A_163 = vector.extract_strided_slice %reshape3A {offsets = [120, 0], sizes = [8, 128], strides = [1, 1]} : vector<256x128xf32> to vector<8x128xf32>
      %add3A_164 = arith.addf %add3A_162, %slice3A_163 : vector<8x128xf32>
      %slice3A_165 = vector.extract_strided_slice %reshape3A {offsets = [128, 0], sizes = [8, 128], strides = [1, 1]} : vector<256x128xf32> to vector<8x128xf32>
      %slice3A_166 = vector.extract_strided_slice %reshape3A {offsets = [136, 0], sizes = [8, 128], strides = [1, 1]} : vector<256x128xf32> to vector<8x128xf32>
      %add3A_167 = arith.addf %slice3A_165, %slice3A_166 : vector<8x128xf32>
      %slice3A_168 = vector.extract_strided_slice %reshape3A {offsets = [144, 0], sizes = [8, 128], strides = [1, 1]} : vector<256x128xf32> to vector<8x128xf32>
      %add3A_169 = arith.addf %add3A_167, %slice3A_168 : vector<8x128xf32>
      %slice3A_170 = vector.extract_strided_slice %reshape3A {offsets = [152, 0], sizes = [8, 128], strides = [1, 1]} : vector<256x128xf32> to vector<8x128xf32>
      %add3A_171 = arith.addf %add3A_169, %slice3A_170 : vector<8x128xf32>
      %slice3A_172 = vector.extract_strided_slice %reshape3A {offsets = [160, 0], sizes = [8, 128], strides = [1, 1]} : vector<256x128xf32> to vector<8x128xf32>
      %slice3A_173 = vector.extract_strided_slice %reshape3A {offsets = [168, 0], sizes = [8, 128], strides = [1, 1]} : vector<256x128xf32> to vector<8x128xf32>
      %add3A_174 = arith.addf %slice3A_172, %slice3A_173 : vector<8x128xf32>
      %slice3A_175 = vector.extract_strided_slice %reshape3A {offsets = [176, 0], sizes = [8, 128], strides = [1, 1]} : vector<256x128xf32> to vector<8x128xf32>
      %add3A_176 = arith.addf %add3A_174, %slice3A_175 : vector<8x128xf32>
      %slice3A_177 = vector.extract_strided_slice %reshape3A {offsets = [184, 0], sizes = [8, 128], strides = [1, 1]} : vector<256x128xf32> to vector<8x128xf32>
      %add3A_178 = arith.addf %add3A_176, %slice3A_177 : vector<8x128xf32>
      %slice3A_179 = vector.extract_strided_slice %reshape3A {offsets = [192, 0], sizes = [8, 128], strides = [1, 1]} : vector<256x128xf32> to vector<8x128xf32>
      %slice3A_180 = vector.extract_strided_slice %reshape3A {offsets = [200, 0], sizes = [8, 128], strides = [1, 1]} : vector<256x128xf32> to vector<8x128xf32>
      %add3A_181 = arith.addf %slice3A_179, %slice3A_180 : vector<8x128xf32>
      %slice3A_182 = vector.extract_strided_slice %reshape3A {offsets = [208, 0], sizes = [8, 128], strides = [1, 1]} : vector<256x128xf32> to vector<8x128xf32>
      %add3A_183 = arith.addf %add3A_181, %slice3A_182 : vector<8x128xf32>
      %slice3A_184 = vector.extract_strided_slice %reshape3A {offsets = [216, 0], sizes = [8, 128], strides = [1, 1]} : vector<256x128xf32> to vector<8x128xf32>
      %add3A_185 = arith.addf %add3A_183, %slice3A_184 : vector<8x128xf32>
      %slice3A_186 = vector.extract_strided_slice %reshape3A {offsets = [224, 0], sizes = [8, 128], strides = [1, 1]} : vector<256x128xf32> to vector<8x128xf32>
      %slice3A_187 = vector.extract_strided_slice %reshape3A {offsets = [232, 0], sizes = [8, 128], strides = [1, 1]} : vector<256x128xf32> to vector<8x128xf32>
      %add3A_188 = arith.addf %slice3A_186, %slice3A_187 : vector<8x128xf32>
      %slice3A_189 = vector.extract_strided_slice %reshape3A {offsets = [240, 0], sizes = [8, 128], strides = [1, 1]} : vector<256x128xf32> to vector<8x128xf32>
      %add3A_190 = arith.addf %add3A_188, %slice3A_189 : vector<8x128xf32>
      %slice3A_191 = vector.extract_strided_slice %reshape3A {offsets = [248, 0], sizes = [8, 128], strides = [1, 1]} : vector<256x128xf32> to vector<8x128xf32>
      %add3A_192 = arith.addf %add3A_190, %slice3A_191 : vector<8x128xf32>
      %get3A_193 = arith.constant 0 : index
      %get3A_194 = arith.constant 0 : index
      %get3A_195 = vector.load %arg2[%get3A_193, %get3A_194] : memref<8x128xf32, #tpu.memory_space<vmem>>, vector<8x128xf32>
      %add3A_196 = arith.addf %add3A_143, %add3A_150 : vector<8x128xf32>
      %add3A_197 = arith.addf %add3A_157, %add3A_164 : vector<8x128xf32>
      %add3A_198 = arith.addf %add3A_171, %add3A_178 : vector<8x128xf32>
      %add3A_199 = arith.addf %add3A_185, %add3A_192 : vector<8x128xf32>
      %add3A_200 = arith.addf %add3A_196, %add3A_197 : vector<8x128xf32>
      %add3A_201 = arith.addf %add3A_198, %add3A_199 : vector<8x128xf32>
      %add3A_202 = arith.addf %add3A_200, %add3A_201 : vector<8x128xf32>
      %add3A_203 = arith.addf %get3A_195, %add3A_202 : vector<8x128xf32>
      %swap3A_204 = arith.constant 0 : index
      %swap3A_205 = arith.constant 0 : index
      %swap3A_206 = vector.load %arg2[%swap3A_204, %swap3A_205] : memref<8x128xf32, #tpu.memory_space<vmem>>, vector<8x128xf32>
      tpu.vector_store %arg2[%swap3A_204, %swap3A_205], %add3A_203 {strides = array<i32>} : memref<8x128xf32, #tpu.memory_space<vmem>>, vector<8x128xf32>,
    }
    %scan3A_50 = arith.constant 8 : i32
    %dma_start3A_51 = arith.constant 2097152 : i32
    %dma_start3A_52 = tpu.memref_slice %arg0[%dma_start3A_51] : memref<4294967xf32, #tpu.memory_space<any>> -> memref<262144xf32, #tpu.memory_space<any>>
    tpu.enqueue_dma source(%dma_start3A_52 : memref<262144xf32, #tpu.memory_space<any>>) target(%arg3 : memref<262144xf32, #tpu.memory_space<vmem>>) target_semaphore(%arg7 : memref<!tpu.dma_semaphore, #tpu.memory_space<semaphore_mem>>)
    %dma_wait3A_53 = arith.constant 0 : i32
    %dma_wait3A_54 = tpu.memref_slice %arg0[%dma_wait3A_53] : memref<4294967xf32, #tpu.memory_space<any>> -> memref<262144xf32, #tpu.memory_space<any>>
    tpu.wait_dma2 semaphore(%arg8 : memref<!tpu.dma_semaphore, #tpu.memory_space<semaphore_mem>>) src(%dma_wait3A_54 : memref<262144xf32, #tpu.memory_space<any>>) dst(%arg4 : memref<262144xf32, #tpu.memory_space<vmem>>)
    %scan3A_55 = arith.constant 0 : i32
    %scan3A_56 = arith.constant 8 : i32
    %scan3A_57 = arith.addi %scan3A_55, %scan3A_56 : i32
    %scan3A_58 = arith.constant 1 : i32
    scf.for %scan3A_135 = %scan3A_55 to %scan3A_57 step %scan3A_58  : i32 {
      %mul3A = arith.constant 32768 : i32
      %mul3A_136 = arith.muli %scan3A_135, %mul3A : i32
      %get3A_137 = arith.index_cast %mul3A_136 : i32 to index
      %get3A_138 = vector.load %arg4[%get3A_137] : memref<262144xf32, #tpu.memory_space<vmem>>, vector<32768xf32>
      %reshape3A = vector.shape_cast %get3A_138 : vector<32768xf32> to vector<256x128xf32>
      %slice3A = vector.extract_strided_slice %reshape3A {offsets = [0, 0], sizes = [8, 128], strides = [1, 1]} : vector<256x128xf32> to vector<8x128xf32>
      %slice3A_139 = vector.extract_strided_slice %reshape3A {offsets = [8, 0], sizes = [8, 128], strides = [1, 1]} : vector<256x128xf32> to vector<8x128xf32>
      %add3A = arith.addf %slice3A, %slice3A_139 : vector<8x128xf32>
      %slice3A_140 = vector.extract_strided_slice %reshape3A {offsets = [16, 0], sizes = [8, 128], strides = [1, 1]} : vector<256x128xf32> to vector<8x128xf32>
      %add3A_141 = arith.addf %add3A, %slice3A_140 : vector<8x128xf32>
      %slice3A_142 = vector.extract_strided_slice %reshape3A {offsets = [24, 0], sizes = [8, 128], strides = [1, 1]} : vector<256x128xf32> to vector<8x128xf32>
      %add3A_143 = arith.addf %add3A_141, %slice3A_142 : vector<8x128xf32>
      %slice3A_144 = vector.extract_strided_slice %reshape3A {offsets = [32, 0], sizes = [8, 128], strides = [1, 1]} : vector<256x128xf32> to vector<8x128xf32>
      %slice3A_145 = vector.extract_strided_slice %reshape3A {offsets = [40, 0], sizes = [8, 128], strides = [1, 1]} : vector<256x128xf32> to vector<8x128xf32>
      %add3A_146 = arith.addf %slice3A_144, %slice3A_145 : vector<8x128xf32>
      %slice3A_147 = vector.extract_strided_slice %reshape3A {offsets = [48, 0], sizes = [8, 128], strides = [1, 1]} : vector<256x128xf32> to vector<8x128xf32>
      %add3A_148 = arith.addf %add3A_146, %slice3A_147 : vector<8x128xf32>
      %slice3A_149 = vector.extract_strided_slice %reshape3A {offsets = [56, 0], sizes = [8, 128], strides = [1, 1]} : vector<256x128xf32> to vector<8x128xf32>
      %add3A_150 = arith.addf %add3A_148, %slice3A_149 : vector<8x128xf32>
      %slice3A_151 = vector.extract_strided_slice %reshape3A {offsets = [64, 0], sizes = [8, 128], strides = [1, 1]} : vector<256x128xf32> to vector<8x128xf32>
      %slice3A_152 = vector.extract_strided_slice %reshape3A {offsets = [72, 0], sizes = [8, 128], strides = [1, 1]} : vector<256x128xf32> to vector<8x128xf32>
      %add3A_153 = arith.addf %slice3A_151, %slice3A_152 : vector<8x128xf32>
      %slice3A_154 = vector.extract_strided_slice %reshape3A {offsets = [80, 0], sizes = [8, 128], strides = [1, 1]} : vector<256x128xf32> to vector<8x128xf32>
      %add3A_155 = arith.addf %add3A_153, %slice3A_154 : vector<8x128xf32>
      %slice3A_156 = vector.extract_strided_slice %reshape3A {offsets = [88, 0], sizes = [8, 128], strides = [1, 1]} : vector<256x128xf32> to vector<8x128xf32>
      %add3A_157 = arith.addf %add3A_155, %slice3A_156 : vector<8x128xf32>
      %slice3A_158 = vector.extract_strided_slice %reshape3A {offsets = [96, 0], sizes = [8, 128], strides = [1, 1]} : vector<256x128xf32> to vector<8x128xf32>
      %slice3A_159 = vector.extract_strided_slice %reshape3A {offsets = [104, 0], sizes = [8, 128], strides = [1, 1]} : vector<256x128xf32> to vector<8x128xf32>
      %add3A_160 = arith.addf %slice3A_158, %slice3A_159 : vector<8x128xf32>
      %slice3A_161 = vector.extract_strided_slice %reshape3A {offsets = [112, 0], sizes = [8, 128], strides = [1, 1]} : vector<256x128xf32> to vector<8x128xf32>
      %add3A_162 = arith.addf %add3A_160, %slice3A_161 : vector<8x128xf32>
      %slice3A_163 = vector.extract_strided_slice %reshape3A {offsets = [120, 0], sizes = [8, 128], strides = [1, 1]} : vector<256x128xf32> to vector<8x128xf32>
      %add3A_164 = arith.addf %add3A_162, %slice3A_163 : vector<8x128xf32>
      %slice3A_165 = vector.extract_strided_slice %reshape3A {offsets = [128, 0], sizes = [8, 128], strides = [1, 1]} : vector<256x128xf32> to vector<8x128xf32>
      %slice3A_166 = vector.extract_strided_slice %reshape3A {offsets = [136, 0], sizes = [8, 128], strides = [1, 1]} : vector<256x128xf32> to vector<8x128xf32>
      %add3A_167 = arith.addf %slice3A_165, %slice3A_166 : vector<8x128xf32>
      %slice3A_168 = vector.extract_strided_slice %reshape3A {offsets = [144, 0], sizes = [8, 128], strides = [1, 1]} : vector<256x128xf32> to vector<8x128xf32>
      %add3A_169 = arith.addf %add3A_167, %slice3A_168 : vector<8x128xf32>
      %slice3A_170 = vector.extract_strided_slice %reshape3A {offsets = [152, 0], sizes = [8, 128], strides = [1, 1]} : vector<256x128xf32> to vector<8x128xf32>
      %add3A_171 = arith.addf %add3A_169, %slice3A_170 : vector<8x128xf32>
      %slice3A_172 = vector.extract_strided_slice %reshape3A {offsets = [160, 0], sizes = [8, 128], strides = [1, 1]} : vector<256x128xf32> to vector<8x128xf32>
      %slice3A_173 = vector.extract_strided_slice %reshape3A {offsets = [168, 0], sizes = [8, 128], strides = [1, 1]} : vector<256x128xf32> to vector<8x128xf32>
      %add3A_174 = arith.addf %slice3A_172, %slice3A_173 : vector<8x128xf32>
      %slice3A_175 = vector.extract_strided_slice %reshape3A {offsets = [176, 0], sizes = [8, 128], strides = [1, 1]} : vector<256x128xf32> to vector<8x128xf32>
      %add3A_176 = arith.addf %add3A_174, %slice3A_175 : vector<8x128xf32>
      %slice3A_177 = vector.extract_strided_slice %reshape3A {offsets = [184, 0], sizes = [8, 128], strides = [1, 1]} : vector<256x128xf32> to vector<8x128xf32>
      %add3A_178 = arith.addf %add3A_176, %slice3A_177 : vector<8x128xf32>
      %slice3A_179 = vector.extract_strided_slice %reshape3A {offsets = [192, 0], sizes = [8, 128], strides = [1, 1]} : vector<256x128xf32> to vector<8x128xf32>
      %slice3A_180 = vector.extract_strided_slice %reshape3A {offsets = [200, 0], sizes = [8, 128], strides = [1, 1]} : vector<256x128xf32> to vector<8x128xf32>
      %add3A_181 = arith.addf %slice3A_179, %slice3A_180 : vector<8x128xf32>
      %slice3A_182 = vector.extract_strided_slice %reshape3A {offsets = [208, 0], sizes = [8, 128], strides = [1, 1]} : vector<256x128xf32> to vector<8x128xf32>
      %add3A_183 = arith.addf %add3A_181, %slice3A_182 : vector<8x128xf32>
      %slice3A_184 = vector.extract_strided_slice %reshape3A {offsets = [216, 0], sizes = [8, 128], strides = [1, 1]} : vector<256x128xf32> to vector<8x128xf32>
      %add3A_185 = arith.addf %add3A_183, %slice3A_184 : vector<8x128xf32>
      %slice3A_186 = vector.extract_strided_slice %reshape3A {offsets = [224, 0], sizes = [8, 128], strides = [1, 1]} : vector<256x128xf32> to vector<8x128xf32>
      %slice3A_187 = vector.extract_strided_slice %reshape3A {offsets = [232, 0], sizes = [8, 128], strides = [1, 1]} : vector<256x128xf32> to vector<8x128xf32>
      %add3A_188 = arith.addf %slice3A_186, %slice3A_187 : vector<8x128xf32>
      %slice3A_189 = vector.extract_strided_slice %reshape3A {offsets = [240, 0], sizes = [8, 128], strides = [1, 1]} : vector<256x128xf32> to vector<8x128xf32>
      %add3A_190 = arith.addf %add3A_188, %slice3A_189 : vector<8x128xf32>
      %slice3A_191 = vector.extract_strided_slice %reshape3A {offsets = [248, 0], sizes = [8, 128], strides = [1, 1]} : vector<256x128xf32> to vector<8x128xf32>
      %add3A_192 = arith.addf %add3A_190, %slice3A_191 : vector<8x128xf32>
      %get3A_193 = arith.constant 0 : index
      %get3A_194 = arith.constant 0 : index
      %get3A_195 = vector.load %arg2[%get3A_193, %get3A_194] : memref<8x128xf32, #tpu.memory_space<vmem>>, vector<8x128xf32>
      %add3A_196 = arith.addf %add3A_143, %add3A_150 : vector<8x128xf32>
      %add3A_197 = arith.addf %add3A_157, %add3A_164 : vector<8x128xf32>
      %add3A_198 = arith.addf %add3A_171, %add3A_178 : vector<8x128xf32>
      %add3A_199 = arith.addf %add3A_185, %add3A_192 : vector<8x128xf32>
      %add3A_200 = arith.addf %add3A_196, %add3A_197 : vector<8x128xf32>
      %add3A_201 = arith.addf %add3A_198, %add3A_199 : vector<8x128xf32>
      %add3A_202 = arith.addf %add3A_200, %add3A_201 : vector<8x128xf32>
      %add3A_203 = arith.addf %get3A_195, %add3A_202 : vector<8x128xf32>
      %swap3A_204 = arith.constant 0 : index
      %swap3A_205 = arith.constant 0 : index
      %swap3A_206 = vector.load %arg2[%swap3A_204, %swap3A_205] : memref<8x128xf32, #tpu.memory_space<vmem>>, vector<8x128xf32>
      tpu.vector_store %arg2[%swap3A_204, %swap3A_205], %add3A_203 {strides = array<i32>} : memref<8x128xf32, #tpu.memory_space<vmem>>, vector<8x128xf32>,
    }
    %scan3A_59 = arith.constant 8 : i32
    %dma_start3A_60 = arith.constant 2359296 : i32
    %dma_start3A_61 = tpu.memref_slice %arg0[%dma_start3A_60] : memref<4294967xf32, #tpu.memory_space<any>> -> memref<262144xf32, #tpu.memory_space<any>>
    tpu.enqueue_dma source(%dma_start3A_61 : memref<262144xf32, #tpu.memory_space<any>>) target(%arg4 : memref<262144xf32, #tpu.memory_space<vmem>>) target_semaphore(%arg8 : memref<!tpu.dma_semaphore, #tpu.memory_space<semaphore_mem>>)
    %dma_wait3A_62 = arith.constant 0 : i32
    %dma_wait3A_63 = tpu.memref_slice %arg0[%dma_wait3A_62] : memref<4294967xf32, #tpu.memory_space<any>> -> memref<262144xf32, #tpu.memory_space<any>>
    tpu.wait_dma2 semaphore(%arg9 : memref<!tpu.dma_semaphore, #tpu.memory_space<semaphore_mem>>) src(%dma_wait3A_63 : memref<262144xf32, #tpu.memory_space<any>>) dst(%arg5 : memref<262144xf32, #tpu.memory_space<vmem>>)
    %scan3A_64 = arith.constant 0 : i32
    %scan3A_65 = arith.constant 8 : i32
    %scan3A_66 = arith.addi %scan3A_64, %scan3A_65 : i32
    %scan3A_67 = arith.constant 1 : i32
    scf.for %scan3A_135 = %scan3A_64 to %scan3A_66 step %scan3A_67  : i32 {
      %mul3A = arith.constant 32768 : i32
      %mul3A_136 = arith.muli %scan3A_135, %mul3A : i32
      %get3A_137 = arith.index_cast %mul3A_136 : i32 to index
      %get3A_138 = vector.load %arg5[%get3A_137] : memref<262144xf32, #tpu.memory_space<vmem>>, vector<32768xf32>
      %reshape3A = vector.shape_cast %get3A_138 : vector<32768xf32> to vector<256x128xf32>
      %slice3A = vector.extract_strided_slice %reshape3A {offsets = [0, 0], sizes = [8, 128], strides = [1, 1]} : vector<256x128xf32> to vector<8x128xf32>
      %slice3A_139 = vector.extract_strided_slice %reshape3A {offsets = [8, 0], sizes = [8, 128], strides = [1, 1]} : vector<256x128xf32> to vector<8x128xf32>
      %add3A = arith.addf %slice3A, %slice3A_139 : vector<8x128xf32>
      %slice3A_140 = vector.extract_strided_slice %reshape3A {offsets = [16, 0], sizes = [8, 128], strides = [1, 1]} : vector<256x128xf32> to vector<8x128xf32>
      %add3A_141 = arith.addf %add3A, %slice3A_140 : vector<8x128xf32>
      %slice3A_142 = vector.extract_strided_slice %reshape3A {offsets = [24, 0], sizes = [8, 128], strides = [1, 1]} : vector<256x128xf32> to vector<8x128xf32>
      %add3A_143 = arith.addf %add3A_141, %slice3A_142 : vector<8x128xf32>
      %slice3A_144 = vector.extract_strided_slice %reshape3A {offsets = [32, 0], sizes = [8, 128], strides = [1, 1]} : vector<256x128xf32> to vector<8x128xf32>
      %slice3A_145 = vector.extract_strided_slice %reshape3A {offsets = [40, 0], sizes = [8, 128], strides = [1, 1]} : vector<256x128xf32> to vector<8x128xf32>
      %add3A_146 = arith.addf %slice3A_144, %slice3A_145 : vector<8x128xf32>
      %slice3A_147 = vector.extract_strided_slice %reshape3A {offsets = [48, 0], sizes = [8, 128], strides = [1, 1]} : vector<256x128xf32> to vector<8x128xf32>
      %add3A_148 = arith.addf %add3A_146, %slice3A_147 : vector<8x128xf32>
      %slice3A_149 = vector.extract_strided_slice %reshape3A {offsets = [56, 0], sizes = [8, 128], strides = [1, 1]} : vector<256x128xf32> to vector<8x128xf32>
      %add3A_150 = arith.addf %add3A_148, %slice3A_149 : vector<8x128xf32>
      %slice3A_151 = vector.extract_strided_slice %reshape3A {offsets = [64, 0], sizes = [8, 128], strides = [1, 1]} : vector<256x128xf32> to vector<8x128xf32>
      %slice3A_152 = vector.extract_strided_slice %reshape3A {offsets = [72, 0], sizes = [8, 128], strides = [1, 1]} : vector<256x128xf32> to vector<8x128xf32>
      %add3A_153 = arith.addf %slice3A_151, %slice3A_152 : vector<8x128xf32>
      %slice3A_154 = vector.extract_strided_slice %reshape3A {offsets = [80, 0], sizes = [8, 128], strides = [1, 1]} : vector<256x128xf32> to vector<8x128xf32>
      %add3A_155 = arith.addf %add3A_153, %slice3A_154 : vector<8x128xf32>
      %slice3A_156 = vector.extract_strided_slice %reshape3A {offsets = [88, 0], sizes = [8, 128], strides = [1, 1]} : vector<256x128xf32> to vector<8x128xf32>
      %add3A_157 = arith.addf %add3A_155, %slice3A_156 : vector<8x128xf32>
      %slice3A_158 = vector.extract_strided_slice %reshape3A {offsets = [96, 0], sizes = [8, 128], strides = [1, 1]} : vector<256x128xf32> to vector<8x128xf32>
      %slice3A_159 = vector.extract_strided_slice %reshape3A {offsets = [104, 0], sizes = [8, 128], strides = [1, 1]} : vector<256x128xf32> to vector<8x128xf32>
      %add3A_160 = arith.addf %slice3A_158, %slice3A_159 : vector<8x128xf32>
      %slice3A_161 = vector.extract_strided_slice %reshape3A {offsets = [112, 0], sizes = [8, 128], strides = [1, 1]} : vector<256x128xf32> to vector<8x128xf32>
      %add3A_162 = arith.addf %add3A_160, %slice3A_161 : vector<8x128xf32>
      %slice3A_163 = vector.extract_strided_slice %reshape3A {offsets = [120, 0], sizes = [8, 128], strides = [1, 1]} : vector<256x128xf32> to vector<8x128xf32>
      %add3A_164 = arith.addf %add3A_162, %slice3A_163 : vector<8x128xf32>
      %slice3A_165 = vector.extract_strided_slice %reshape3A {offsets = [128, 0], sizes = [8, 128], strides = [1, 1]} : vector<256x128xf32> to vector<8x128xf32>
      %slice3A_166 = vector.extract_strided_slice %reshape3A {offsets = [136, 0], sizes = [8, 128], strides = [1, 1]} : vector<256x128xf32> to vector<8x128xf32>
      %add3A_167 = arith.addf %slice3A_165, %slice3A_166 : vector<8x128xf32>
      %slice3A_168 = vector.extract_strided_slice %reshape3A {offsets = [144, 0], sizes = [8, 128], strides = [1, 1]} : vector<256x128xf32> to vector<8x128xf32>
      %add3A_169 = arith.addf %add3A_167, %slice3A_168 : vector<8x128xf32>
      %slice3A_170 = vector.extract_strided_slice %reshape3A {offsets = [152, 0], sizes = [8, 128], strides = [1, 1]} : vector<256x128xf32> to vector<8x128xf32>
      %add3A_171 = arith.addf %add3A_169, %slice3A_170 : vector<8x128xf32>
      %slice3A_172 = vector.extract_strided_slice %reshape3A {offsets = [160, 0], sizes = [8, 128], strides = [1, 1]} : vector<256x128xf32> to vector<8x128xf32>
      %slice3A_173 = vector.extract_strided_slice %reshape3A {offsets = [168, 0], sizes = [8, 128], strides = [1, 1]} : vector<256x128xf32> to vector<8x128xf32>
      %add3A_174 = arith.addf %slice3A_172, %slice3A_173 : vector<8x128xf32>
      %slice3A_175 = vector.extract_strided_slice %reshape3A {offsets = [176, 0], sizes = [8, 128], strides = [1, 1]} : vector<256x128xf32> to vector<8x128xf32>
      %add3A_176 = arith.addf %add3A_174, %slice3A_175 : vector<8x128xf32>
      %slice3A_177 = vector.extract_strided_slice %reshape3A {offsets = [184, 0], sizes = [8, 128], strides = [1, 1]} : vector<256x128xf32> to vector<8x128xf32>
      %add3A_178 = arith.addf %add3A_176, %slice3A_177 : vector<8x128xf32>
      %slice3A_179 = vector.extract_strided_slice %reshape3A {offsets = [192, 0], sizes = [8, 128], strides = [1, 1]} : vector<256x128xf32> to vector<8x128xf32>
      %slice3A_180 = vector.extract_strided_slice %reshape3A {offsets = [200, 0], sizes = [8, 128], strides = [1, 1]} : vector<256x128xf32> to vector<8x128xf32>
      %add3A_181 = arith.addf %slice3A_179, %slice3A_180 : vector<8x128xf32>
      %slice3A_182 = vector.extract_strided_slice %reshape3A {offsets = [208, 0], sizes = [8, 128], strides = [1, 1]} : vector<256x128xf32> to vector<8x128xf32>
      %add3A_183 = arith.addf %add3A_181, %slice3A_182 : vector<8x128xf32>
      %slice3A_184 = vector.extract_strided_slice %reshape3A {offsets = [216, 0], sizes = [8, 128], strides = [1, 1]} : vector<256x128xf32> to vector<8x128xf32>
      %add3A_185 = arith.addf %add3A_183, %slice3A_184 : vector<8x128xf32>
      %slice3A_186 = vector.extract_strided_slice %reshape3A {offsets = [224, 0], sizes = [8, 128], strides = [1, 1]} : vector<256x128xf32> to vector<8x128xf32>
      %slice3A_187 = vector.extract_strided_slice %reshape3A {offsets = [232, 0], sizes = [8, 128], strides = [1, 1]} : vector<256x128xf32> to vector<8x128xf32>
      %add3A_188 = arith.addf %slice3A_186, %slice3A_187 : vector<8x128xf32>
      %slice3A_189 = vector.extract_strided_slice %reshape3A {offsets = [240, 0], sizes = [8, 128], strides = [1, 1]} : vector<256x128xf32> to vector<8x128xf32>
      %add3A_190 = arith.addf %add3A_188, %slice3A_189 : vector<8x128xf32>
      %slice3A_191 = vector.extract_strided_slice %reshape3A {offsets = [248, 0], sizes = [8, 128], strides = [1, 1]} : vector<256x128xf32> to vector<8x128xf32>
      %add3A_192 = arith.addf %add3A_190, %slice3A_191 : vector<8x128xf32>
      %get3A_193 = arith.constant 0 : index
      %get3A_194 = arith.constant 0 : index
      %get3A_195 = vector.load %arg2[%get3A_193, %get3A_194] : memref<8x128xf32, #tpu.memory_space<vmem>>, vector<8x128xf32>
      %add3A_196 = arith.addf %add3A_143, %add3A_150 : vector<8x128xf32>
      %add3A_197 = arith.addf %add3A_157, %add3A_164 : vector<8x128xf32>
      %add3A_198 = arith.addf %add3A_171, %add3A_178 : vector<8x128xf32>
      %add3A_199 = arith.addf %add3A_185, %add3A_192 : vector<8x128xf32>
      %add3A_200 = arith.addf %add3A_196, %add3A_197 : vector<8x128xf32>
      %add3A_201 = arith.addf %add3A_198, %add3A_199 : vector<8x128xf32>
      %add3A_202 = arith.addf %add3A_200, %add3A_201 : vector<8x128xf32>
      %add3A_203 = arith.addf %get3A_195, %add3A_202 : vector<8x128xf32>
      %swap3A_204 = arith.constant 0 : index
      %swap3A_205 = arith.constant 0 : index
      %swap3A_206 = vector.load %arg2[%swap3A_204, %swap3A_205] : memref<8x128xf32, #tpu.memory_space<vmem>>, vector<8x128xf32>
      tpu.vector_store %arg2[%swap3A_204, %swap3A_205], %add3A_203 {strides = array<i32>} : memref<8x128xf32, #tpu.memory_space<vmem>>, vector<8x128xf32>,
    }
    %scan3A_68 = arith.constant 8 : i32
    %dma_start3A_69 = arith.constant 2621440 : i32
    %dma_start3A_70 = tpu.memref_slice %arg0[%dma_start3A_69] : memref<4294967xf32, #tpu.memory_space<any>> -> memref<262144xf32, #tpu.memory_space<any>>
    tpu.enqueue_dma source(%dma_start3A_70 : memref<262144xf32, #tpu.memory_space<any>>) target(%arg5 : memref<262144xf32, #tpu.memory_space<vmem>>) target_semaphore(%arg9 : memref<!tpu.dma_semaphore, #tpu.memory_space<semaphore_mem>>)
    %dma_wait3A_71 = arith.constant 0 : i32
    %dma_wait3A_72 = tpu.memref_slice %arg0[%dma_wait3A_71] : memref<4294967xf32, #tpu.memory_space<any>> -> memref<262144xf32, #tpu.memory_space<any>>
    tpu.wait_dma2 semaphore(%arg10 : memref<!tpu.dma_semaphore, #tpu.memory_space<semaphore_mem>>) src(%dma_wait3A_72 : memref<262144xf32, #tpu.memory_space<any>>) dst(%arg6 : memref<262144xf32, #tpu.memory_space<vmem>>)
    %scan3A_73 = arith.constant 0 : i32
    %scan3A_74 = arith.constant 8 : i32
    %scan3A_75 = arith.addi %scan3A_73, %scan3A_74 : i32
    %scan3A_76 = arith.constant 1 : i32
    scf.for %scan3A_135 = %scan3A_73 to %scan3A_75 step %scan3A_76  : i32 {
      %mul3A = arith.constant 32768 : i32
      %mul3A_136 = arith.muli %scan3A_135, %mul3A : i32
      %get3A_137 = arith.index_cast %mul3A_136 : i32 to index
      %get3A_138 = vector.load %arg6[%get3A_137] : memref<262144xf32, #tpu.memory_space<vmem>>, vector<32768xf32>
      %reshape3A = vector.shape_cast %get3A_138 : vector<32768xf32> to vector<256x128xf32>
      %slice3A = vector.extract_strided_slice %reshape3A {offsets = [0, 0], sizes = [8, 128], strides = [1, 1]} : vector<256x128xf32> to vector<8x128xf32>
      %slice3A_139 = vector.extract_strided_slice %reshape3A {offsets = [8, 0], sizes = [8, 128], strides = [1, 1]} : vector<256x128xf32> to vector<8x128xf32>
      %add3A = arith.addf %slice3A, %slice3A_139 : vector<8x128xf32>
      %slice3A_140 = vector.extract_strided_slice %reshape3A {offsets = [16, 0], sizes = [8, 128], strides = [1, 1]} : vector<256x128xf32> to vector<8x128xf32>
      %add3A_141 = arith.addf %add3A, %slice3A_140 : vector<8x128xf32>
      %slice3A_142 = vector.extract_strided_slice %reshape3A {offsets = [24, 0], sizes = [8, 128], strides = [1, 1]} : vector<256x128xf32> to vector<8x128xf32>
      %add3A_143 = arith.addf %add3A_141, %slice3A_142 : vector<8x128xf32>
      %slice3A_144 = vector.extract_strided_slice %reshape3A {offsets = [32, 0], sizes = [8, 128], strides = [1, 1]} : vector<256x128xf32> to vector<8x128xf32>
      %slice3A_145 = vector.extract_strided_slice %reshape3A {offsets = [40, 0], sizes = [8, 128], strides = [1, 1]} : vector<256x128xf32> to vector<8x128xf32>
      %add3A_146 = arith.addf %slice3A_144, %slice3A_145 : vector<8x128xf32>
      %slice3A_147 = vector.extract_strided_slice %reshape3A {offsets = [48, 0], sizes = [8, 128], strides = [1, 1]} : vector<256x128xf32> to vector<8x128xf32>
      %add3A_148 = arith.addf %add3A_146, %slice3A_147 : vector<8x128xf32>
      %slice3A_149 = vector.extract_strided_slice %reshape3A {offsets = [56, 0], sizes = [8, 128], strides = [1, 1]} : vector<256x128xf32> to vector<8x128xf32>
      %add3A_150 = arith.addf %add3A_148, %slice3A_149 : vector<8x128xf32>
      %slice3A_151 = vector.extract_strided_slice %reshape3A {offsets = [64, 0], sizes = [8, 128], strides = [1, 1]} : vector<256x128xf32> to vector<8x128xf32>
      %slice3A_152 = vector.extract_strided_slice %reshape3A {offsets = [72, 0], sizes = [8, 128], strides = [1, 1]} : vector<256x128xf32> to vector<8x128xf32>
      %add3A_153 = arith.addf %slice3A_151, %slice3A_152 : vector<8x128xf32>
      %slice3A_154 = vector.extract_strided_slice %reshape3A {offsets = [80, 0], sizes = [8, 128], strides = [1, 1]} : vector<256x128xf32> to vector<8x128xf32>
      %add3A_155 = arith.addf %add3A_153, %slice3A_154 : vector<8x128xf32>
      %slice3A_156 = vector.extract_strided_slice %reshape3A {offsets = [88, 0], sizes = [8, 128], strides = [1, 1]} : vector<256x128xf32> to vector<8x128xf32>
      %add3A_157 = arith.addf %add3A_155, %slice3A_156 : vector<8x128xf32>
      %slice3A_158 = vector.extract_strided_slice %reshape3A {offsets = [96, 0], sizes = [8, 128], strides = [1, 1]} : vector<256x128xf32> to vector<8x128xf32>
      %slice3A_159 = vector.extract_strided_slice %reshape3A {offsets = [104, 0], sizes = [8, 128], strides = [1, 1]} : vector<256x128xf32> to vector<8x128xf32>
      %add3A_160 = arith.addf %slice3A_158, %slice3A_159 : vector<8x128xf32>
      %slice3A_161 = vector.extract_strided_slice %reshape3A {offsets = [112, 0], sizes = [8, 128], strides = [1, 1]} : vector<256x128xf32> to vector<8x128xf32>
      %add3A_162 = arith.addf %add3A_160, %slice3A_161 : vector<8x128xf32>
      %slice3A_163 = vector.extract_strided_slice %reshape3A {offsets = [120, 0], sizes = [8, 128], strides = [1, 1]} : vector<256x128xf32> to vector<8x128xf32>
      %add3A_164 = arith.addf %add3A_162, %slice3A_163 : vector<8x128xf32>
      %slice3A_165 = vector.extract_strided_slice %reshape3A {offsets = [128, 0], sizes = [8, 128], strides = [1, 1]} : vector<256x128xf32> to vector<8x128xf32>
      %slice3A_166 = vector.extract_strided_slice %reshape3A {offsets = [136, 0], sizes = [8, 128], strides = [1, 1]} : vector<256x128xf32> to vector<8x128xf32>
      %add3A_167 = arith.addf %slice3A_165, %slice3A_166 : vector<8x128xf32>
      %slice3A_168 = vector.extract_strided_slice %reshape3A {offsets = [144, 0], sizes = [8, 128], strides = [1, 1]} : vector<256x128xf32> to vector<8x128xf32>
      %add3A_169 = arith.addf %add3A_167, %slice3A_168 : vector<8x128xf32>
      %slice3A_170 = vector.extract_strided_slice %reshape3A {offsets = [152, 0], sizes = [8, 128], strides = [1, 1]} : vector<256x128xf32> to vector<8x128xf32>
      %add3A_171 = arith.addf %add3A_169, %slice3A_170 : vector<8x128xf32>
      %slice3A_172 = vector.extract_strided_slice %reshape3A {offsets = [160, 0], sizes = [8, 128], strides = [1, 1]} : vector<256x128xf32> to vector<8x128xf32>
      %slice3A_173 = vector.extract_strided_slice %reshape3A {offsets = [168, 0], sizes = [8, 128], strides = [1, 1]} : vector<256x128xf32> to vector<8x128xf32>
      %add3A_174 = arith.addf %slice3A_172, %slice3A_173 : vector<8x128xf32>
      %slice3A_175 = vector.extract_strided_slice %reshape3A {offsets = [176, 0], sizes = [8, 128], strides = [1, 1]} : vector<256x128xf32> to vector<8x128xf32>
      %add3A_176 = arith.addf %add3A_174, %slice3A_175 : vector<8x128xf32>
      %slice3A_177 = vector.extract_strided_slice %reshape3A {offsets = [184, 0], sizes = [8, 128], strides = [1, 1]} : vector<256x128xf32> to vector<8x128xf32>
      %add3A_178 = arith.addf %add3A_176, %slice3A_177 : vector<8x128xf32>
      %slice3A_179 = vector.extract_strided_slice %reshape3A {offsets = [192, 0], sizes = [8, 128], strides = [1, 1]} : vector<256x128xf32> to vector<8x128xf32>
      %slice3A_180 = vector.extract_strided_slice %reshape3A {offsets = [200, 0], sizes = [8, 128], strides = [1, 1]} : vector<256x128xf32> to vector<8x128xf32>
      %add3A_181 = arith.addf %slice3A_179, %slice3A_180 : vector<8x128xf32>
      %slice3A_182 = vector.extract_strided_slice %reshape3A {offsets = [208, 0], sizes = [8, 128], strides = [1, 1]} : vector<256x128xf32> to vector<8x128xf32>
      %add3A_183 = arith.addf %add3A_181, %slice3A_182 : vector<8x128xf32>
      %slice3A_184 = vector.extract_strided_slice %reshape3A {offsets = [216, 0], sizes = [8, 128], strides = [1, 1]} : vector<256x128xf32> to vector<8x128xf32>
      %add3A_185 = arith.addf %add3A_183, %slice3A_184 : vector<8x128xf32>
      %slice3A_186 = vector.extract_strided_slice %reshape3A {offsets = [224, 0], sizes = [8, 128], strides = [1, 1]} : vector<256x128xf32> to vector<8x128xf32>
      %slice3A_187 = vector.extract_strided_slice %reshape3A {offsets = [232, 0], sizes = [8, 128], strides = [1, 1]} : vector<256x128xf32> to vector<8x128xf32>
      %add3A_188 = arith.addf %slice3A_186, %slice3A_187 : vector<8x128xf32>
      %slice3A_189 = vector.extract_strided_slice %reshape3A {offsets = [240, 0], sizes = [8, 128], strides = [1, 1]} : vector<256x128xf32> to vector<8x128xf32>
      %add3A_190 = arith.addf %add3A_188, %slice3A_189 : vector<8x128xf32>
      %slice3A_191 = vector.extract_strided_slice %reshape3A {offsets = [248, 0], sizes = [8, 128], strides = [1, 1]} : vector<256x128xf32> to vector<8x128xf32>
      %add3A_192 = arith.addf %add3A_190, %slice3A_191 : vector<8x128xf32>
      %get3A_193 = arith.constant 0 : index
      %get3A_194 = arith.constant 0 : index
      %get3A_195 = vector.load %arg2[%get3A_193, %get3A_194] : memref<8x128xf32, #tpu.memory_space<vmem>>, vector<8x128xf32>
      %add3A_196 = arith.addf %add3A_143, %add3A_150 : vector<8x128xf32>
      %add3A_197 = arith.addf %add3A_157, %add3A_164 : vector<8x128xf32>
      %add3A_198 = arith.addf %add3A_171, %add3A_178 : vector<8x128xf32>
      %add3A_199 = arith.addf %add3A_185, %add3A_192 : vector<8x128xf32>
      %add3A_200 = arith.addf %add3A_196, %add3A_197 : vector<8x128xf32>
      %add3A_201 = arith.addf %add3A_198, %add3A_199 : vector<8x128xf32>
      %add3A_202 = arith.addf %add3A_200, %add3A_201 : vector<8x128xf32>
      %add3A_203 = arith.addf %get3A_195, %add3A_202 : vector<8x128xf32>
      %swap3A_204 = arith.constant 0 : index
      %swap3A_205 = arith.constant 0 : index
      %swap3A_206 = vector.load %arg2[%swap3A_204, %swap3A_205] : memref<8x128xf32, #tpu.memory_space<vmem>>, vector<8x128xf32>
      tpu.vector_store %arg2[%swap3A_204, %swap3A_205], %add3A_203 {strides = array<i32>} : memref<8x128xf32, #tpu.memory_space<vmem>>, vector<8x128xf32>,
    }
    %scan3A_77 = arith.constant 8 : i32
    %dma_start3A_78 = arith.constant 2883584 : i32
    %dma_start3A_79 = tpu.memref_slice %arg0[%dma_start3A_78] : memref<4294967xf32, #tpu.memory_space<any>> -> memref<262144xf32, #tpu.memory_space<any>>
    tpu.enqueue_dma source(%dma_start3A_79 : memref<262144xf32, #tpu.memory_space<any>>) target(%arg6 : memref<262144xf32, #tpu.memory_space<vmem>>) target_semaphore(%arg10 : memref<!tpu.dma_semaphore, #tpu.memory_space<semaphore_mem>>)
    %dma_wait3A_80 = arith.constant 0 : i32
    %dma_wait3A_81 = tpu.memref_slice %arg0[%dma_wait3A_80] : memref<4294967xf32, #tpu.memory_space<any>> -> memref<262144xf32, #tpu.memory_space<any>>
    tpu.wait_dma2 semaphore(%arg7 : memref<!tpu.dma_semaphore, #tpu.memory_space<semaphore_mem>>) src(%dma_wait3A_81 : memref<262144xf32, #tpu.memory_space<any>>) dst(%arg3 : memref<262144xf32, #tpu.memory_space<vmem>>)
    %scan3A_82 = arith.constant 0 : i32
    %scan3A_83 = arith.constant 8 : i32
    %scan3A_84 = arith.addi %scan3A_82, %scan3A_83 : i32
    %scan3A_85 = arith.constant 1 : i32
    scf.for %scan3A_135 = %scan3A_82 to %scan3A_84 step %scan3A_85  : i32 {
      %mul3A = arith.constant 32768 : i32
      %mul3A_136 = arith.muli %scan3A_135, %mul3A : i32
      %get3A_137 = arith.index_cast %mul3A_136 : i32 to index
      %get3A_138 = vector.load %arg3[%get3A_137] : memref<262144xf32, #tpu.memory_space<vmem>>, vector<32768xf32>
      %reshape3A = vector.shape_cast %get3A_138 : vector<32768xf32> to vector<256x128xf32>
      %slice3A = vector.extract_strided_slice %reshape3A {offsets = [0, 0], sizes = [8, 128], strides = [1, 1]} : vector<256x128xf32> to vector<8x128xf32>
      %slice3A_139 = vector.extract_strided_slice %reshape3A {offsets = [8, 0], sizes = [8, 128], strides = [1, 1]} : vector<256x128xf32> to vector<8x128xf32>
      %add3A = arith.addf %slice3A, %slice3A_139 : vector<8x128xf32>
      %slice3A_140 = vector.extract_strided_slice %reshape3A {offsets = [16, 0], sizes = [8, 128], strides = [1, 1]} : vector<256x128xf32> to vector<8x128xf32>
      %add3A_141 = arith.addf %add3A, %slice3A_140 : vector<8x128xf32>
      %slice3A_142 = vector.extract_strided_slice %reshape3A {offsets = [24, 0], sizes = [8, 128], strides = [1, 1]} : vector<256x128xf32> to vector<8x128xf32>
      %add3A_143 = arith.addf %add3A_141, %slice3A_142 : vector<8x128xf32>
      %slice3A_144 = vector.extract_strided_slice %reshape3A {offsets = [32, 0], sizes = [8, 128], strides = [1, 1]} : vector<256x128xf32> to vector<8x128xf32>
      %slice3A_145 = vector.extract_strided_slice %reshape3A {offsets = [40, 0], sizes = [8, 128], strides = [1, 1]} : vector<256x128xf32> to vector<8x128xf32>
      %add3A_146 = arith.addf %slice3A_144, %slice3A_145 : vector<8x128xf32>
      %slice3A_147 = vector.extract_strided_slice %reshape3A {offsets = [48, 0], sizes = [8, 128], strides = [1, 1]} : vector<256x128xf32> to vector<8x128xf32>
      %add3A_148 = arith.addf %add3A_146, %slice3A_147 : vector<8x128xf32>
      %slice3A_149 = vector.extract_strided_slice %reshape3A {offsets = [56, 0], sizes = [8, 128], strides = [1, 1]} : vector<256x128xf32> to vector<8x128xf32>
      %add3A_150 = arith.addf %add3A_148, %slice3A_149 : vector<8x128xf32>
      %slice3A_151 = vector.extract_strided_slice %reshape3A {offsets = [64, 0], sizes = [8, 128], strides = [1, 1]} : vector<256x128xf32> to vector<8x128xf32>
      %slice3A_152 = vector.extract_strided_slice %reshape3A {offsets = [72, 0], sizes = [8, 128], strides = [1, 1]} : vector<256x128xf32> to vector<8x128xf32>
      %add3A_153 = arith.addf %slice3A_151, %slice3A_152 : vector<8x128xf32>
      %slice3A_154 = vector.extract_strided_slice %reshape3A {offsets = [80, 0], sizes = [8, 128], strides = [1, 1]} : vector<256x128xf32> to vector<8x128xf32>
      %add3A_155 = arith.addf %add3A_153, %slice3A_154 : vector<8x128xf32>
      %slice3A_156 = vector.extract_strided_slice %reshape3A {offsets = [88, 0], sizes = [8, 128], strides = [1, 1]} : vector<256x128xf32> to vector<8x128xf32>
      %add3A_157 = arith.addf %add3A_155, %slice3A_156 : vector<8x128xf32>
      %slice3A_158 = vector.extract_strided_slice %reshape3A {offsets = [96, 0], sizes = [8, 128], strides = [1, 1]} : vector<256x128xf32> to vector<8x128xf32>
      %slice3A_159 = vector.extract_strided_slice %reshape3A {offsets = [104, 0], sizes = [8, 128], strides = [1, 1]} : vector<256x128xf32> to vector<8x128xf32>
      %add3A_160 = arith.addf %slice3A_158, %slice3A_159 : vector<8x128xf32>
      %slice3A_161 = vector.extract_strided_slice %reshape3A {offsets = [112, 0], sizes = [8, 128], strides = [1, 1]} : vector<256x128xf32> to vector<8x128xf32>
      %add3A_162 = arith.addf %add3A_160, %slice3A_161 : vector<8x128xf32>
      %slice3A_163 = vector.extract_strided_slice %reshape3A {offsets = [120, 0], sizes = [8, 128], strides = [1, 1]} : vector<256x128xf32> to vector<8x128xf32>
      %add3A_164 = arith.addf %add3A_162, %slice3A_163 : vector<8x128xf32>
      %slice3A_165 = vector.extract_strided_slice %reshape3A {offsets = [128, 0], sizes = [8, 128], strides = [1, 1]} : vector<256x128xf32> to vector<8x128xf32>
      %slice3A_166 = vector.extract_strided_slice %reshape3A {offsets = [136, 0], sizes = [8, 128], strides = [1, 1]} : vector<256x128xf32> to vector<8x128xf32>
      %add3A_167 = arith.addf %slice3A_165, %slice3A_166 : vector<8x128xf32>
      %slice3A_168 = vector.extract_strided_slice %reshape3A {offsets = [144, 0], sizes = [8, 128], strides = [1, 1]} : vector<256x128xf32> to vector<8x128xf32>
      %add3A_169 = arith.addf %add3A_167, %slice3A_168 : vector<8x128xf32>
      %slice3A_170 = vector.extract_strided_slice %reshape3A {offsets = [152, 0], sizes = [8, 128], strides = [1, 1]} : vector<256x128xf32> to vector<8x128xf32>
      %add3A_171 = arith.addf %add3A_169, %slice3A_170 : vector<8x128xf32>
      %slice3A_172 = vector.extract_strided_slice %reshape3A {offsets = [160, 0], sizes = [8, 128], strides = [1, 1]} : vector<256x128xf32> to vector<8x128xf32>
      %slice3A_173 = vector.extract_strided_slice %reshape3A {offsets = [168, 0], sizes = [8, 128], strides = [1, 1]} : vector<256x128xf32> to vector<8x128xf32>
      %add3A_174 = arith.addf %slice3A_172, %slice3A_173 : vector<8x128xf32>
      %slice3A_175 = vector.extract_strided_slice %reshape3A {offsets = [176, 0], sizes = [8, 128], strides = [1, 1]} : vector<256x128xf32> to vector<8x128xf32>
      %add3A_176 = arith.addf %add3A_174, %slice3A_175 : vector<8x128xf32>
      %slice3A_177 = vector.extract_strided_slice %reshape3A {offsets = [184, 0], sizes = [8, 128], strides = [1, 1]} : vector<256x128xf32> to vector<8x128xf32>
      %add3A_178 = arith.addf %add3A_176, %slice3A_177 : vector<8x128xf32>
      %slice3A_179 = vector.extract_strided_slice %reshape3A {offsets = [192, 0], sizes = [8, 128], strides = [1, 1]} : vector<256x128xf32> to vector<8x128xf32>
      %slice3A_180 = vector.extract_strided_slice %reshape3A {offsets = [200, 0], sizes = [8, 128], strides = [1, 1]} : vector<256x128xf32> to vector<8x128xf32>
      %add3A_181 = arith.addf %slice3A_179, %slice3A_180 : vector<8x128xf32>
      %slice3A_182 = vector.extract_strided_slice %reshape3A {offsets = [208, 0], sizes = [8, 128], strides = [1, 1]} : vector<256x128xf32> to vector<8x128xf32>
      %add3A_183 = arith.addf %add3A_181, %slice3A_182 : vector<8x128xf32>
      %slice3A_184 = vector.extract_strided_slice %reshape3A {offsets = [216, 0], sizes = [8, 128], strides = [1, 1]} : vector<256x128xf32> to vector<8x128xf32>
      %add3A_185 = arith.addf %add3A_183, %slice3A_184 : vector<8x128xf32>
      %slice3A_186 = vector.extract_strided_slice %reshape3A {offsets = [224, 0], sizes = [8, 128], strides = [1, 1]} : vector<256x128xf32> to vector<8x128xf32>
      %slice3A_187 = vector.extract_strided_slice %reshape3A {offsets = [232, 0], sizes = [8, 128], strides = [1, 1]} : vector<256x128xf32> to vector<8x128xf32>
      %add3A_188 = arith.addf %slice3A_186, %slice3A_187 : vector<8x128xf32>
      %slice3A_189 = vector.extract_strided_slice %reshape3A {offsets = [240, 0], sizes = [8, 128], strides = [1, 1]} : vector<256x128xf32> to vector<8x128xf32>
      %add3A_190 = arith.addf %add3A_188, %slice3A_189 : vector<8x128xf32>
      %slice3A_191 = vector.extract_strided_slice %reshape3A {offsets = [248, 0], sizes = [8, 128], strides = [1, 1]} : vector<256x128xf32> to vector<8x128xf32>
      %add3A_192 = arith.addf %add3A_190, %slice3A_191 : vector<8x128xf32>
      %get3A_193 = arith.constant 0 : index
      %get3A_194 = arith.constant 0 : index
      %get3A_195 = vector.load %arg2[%get3A_193, %get3A_194] : memref<8x128xf32, #tpu.memory_space<vmem>>, vector<8x128xf32>
      %add3A_196 = arith.addf %add3A_143, %add3A_150 : vector<8x128xf32>
      %add3A_197 = arith.addf %add3A_157, %add3A_164 : vector<8x128xf32>
      %add3A_198 = arith.addf %add3A_171, %add3A_178 : vector<8x128xf32>
      %add3A_199 = arith.addf %add3A_185, %add3A_192 : vector<8x128xf32>
      %add3A_200 = arith.addf %add3A_196, %add3A_197 : vector<8x128xf32>
      %add3A_201 = arith.addf %add3A_198, %add3A_199 : vector<8x128xf32>
      %add3A_202 = arith.addf %add3A_200, %add3A_201 : vector<8x128xf32>
      %add3A_203 = arith.addf %get3A_195, %add3A_202 : vector<8x128xf32>
      %swap3A_204 = arith.constant 0 : index
      %swap3A_205 = arith.constant 0 : index
      %swap3A_206 = vector.load %arg2[%swap3A_204, %swap3A_205] : memref<8x128xf32, #tpu.memory_space<vmem>>, vector<8x128xf32>
      tpu.vector_store %arg2[%swap3A_204, %swap3A_205], %add3A_203 {strides = array<i32>} : memref<8x128xf32, #tpu.memory_space<vmem>>, vector<8x128xf32>,
    }
    %scan3A_86 = arith.constant 8 : i32
    %dma_start3A_87 = arith.constant 3145728 : i32
    %dma_start3A_88 = tpu.memref_slice %arg0[%dma_start3A_87] : memref<4294967xf32, #tpu.memory_space<any>> -> memref<262144xf32, #tpu.memory_space<any>>
    tpu.enqueue_dma source(%dma_start3A_88 : memref<262144xf32, #tpu.memory_space<any>>) target(%arg3 : memref<262144xf32, #tpu.memory_space<vmem>>) target_semaphore(%arg7 : memref<!tpu.dma_semaphore, #tpu.memory_space<semaphore_mem>>)
    %dma_wait3A_89 = arith.constant 0 : i32
    %dma_wait3A_90 = tpu.memref_slice %arg0[%dma_wait3A_89] : memref<4294967xf32, #tpu.memory_space<any>> -> memref<262144xf32, #tpu.memory_space<any>>
    tpu.wait_dma2 semaphore(%arg8 : memref<!tpu.dma_semaphore, #tpu.memory_space<semaphore_mem>>) src(%dma_wait3A_90 : memref<262144xf32, #tpu.memory_space<any>>) dst(%arg4 : memref<262144xf32, #tpu.memory_space<vmem>>)
    %scan3A_91 = arith.constant 0 : i32
    %scan3A_92 = arith.constant 8 : i32
    %scan3A_93 = arith.addi %scan3A_91, %scan3A_92 : i32
    %scan3A_94 = arith.constant 1 : i32
    scf.for %scan3A_135 = %scan3A_91 to %scan3A_93 step %scan3A_94  : i32 {
      %mul3A = arith.constant 32768 : i32
      %mul3A_136 = arith.muli %scan3A_135, %mul3A : i32
      %get3A_137 = arith.index_cast %mul3A_136 : i32 to index
      %get3A_138 = vector.load %arg4[%get3A_137] : memref<262144xf32, #tpu.memory_space<vmem>>, vector<32768xf32>
      %reshape3A = vector.shape_cast %get3A_138 : vector<32768xf32> to vector<256x128xf32>
      %slice3A = vector.extract_strided_slice %reshape3A {offsets = [0, 0], sizes = [8, 128], strides = [1, 1]} : vector<256x128xf32> to vector<8x128xf32>
      %slice3A_139 = vector.extract_strided_slice %reshape3A {offsets = [8, 0], sizes = [8, 128], strides = [1, 1]} : vector<256x128xf32> to vector<8x128xf32>
      %add3A = arith.addf %slice3A, %slice3A_139 : vector<8x128xf32>
      %slice3A_140 = vector.extract_strided_slice %reshape3A {offsets = [16, 0], sizes = [8, 128], strides = [1, 1]} : vector<256x128xf32> to vector<8x128xf32>
      %add3A_141 = arith.addf %add3A, %slice3A_140 : vector<8x128xf32>
      %slice3A_142 = vector.extract_strided_slice %reshape3A {offsets = [24, 0], sizes = [8, 128], strides = [1, 1]} : vector<256x128xf32> to vector<8x128xf32>
      %add3A_143 = arith.addf %add3A_141, %slice3A_142 : vector<8x128xf32>
      %slice3A_144 = vector.extract_strided_slice %reshape3A {offsets = [32, 0], sizes = [8, 128], strides = [1, 1]} : vector<256x128xf32> to vector<8x128xf32>
      %slice3A_145 = vector.extract_strided_slice %reshape3A {offsets = [40, 0], sizes = [8, 128], strides = [1, 1]} : vector<256x128xf32> to vector<8x128xf32>
      %add3A_146 = arith.addf %slice3A_144, %slice3A_145 : vector<8x128xf32>
      %slice3A_147 = vector.extract_strided_slice %reshape3A {offsets = [48, 0], sizes = [8, 128], strides = [1, 1]} : vector<256x128xf32> to vector<8x128xf32>
      %add3A_148 = arith.addf %add3A_146, %slice3A_147 : vector<8x128xf32>
      %slice3A_149 = vector.extract_strided_slice %reshape3A {offsets = [56, 0], sizes = [8, 128], strides = [1, 1]} : vector<256x128xf32> to vector<8x128xf32>
      %add3A_150 = arith.addf %add3A_148, %slice3A_149 : vector<8x128xf32>
      %slice3A_151 = vector.extract_strided_slice %reshape3A {offsets = [64, 0], sizes = [8, 128], strides = [1, 1]} : vector<256x128xf32> to vector<8x128xf32>
      %slice3A_152 = vector.extract_strided_slice %reshape3A {offsets = [72, 0], sizes = [8, 128], strides = [1, 1]} : vector<256x128xf32> to vector<8x128xf32>
      %add3A_153 = arith.addf %slice3A_151, %slice3A_152 : vector<8x128xf32>
      %slice3A_154 = vector.extract_strided_slice %reshape3A {offsets = [80, 0], sizes = [8, 128], strides = [1, 1]} : vector<256x128xf32> to vector<8x128xf32>
      %add3A_155 = arith.addf %add3A_153, %slice3A_154 : vector<8x128xf32>
      %slice3A_156 = vector.extract_strided_slice %reshape3A {offsets = [88, 0], sizes = [8, 128], strides = [1, 1]} : vector<256x128xf32> to vector<8x128xf32>
      %add3A_157 = arith.addf %add3A_155, %slice3A_156 : vector<8x128xf32>
      %slice3A_158 = vector.extract_strided_slice %reshape3A {offsets = [96, 0], sizes = [8, 128], strides = [1, 1]} : vector<256x128xf32> to vector<8x128xf32>
      %slice3A_159 = vector.extract_strided_slice %reshape3A {offsets = [104, 0], sizes = [8, 128], strides = [1, 1]} : vector<256x128xf32> to vector<8x128xf32>
      %add3A_160 = arith.addf %slice3A_158, %slice3A_159 : vector<8x128xf32>
      %slice3A_161 = vector.extract_strided_slice %reshape3A {offsets = [112, 0], sizes = [8, 128], strides = [1, 1]} : vector<256x128xf32> to vector<8x128xf32>
      %add3A_162 = arith.addf %add3A_160, %slice3A_161 : vector<8x128xf32>
      %slice3A_163 = vector.extract_strided_slice %reshape3A {offsets = [120, 0], sizes = [8, 128], strides = [1, 1]} : vector<256x128xf32> to vector<8x128xf32>
      %add3A_164 = arith.addf %add3A_162, %slice3A_163 : vector<8x128xf32>
      %slice3A_165 = vector.extract_strided_slice %reshape3A {offsets = [128, 0], sizes = [8, 128], strides = [1, 1]} : vector<256x128xf32> to vector<8x128xf32>
      %slice3A_166 = vector.extract_strided_slice %reshape3A {offsets = [136, 0], sizes = [8, 128], strides = [1, 1]} : vector<256x128xf32> to vector<8x128xf32>
      %add3A_167 = arith.addf %slice3A_165, %slice3A_166 : vector<8x128xf32>
      %slice3A_168 = vector.extract_strided_slice %reshape3A {offsets = [144, 0], sizes = [8, 128], strides = [1, 1]} : vector<256x128xf32> to vector<8x128xf32>
      %add3A_169 = arith.addf %add3A_167, %slice3A_168 : vector<8x128xf32>
      %slice3A_170 = vector.extract_strided_slice %reshape3A {offsets = [152, 0], sizes = [8, 128], strides = [1, 1]} : vector<256x128xf32> to vector<8x128xf32>
      %add3A_171 = arith.addf %add3A_169, %slice3A_170 : vector<8x128xf32>
      %slice3A_172 = vector.extract_strided_slice %reshape3A {offsets = [160, 0], sizes = [8, 128], strides = [1, 1]} : vector<256x128xf32> to vector<8x128xf32>
      %slice3A_173 = vector.extract_strided_slice %reshape3A {offsets = [168, 0], sizes = [8, 128], strides = [1, 1]} : vector<256x128xf32> to vector<8x128xf32>
      %add3A_174 = arith.addf %slice3A_172, %slice3A_173 : vector<8x128xf32>
      %slice3A_175 = vector.extract_strided_slice %reshape3A {offsets = [176, 0], sizes = [8, 128], strides = [1, 1]} : vector<256x128xf32> to vector<8x128xf32>
      %add3A_176 = arith.addf %add3A_174, %slice3A_175 : vector<8x128xf32>
      %slice3A_177 = vector.extract_strided_slice %reshape3A {offsets = [184, 0], sizes = [8, 128], strides = [1, 1]} : vector<256x128xf32> to vector<8x128xf32>
      %add3A_178 = arith.addf %add3A_176, %slice3A_177 : vector<8x128xf32>
      %slice3A_179 = vector.extract_strided_slice %reshape3A {offsets = [192, 0], sizes = [8, 128], strides = [1, 1]} : vector<256x128xf32> to vector<8x128xf32>
      %slice3A_180 = vector.extract_strided_slice %reshape3A {offsets = [200, 0], sizes = [8, 128], strides = [1, 1]} : vector<256x128xf32> to vector<8x128xf32>
      %add3A_181 = arith.addf %slice3A_179, %slice3A_180 : vector<8x128xf32>
      %slice3A_182 = vector.extract_strided_slice %reshape3A {offsets = [208, 0], sizes = [8, 128], strides = [1, 1]} : vector<256x128xf32> to vector<8x128xf32>
      %add3A_183 = arith.addf %add3A_181, %slice3A_182 : vector<8x128xf32>
      %slice3A_184 = vector.extract_strided_slice %reshape3A {offsets = [216, 0], sizes = [8, 128], strides = [1, 1]} : vector<256x128xf32> to vector<8x128xf32>
      %add3A_185 = arith.addf %add3A_183, %slice3A_184 : vector<8x128xf32>
      %slice3A_186 = vector.extract_strided_slice %reshape3A {offsets = [224, 0], sizes = [8, 128], strides = [1, 1]} : vector<256x128xf32> to vector<8x128xf32>
      %slice3A_187 = vector.extract_strided_slice %reshape3A {offsets = [232, 0], sizes = [8, 128], strides = [1, 1]} : vector<256x128xf32> to vector<8x128xf32>
      %add3A_188 = arith.addf %slice3A_186, %slice3A_187 : vector<8x128xf32>
      %slice3A_189 = vector.extract_strided_slice %reshape3A {offsets = [240, 0], sizes = [8, 128], strides = [1, 1]} : vector<256x128xf32> to vector<8x128xf32>
      %add3A_190 = arith.addf %add3A_188, %slice3A_189 : vector<8x128xf32>
      %slice3A_191 = vector.extract_strided_slice %reshape3A {offsets = [248, 0], sizes = [8, 128], strides = [1, 1]} : vector<256x128xf32> to vector<8x128xf32>
      %add3A_192 = arith.addf %add3A_190, %slice3A_191 : vector<8x128xf32>
      %get3A_193 = arith.constant 0 : index
      %get3A_194 = arith.constant 0 : index
      %get3A_195 = vector.load %arg2[%get3A_193, %get3A_194] : memref<8x128xf32, #tpu.memory_space<vmem>>, vector<8x128xf32>
      %add3A_196 = arith.addf %add3A_143, %add3A_150 : vector<8x128xf32>
      %add3A_197 = arith.addf %add3A_157, %add3A_164 : vector<8x128xf32>
      %add3A_198 = arith.addf %add3A_171, %add3A_178 : vector<8x128xf32>
      %add3A_199 = arith.addf %add3A_185, %add3A_192 : vector<8x128xf32>
      %add3A_200 = arith.addf %add3A_196, %add3A_197 : vector<8x128xf32>
      %add3A_201 = arith.addf %add3A_198, %add3A_199 : vector<8x128xf32>
      %add3A_202 = arith.addf %add3A_200, %add3A_201 : vector<8x128xf32>
      %add3A_203 = arith.addf %get3A_195, %add3A_202 : vector<8x128xf32>
      %swap3A_204 = arith.constant 0 : index
      %swap3A_205 = arith.constant 0 : index
      %swap3A_206 = vector.load %arg2[%swap3A_204, %swap3A_205] : memref<8x128xf32, #tpu.memory_space<vmem>>, vector<8x128xf32>
      tpu.vector_store %arg2[%swap3A_204, %swap3A_205], %add3A_203 {strides = array<i32>} : memref<8x128xf32, #tpu.memory_space<vmem>>, vector<8x128xf32>,
    }
    %scan3A_95 = arith.constant 8 : i32
    %dma_start3A_96 = arith.constant 3407872 : i32
    %dma_start3A_97 = tpu.memref_slice %arg0[%dma_start3A_96] : memref<4294967xf32, #tpu.memory_space<any>> -> memref<262144xf32, #tpu.memory_space<any>>
    tpu.enqueue_dma source(%dma_start3A_97 : memref<262144xf32, #tpu.memory_space<any>>) target(%arg4 : memref<262144xf32, #tpu.memory_space<vmem>>) target_semaphore(%arg8 : memref<!tpu.dma_semaphore, #tpu.memory_space<semaphore_mem>>)
    %dma_wait3A_98 = arith.constant 0 : i32
    %dma_wait3A_99 = tpu.memref_slice %arg0[%dma_wait3A_98] : memref<4294967xf32, #tpu.memory_space<any>> -> memref<262144xf32, #tpu.memory_space<any>>
    tpu.wait_dma2 semaphore(%arg9 : memref<!tpu.dma_semaphore, #tpu.memory_space<semaphore_mem>>) src(%dma_wait3A_99 : memref<262144xf32, #tpu.memory_space<any>>) dst(%arg5 : memref<262144xf32, #tpu.memory_space<vmem>>)
    %scan3A_100 = arith.constant 0 : i32
    %scan3A_101 = arith.constant 8 : i32
    %scan3A_102 = arith.addi %scan3A_100, %scan3A_101 : i32
    %scan3A_103 = arith.constant 1 : i32
    scf.for %scan3A_135 = %scan3A_100 to %scan3A_102 step %scan3A_103  : i32 {
      %mul3A = arith.constant 32768 : i32
      %mul3A_136 = arith.muli %scan3A_135, %mul3A : i32
      %get3A_137 = arith.index_cast %mul3A_136 : i32 to index
      %get3A_138 = vector.load %arg5[%get3A_137] : memref<262144xf32, #tpu.memory_space<vmem>>, vector<32768xf32>
      %reshape3A = vector.shape_cast %get3A_138 : vector<32768xf32> to vector<256x128xf32>
      %slice3A = vector.extract_strided_slice %reshape3A {offsets = [0, 0], sizes = [8, 128], strides = [1, 1]} : vector<256x128xf32> to vector<8x128xf32>
      %slice3A_139 = vector.extract_strided_slice %reshape3A {offsets = [8, 0], sizes = [8, 128], strides = [1, 1]} : vector<256x128xf32> to vector<8x128xf32>
      %add3A = arith.addf %slice3A, %slice3A_139 : vector<8x128xf32>
      %slice3A_140 = vector.extract_strided_slice %reshape3A {offsets = [16, 0], sizes = [8, 128], strides = [1, 1]} : vector<256x128xf32> to vector<8x128xf32>
      %add3A_141 = arith.addf %add3A, %slice3A_140 : vector<8x128xf32>
      %slice3A_142 = vector.extract_strided_slice %reshape3A {offsets = [24, 0], sizes = [8, 128], strides = [1, 1]} : vector<256x128xf32> to vector<8x128xf32>
      %add3A_143 = arith.addf %add3A_141, %slice3A_142 : vector<8x128xf32>
      %slice3A_144 = vector.extract_strided_slice %reshape3A {offsets = [32, 0], sizes = [8, 128], strides = [1, 1]} : vector<256x128xf32> to vector<8x128xf32>
      %slice3A_145 = vector.extract_strided_slice %reshape3A {offsets = [40, 0], sizes = [8, 128], strides = [1, 1]} : vector<256x128xf32> to vector<8x128xf32>
      %add3A_146 = arith.addf %slice3A_144, %slice3A_145 : vector<8x128xf32>
      %slice3A_147 = vector.extract_strided_slice %reshape3A {offsets = [48, 0], sizes = [8, 128], strides = [1, 1]} : vector<256x128xf32> to vector<8x128xf32>
      %add3A_148 = arith.addf %add3A_146, %slice3A_147 : vector<8x128xf32>
      %slice3A_149 = vector.extract_strided_slice %reshape3A {offsets = [56, 0], sizes = [8, 128], strides = [1, 1]} : vector<256x128xf32> to vector<8x128xf32>
      %add3A_150 = arith.addf %add3A_148, %slice3A_149 : vector<8x128xf32>
      %slice3A_151 = vector.extract_strided_slice %reshape3A {offsets = [64, 0], sizes = [8, 128], strides = [1, 1]} : vector<256x128xf32> to vector<8x128xf32>
      %slice3A_152 = vector.extract_strided_slice %reshape3A {offsets = [72, 0], sizes = [8, 128], strides = [1, 1]} : vector<256x128xf32> to vector<8x128xf32>
      %add3A_153 = arith.addf %slice3A_151, %slice3A_152 : vector<8x128xf32>
      %slice3A_154 = vector.extract_strided_slice %reshape3A {offsets = [80, 0], sizes = [8, 128], strides = [1, 1]} : vector<256x128xf32> to vector<8x128xf32>
      %add3A_155 = arith.addf %add3A_153, %slice3A_154 : vector<8x128xf32>
      %slice3A_156 = vector.extract_strided_slice %reshape3A {offsets = [88, 0], sizes = [8, 128], strides = [1, 1]} : vector<256x128xf32> to vector<8x128xf32>
      %add3A_157 = arith.addf %add3A_155, %slice3A_156 : vector<8x128xf32>
      %slice3A_158 = vector.extract_strided_slice %reshape3A {offsets = [96, 0], sizes = [8, 128], strides = [1, 1]} : vector<256x128xf32> to vector<8x128xf32>
      %slice3A_159 = vector.extract_strided_slice %reshape3A {offsets = [104, 0], sizes = [8, 128], strides = [1, 1]} : vector<256x128xf32> to vector<8x128xf32>
      %add3A_160 = arith.addf %slice3A_158, %slice3A_159 : vector<8x128xf32>
      %slice3A_161 = vector.extract_strided_slice %reshape3A {offsets = [112, 0], sizes = [8, 128], strides = [1, 1]} : vector<256x128xf32> to vector<8x128xf32>
      %add3A_162 = arith.addf %add3A_160, %slice3A_161 : vector<8x128xf32>
      %slice3A_163 = vector.extract_strided_slice %reshape3A {offsets = [120, 0], sizes = [8, 128], strides = [1, 1]} : vector<256x128xf32> to vector<8x128xf32>
      %add3A_164 = arith.addf %add3A_162, %slice3A_163 : vector<8x128xf32>
      %slice3A_165 = vector.extract_strided_slice %reshape3A {offsets = [128, 0], sizes = [8, 128], strides = [1, 1]} : vector<256x128xf32> to vector<8x128xf32>
      %slice3A_166 = vector.extract_strided_slice %reshape3A {offsets = [136, 0], sizes = [8, 128], strides = [1, 1]} : vector<256x128xf32> to vector<8x128xf32>
      %add3A_167 = arith.addf %slice3A_165, %slice3A_166 : vector<8x128xf32>
      %slice3A_168 = vector.extract_strided_slice %reshape3A {offsets = [144, 0], sizes = [8, 128], strides = [1, 1]} : vector<256x128xf32> to vector<8x128xf32>
      %add3A_169 = arith.addf %add3A_167, %slice3A_168 : vector<8x128xf32>
      %slice3A_170 = vector.extract_strided_slice %reshape3A {offsets = [152, 0], sizes = [8, 128], strides = [1, 1]} : vector<256x128xf32> to vector<8x128xf32>
      %add3A_171 = arith.addf %add3A_169, %slice3A_170 : vector<8x128xf32>
      %slice3A_172 = vector.extract_strided_slice %reshape3A {offsets = [160, 0], sizes = [8, 128], strides = [1, 1]} : vector<256x128xf32> to vector<8x128xf32>
      %slice3A_173 = vector.extract_strided_slice %reshape3A {offsets = [168, 0], sizes = [8, 128], strides = [1, 1]} : vector<256x128xf32> to vector<8x128xf32>
      %add3A_174 = arith.addf %slice3A_172, %slice3A_173 : vector<8x128xf32>
      %slice3A_175 = vector.extract_strided_slice %reshape3A {offsets = [176, 0], sizes = [8, 128], strides = [1, 1]} : vector<256x128xf32> to vector<8x128xf32>
      %add3A_176 = arith.addf %add3A_174, %slice3A_175 : vector<8x128xf32>
      %slice3A_177 = vector.extract_strided_slice %reshape3A {offsets = [184, 0], sizes = [8, 128], strides = [1, 1]} : vector<256x128xf32> to vector<8x128xf32>
      %add3A_178 = arith.addf %add3A_176, %slice3A_177 : vector<8x128xf32>
      %slice3A_179 = vector.extract_strided_slice %reshape3A {offsets = [192, 0], sizes = [8, 128], strides = [1, 1]} : vector<256x128xf32> to vector<8x128xf32>
      %slice3A_180 = vector.extract_strided_slice %reshape3A {offsets = [200, 0], sizes = [8, 128], strides = [1, 1]} : vector<256x128xf32> to vector<8x128xf32>
      %add3A_181 = arith.addf %slice3A_179, %slice3A_180 : vector<8x128xf32>
      %slice3A_182 = vector.extract_strided_slice %reshape3A {offsets = [208, 0], sizes = [8, 128], strides = [1, 1]} : vector<256x128xf32> to vector<8x128xf32>
      %add3A_183 = arith.addf %add3A_181, %slice3A_182 : vector<8x128xf32>
      %slice3A_184 = vector.extract_strided_slice %reshape3A {offsets = [216, 0], sizes = [8, 128], strides = [1, 1]} : vector<256x128xf32> to vector<8x128xf32>
      %add3A_185 = arith.addf %add3A_183, %slice3A_184 : vector<8x128xf32>
      %slice3A_186 = vector.extract_strided_slice %reshape3A {offsets = [224, 0], sizes = [8, 128], strides = [1, 1]} : vector<256x128xf32> to vector<8x128xf32>
      %slice3A_187 = vector.extract_strided_slice %reshape3A {offsets = [232, 0], sizes = [8, 128], strides = [1, 1]} : vector<256x128xf32> to vector<8x128xf32>
      %add3A_188 = arith.addf %slice3A_186, %slice3A_187 : vector<8x128xf32>
      %slice3A_189 = vector.extract_strided_slice %reshape3A {offsets = [240, 0], sizes = [8, 128], strides = [1, 1]} : vector<256x128xf32> to vector<8x128xf32>
      %add3A_190 = arith.addf %add3A_188, %slice3A_189 : vector<8x128xf32>
      %slice3A_191 = vector.extract_strided_slice %reshape3A {offsets = [248, 0], sizes = [8, 128], strides = [1, 1]} : vector<256x128xf32> to vector<8x128xf32>
      %add3A_192 = arith.addf %add3A_190, %slice3A_191 : vector<8x128xf32>
      %get3A_193 = arith.constant 0 : index
      %get3A_194 = arith.constant 0 : index
      %get3A_195 = vector.load %arg2[%get3A_193, %get3A_194] : memref<8x128xf32, #tpu.memory_space<vmem>>, vector<8x128xf32>
      %add3A_196 = arith.addf %add3A_143, %add3A_150 : vector<8x128xf32>
      %add3A_197 = arith.addf %add3A_157, %add3A_164 : vector<8x128xf32>
      %add3A_198 = arith.addf %add3A_171, %add3A_178 : vector<8x128xf32>
      %add3A_199 = arith.addf %add3A_185, %add3A_192 : vector<8x128xf32>
      %add3A_200 = arith.addf %add3A_196, %add3A_197 : vector<8x128xf32>
      %add3A_201 = arith.addf %add3A_198, %add3A_199 : vector<8x128xf32>
      %add3A_202 = arith.addf %add3A_200, %add3A_201 : vector<8x128xf32>
      %add3A_203 = arith.addf %get3A_195, %add3A_202 : vector<8x128xf32>
      %swap3A_204 = arith.constant 0 : index
      %swap3A_205 = arith.constant 0 : index
      %swap3A_206 = vector.load %arg2[%swap3A_204, %swap3A_205] : memref<8x128xf32, #tpu.memory_space<vmem>>, vector<8x128xf32>
      tpu.vector_store %arg2[%swap3A_204, %swap3A_205], %add3A_203 {strides = array<i32>} : memref<8x128xf32, #tpu.memory_space<vmem>>, vector<8x128xf32>,
    }
    %scan3A_104 = arith.constant 8 : i32
    %dma_wait3A_105 = arith.constant 0 : i32
    %dma_wait3A_106 = tpu.memref_slice %arg0[%dma_wait3A_105] : memref<4294967xf32, #tpu.memory_space<any>> -> memref<262144xf32, #tpu.memory_space<any>>
    tpu.wait_dma2 semaphore(%arg10 : memref<!tpu.dma_semaphore, #tpu.memory_space<semaphore_mem>>) src(%dma_wait3A_106 : memref<262144xf32, #tpu.memory_space<any>>) dst(%arg6 : memref<262144xf32, #tpu.memory_space<vmem>>)
    %scan3A_107 = arith.constant 0 : i32
    %scan3A_108 = arith.constant 8 : i32
    %scan3A_109 = arith.addi %scan3A_107, %scan3A_108 : i32
    %scan3A_110 = arith.constant 1 : i32
    scf.for %scan3A_135 = %scan3A_107 to %scan3A_109 step %scan3A_110  : i32 {
      %mul3A = arith.constant 32768 : i32
      %mul3A_136 = arith.muli %scan3A_135, %mul3A : i32
      %get3A_137 = arith.index_cast %mul3A_136 : i32 to index
      %get3A_138 = vector.load %arg6[%get3A_137] : memref<262144xf32, #tpu.memory_space<vmem>>, vector<32768xf32>
      %reshape3A = vector.shape_cast %get3A_138 : vector<32768xf32> to vector<256x128xf32>
      %slice3A = vector.extract_strided_slice %reshape3A {offsets = [0, 0], sizes = [8, 128], strides = [1, 1]} : vector<256x128xf32> to vector<8x128xf32>
      %slice3A_139 = vector.extract_strided_slice %reshape3A {offsets = [8, 0], sizes = [8, 128], strides = [1, 1]} : vector<256x128xf32> to vector<8x128xf32>
      %add3A = arith.addf %slice3A, %slice3A_139 : vector<8x128xf32>
      %slice3A_140 = vector.extract_strided_slice %reshape3A {offsets = [16, 0], sizes = [8, 128], strides = [1, 1]} : vector<256x128xf32> to vector<8x128xf32>
      %add3A_141 = arith.addf %add3A, %slice3A_140 : vector<8x128xf32>
      %slice3A_142 = vector.extract_strided_slice %reshape3A {offsets = [24, 0], sizes = [8, 128], strides = [1, 1]} : vector<256x128xf32> to vector<8x128xf32>
      %add3A_143 = arith.addf %add3A_141, %slice3A_142 : vector<8x128xf32>
      %slice3A_144 = vector.extract_strided_slice %reshape3A {offsets = [32, 0], sizes = [8, 128], strides = [1, 1]} : vector<256x128xf32> to vector<8x128xf32>
      %slice3A_145 = vector.extract_strided_slice %reshape3A {offsets = [40, 0], sizes = [8, 128], strides = [1, 1]} : vector<256x128xf32> to vector<8x128xf32>
      %add3A_146 = arith.addf %slice3A_144, %slice3A_145 : vector<8x128xf32>
      %slice3A_147 = vector.extract_strided_slice %reshape3A {offsets = [48, 0], sizes = [8, 128], strides = [1, 1]} : vector<256x128xf32> to vector<8x128xf32>
      %add3A_148 = arith.addf %add3A_146, %slice3A_147 : vector<8x128xf32>
      %slice3A_149 = vector.extract_strided_slice %reshape3A {offsets = [56, 0], sizes = [8, 128], strides = [1, 1]} : vector<256x128xf32> to vector<8x128xf32>
      %add3A_150 = arith.addf %add3A_148, %slice3A_149 : vector<8x128xf32>
      %slice3A_151 = vector.extract_strided_slice %reshape3A {offsets = [64, 0], sizes = [8, 128], strides = [1, 1]} : vector<256x128xf32> to vector<8x128xf32>
      %slice3A_152 = vector.extract_strided_slice %reshape3A {offsets = [72, 0], sizes = [8, 128], strides = [1, 1]} : vector<256x128xf32> to vector<8x128xf32>
      %add3A_153 = arith.addf %slice3A_151, %slice3A_152 : vector<8x128xf32>
      %slice3A_154 = vector.extract_strided_slice %reshape3A {offsets = [80, 0], sizes = [8, 128], strides = [1, 1]} : vector<256x128xf32> to vector<8x128xf32>
      %add3A_155 = arith.addf %add3A_153, %slice3A_154 : vector<8x128xf32>
      %slice3A_156 = vector.extract_strided_slice %reshape3A {offsets = [88, 0], sizes = [8, 128], strides = [1, 1]} : vector<256x128xf32> to vector<8x128xf32>
      %add3A_157 = arith.addf %add3A_155, %slice3A_156 : vector<8x128xf32>
      %slice3A_158 = vector.extract_strided_slice %reshape3A {offsets = [96, 0], sizes = [8, 128], strides = [1, 1]} : vector<256x128xf32> to vector<8x128xf32>
      %slice3A_159 = vector.extract_strided_slice %reshape3A {offsets = [104, 0], sizes = [8, 128], strides = [1, 1]} : vector<256x128xf32> to vector<8x128xf32>
      %add3A_160 = arith.addf %slice3A_158, %slice3A_159 : vector<8x128xf32>
      %slice3A_161 = vector.extract_strided_slice %reshape3A {offsets = [112, 0], sizes = [8, 128], strides = [1, 1]} : vector<256x128xf32> to vector<8x128xf32>
      %add3A_162 = arith.addf %add3A_160, %slice3A_161 : vector<8x128xf32>
      %slice3A_163 = vector.extract_strided_slice %reshape3A {offsets = [120, 0], sizes = [8, 128], strides = [1, 1]} : vector<256x128xf32> to vector<8x128xf32>
      %add3A_164 = arith.addf %add3A_162, %slice3A_163 : vector<8x128xf32>
      %slice3A_165 = vector.extract_strided_slice %reshape3A {offsets = [128, 0], sizes = [8, 128], strides = [1, 1]} : vector<256x128xf32> to vector<8x128xf32>
      %slice3A_166 = vector.extract_strided_slice %reshape3A {offsets = [136, 0], sizes = [8, 128], strides = [1, 1]} : vector<256x128xf32> to vector<8x128xf32>
      %add3A_167 = arith.addf %slice3A_165, %slice3A_166 : vector<8x128xf32>
      %slice3A_168 = vector.extract_strided_slice %reshape3A {offsets = [144, 0], sizes = [8, 128], strides = [1, 1]} : vector<256x128xf32> to vector<8x128xf32>
      %add3A_169 = arith.addf %add3A_167, %slice3A_168 : vector<8x128xf32>
      %slice3A_170 = vector.extract_strided_slice %reshape3A {offsets = [152, 0], sizes = [8, 128], strides = [1, 1]} : vector<256x128xf32> to vector<8x128xf32>
      %add3A_171 = arith.addf %add3A_169, %slice3A_170 : vector<8x128xf32>
      %slice3A_172 = vector.extract_strided_slice %reshape3A {offsets = [160, 0], sizes = [8, 128], strides = [1, 1]} : vector<256x128xf32> to vector<8x128xf32>
      %slice3A_173 = vector.extract_strided_slice %reshape3A {offsets = [168, 0], sizes = [8, 128], strides = [1, 1]} : vector<256x128xf32> to vector<8x128xf32>
      %add3A_174 = arith.addf %slice3A_172, %slice3A_173 : vector<8x128xf32>
      %slice3A_175 = vector.extract_strided_slice %reshape3A {offsets = [176, 0], sizes = [8, 128], strides = [1, 1]} : vector<256x128xf32> to vector<8x128xf32>
      %add3A_176 = arith.addf %add3A_174, %slice3A_175 : vector<8x128xf32>
      %slice3A_177 = vector.extract_strided_slice %reshape3A {offsets = [184, 0], sizes = [8, 128], strides = [1, 1]} : vector<256x128xf32> to vector<8x128xf32>
      %add3A_178 = arith.addf %add3A_176, %slice3A_177 : vector<8x128xf32>
      %slice3A_179 = vector.extract_strided_slice %reshape3A {offsets = [192, 0], sizes = [8, 128], strides = [1, 1]} : vector<256x128xf32> to vector<8x128xf32>
      %slice3A_180 = vector.extract_strided_slice %reshape3A {offsets = [200, 0], sizes = [8, 128], strides = [1, 1]} : vector<256x128xf32> to vector<8x128xf32>
      %add3A_181 = arith.addf %slice3A_179, %slice3A_180 : vector<8x128xf32>
      %slice3A_182 = vector.extract_strided_slice %reshape3A {offsets = [208, 0], sizes = [8, 128], strides = [1, 1]} : vector<256x128xf32> to vector<8x128xf32>
      %add3A_183 = arith.addf %add3A_181, %slice3A_182 : vector<8x128xf32>
      %slice3A_184 = vector.extract_strided_slice %reshape3A {offsets = [216, 0], sizes = [8, 128], strides = [1, 1]} : vector<256x128xf32> to vector<8x128xf32>
      %add3A_185 = arith.addf %add3A_183, %slice3A_184 : vector<8x128xf32>
      %slice3A_186 = vector.extract_strided_slice %reshape3A {offsets = [224, 0], sizes = [8, 128], strides = [1, 1]} : vector<256x128xf32> to vector<8x128xf32>
      %slice3A_187 = vector.extract_strided_slice %reshape3A {offsets = [232, 0], sizes = [8, 128], strides = [1, 1]} : vector<256x128xf32> to vector<8x128xf32>
      %add3A_188 = arith.addf %slice3A_186, %slice3A_187 : vector<8x128xf32>
      %slice3A_189 = vector.extract_strided_slice %reshape3A {offsets = [240, 0], sizes = [8, 128], strides = [1, 1]} : vector<256x128xf32> to vector<8x128xf32>
      %add3A_190 = arith.addf %add3A_188, %slice3A_189 : vector<8x128xf32>
      %slice3A_191 = vector.extract_strided_slice %reshape3A {offsets = [248, 0], sizes = [8, 128], strides = [1, 1]} : vector<256x128xf32> to vector<8x128xf32>
      %add3A_192 = arith.addf %add3A_190, %slice3A_191 : vector<8x128xf32>
      %get3A_193 = arith.constant 0 : index
      %get3A_194 = arith.constant 0 : index
      %get3A_195 = vector.load %arg2[%get3A_193, %get3A_194] : memref<8x128xf32, #tpu.memory_space<vmem>>, vector<8x128xf32>
      %add3A_196 = arith.addf %add3A_143, %add3A_150 : vector<8x128xf32>
      %add3A_197 = arith.addf %add3A_157, %add3A_164 : vector<8x128xf32>
      %add3A_198 = arith.addf %add3A_171, %add3A_178 : vector<8x128xf32>
      %add3A_199 = arith.addf %add3A_185, %add3A_192 : vector<8x128xf32>
      %add3A_200 = arith.addf %add3A_196, %add3A_197 : vector<8x128xf32>
      %add3A_201 = arith.addf %add3A_198, %add3A_199 : vector<8x128xf32>
      %add3A_202 = arith.addf %add3A_200, %add3A_201 : vector<8x128xf32>
      %add3A_203 = arith.addf %get3A_195, %add3A_202 : vector<8x128xf32>
      %swap3A_204 = arith.constant 0 : index
      %swap3A_205 = arith.constant 0 : index
      %swap3A_206 = vector.load %arg2[%swap3A_204, %swap3A_205] : memref<8x128xf32, #tpu.memory_space<vmem>>, vector<8x128xf32>
      tpu.vector_store %arg2[%swap3A_204, %swap3A_205], %add3A_203 {strides = array<i32>} : memref<8x128xf32, #tpu.memory_space<vmem>>, vector<8x128xf32>,
    }
    %scan3A_111 = arith.constant 8 : i32
    %dma_wait3A_112 = arith.constant 0 : i32
    %dma_wait3A_113 = tpu.memref_slice %arg0[%dma_wait3A_112] : memref<4294967xf32, #tpu.memory_space<any>> -> memref<262144xf32, #tpu.memory_space<any>>
    tpu.wait_dma2 semaphore(%arg7 : memref<!tpu.dma_semaphore, #tpu.memory_space<semaphore_mem>>) src(%dma_wait3A_113 : memref<262144xf32, #tpu.memory_space<any>>) dst(%arg3 : memref<262144xf32, #tpu.memory_space<vmem>>)
    %scan3A_114 = arith.constant 0 : i32
    %scan3A_115 = arith.constant 8 : i32
    %scan3A_116 = arith.addi %scan3A_114, %scan3A_115 : i32
    %scan3A_117 = arith.constant 1 : i32
    scf.for %scan3A_135 = %scan3A_114 to %scan3A_116 step %scan3A_117  : i32 {
      %mul3A = arith.constant 32768 : i32
      %mul3A_136 = arith.muli %scan3A_135, %mul3A : i32
      %get3A_137 = arith.index_cast %mul3A_136 : i32 to index
      %get3A_138 = vector.load %arg3[%get3A_137] : memref<262144xf32, #tpu.memory_space<vmem>>, vector<32768xf32>
      %reshape3A = vector.shape_cast %get3A_138 : vector<32768xf32> to vector<256x128xf32>
      %slice3A = vector.extract_strided_slice %reshape3A {offsets = [0, 0], sizes = [8, 128], strides = [1, 1]} : vector<256x128xf32> to vector<8x128xf32>
      %slice3A_139 = vector.extract_strided_slice %reshape3A {offsets = [8, 0], sizes = [8, 128], strides = [1, 1]} : vector<256x128xf32> to vector<8x128xf32>
      %add3A = arith.addf %slice3A, %slice3A_139 : vector<8x128xf32>
      %slice3A_140 = vector.extract_strided_slice %reshape3A {offsets = [16, 0], sizes = [8, 128], strides = [1, 1]} : vector<256x128xf32> to vector<8x128xf32>
      %add3A_141 = arith.addf %add3A, %slice3A_140 : vector<8x128xf32>
      %slice3A_142 = vector.extract_strided_slice %reshape3A {offsets = [24, 0], sizes = [8, 128], strides = [1, 1]} : vector<256x128xf32> to vector<8x128xf32>
      %add3A_143 = arith.addf %add3A_141, %slice3A_142 : vector<8x128xf32>
      %slice3A_144 = vector.extract_strided_slice %reshape3A {offsets = [32, 0], sizes = [8, 128], strides = [1, 1]} : vector<256x128xf32> to vector<8x128xf32>
      %slice3A_145 = vector.extract_strided_slice %reshape3A {offsets = [40, 0], sizes = [8, 128], strides = [1, 1]} : vector<256x128xf32> to vector<8x128xf32>
      %add3A_146 = arith.addf %slice3A_144, %slice3A_145 : vector<8x128xf32>
      %slice3A_147 = vector.extract_strided_slice %reshape3A {offsets = [48, 0], sizes = [8, 128], strides = [1, 1]} : vector<256x128xf32> to vector<8x128xf32>
      %add3A_148 = arith.addf %add3A_146, %slice3A_147 : vector<8x128xf32>
      %slice3A_149 = vector.extract_strided_slice %reshape3A {offsets = [56, 0], sizes = [8, 128], strides = [1, 1]} : vector<256x128xf32> to vector<8x128xf32>
      %add3A_150 = arith.addf %add3A_148, %slice3A_149 : vector<8x128xf32>
      %slice3A_151 = vector.extract_strided_slice %reshape3A {offsets = [64, 0], sizes = [8, 128], strides = [1, 1]} : vector<256x128xf32> to vector<8x128xf32>
      %slice3A_152 = vector.extract_strided_slice %reshape3A {offsets = [72, 0], sizes = [8, 128], strides = [1, 1]} : vector<256x128xf32> to vector<8x128xf32>
      %add3A_153 = arith.addf %slice3A_151, %slice3A_152 : vector<8x128xf32>
      %slice3A_154 = vector.extract_strided_slice %reshape3A {offsets = [80, 0], sizes = [8, 128], strides = [1, 1]} : vector<256x128xf32> to vector<8x128xf32>
      %add3A_155 = arith.addf %add3A_153, %slice3A_154 : vector<8x128xf32>
      %slice3A_156 = vector.extract_strided_slice %reshape3A {offsets = [88, 0], sizes = [8, 128], strides = [1, 1]} : vector<256x128xf32> to vector<8x128xf32>
      %add3A_157 = arith.addf %add3A_155, %slice3A_156 : vector<8x128xf32>
      %slice3A_158 = vector.extract_strided_slice %reshape3A {offsets = [96, 0], sizes = [8, 128], strides = [1, 1]} : vector<256x128xf32> to vector<8x128xf32>
      %slice3A_159 = vector.extract_strided_slice %reshape3A {offsets = [104, 0], sizes = [8, 128], strides = [1, 1]} : vector<256x128xf32> to vector<8x128xf32>
      %add3A_160 = arith.addf %slice3A_158, %slice3A_159 : vector<8x128xf32>
      %slice3A_161 = vector.extract_strided_slice %reshape3A {offsets = [112, 0], sizes = [8, 128], strides = [1, 1]} : vector<256x128xf32> to vector<8x128xf32>
      %add3A_162 = arith.addf %add3A_160, %slice3A_161 : vector<8x128xf32>
      %slice3A_163 = vector.extract_strided_slice %reshape3A {offsets = [120, 0], sizes = [8, 128], strides = [1, 1]} : vector<256x128xf32> to vector<8x128xf32>
      %add3A_164 = arith.addf %add3A_162, %slice3A_163 : vector<8x128xf32>
      %slice3A_165 = vector.extract_strided_slice %reshape3A {offsets = [128, 0], sizes = [8, 128], strides = [1, 1]} : vector<256x128xf32> to vector<8x128xf32>
      %slice3A_166 = vector.extract_strided_slice %reshape3A {offsets = [136, 0], sizes = [8, 128], strides = [1, 1]} : vector<256x128xf32> to vector<8x128xf32>
      %add3A_167 = arith.addf %slice3A_165, %slice3A_166 : vector<8x128xf32>
      %slice3A_168 = vector.extract_strided_slice %reshape3A {offsets = [144, 0], sizes = [8, 128], strides = [1, 1]} : vector<256x128xf32> to vector<8x128xf32>
      %add3A_169 = arith.addf %add3A_167, %slice3A_168 : vector<8x128xf32>
      %slice3A_170 = vector.extract_strided_slice %reshape3A {offsets = [152, 0], sizes = [8, 128], strides = [1, 1]} : vector<256x128xf32> to vector<8x128xf32>
      %add3A_171 = arith.addf %add3A_169, %slice3A_170 : vector<8x128xf32>
      %slice3A_172 = vector.extract_strided_slice %reshape3A {offsets = [160, 0], sizes = [8, 128], strides = [1, 1]} : vector<256x128xf32> to vector<8x128xf32>
      %slice3A_173 = vector.extract_strided_slice %reshape3A {offsets = [168, 0], sizes = [8, 128], strides = [1, 1]} : vector<256x128xf32> to vector<8x128xf32>
      %add3A_174 = arith.addf %slice3A_172, %slice3A_173 : vector<8x128xf32>
      %slice3A_175 = vector.extract_strided_slice %reshape3A {offsets = [176, 0], sizes = [8, 128], strides = [1, 1]} : vector<256x128xf32> to vector<8x128xf32>
      %add3A_176 = arith.addf %add3A_174, %slice3A_175 : vector<8x128xf32>
      %slice3A_177 = vector.extract_strided_slice %reshape3A {offsets = [184, 0], sizes = [8, 128], strides = [1, 1]} : vector<256x128xf32> to vector<8x128xf32>
      %add3A_178 = arith.addf %add3A_176, %slice3A_177 : vector<8x128xf32>
      %slice3A_179 = vector.extract_strided_slice %reshape3A {offsets = [192, 0], sizes = [8, 128], strides = [1, 1]} : vector<256x128xf32> to vector<8x128xf32>
      %slice3A_180 = vector.extract_strided_slice %reshape3A {offsets = [200, 0], sizes = [8, 128], strides = [1, 1]} : vector<256x128xf32> to vector<8x128xf32>
      %add3A_181 = arith.addf %slice3A_179, %slice3A_180 : vector<8x128xf32>
      %slice3A_182 = vector.extract_strided_slice %reshape3A {offsets = [208, 0], sizes = [8, 128], strides = [1, 1]} : vector<256x128xf32> to vector<8x128xf32>
      %add3A_183 = arith.addf %add3A_181, %slice3A_182 : vector<8x128xf32>
      %slice3A_184 = vector.extract_strided_slice %reshape3A {offsets = [216, 0], sizes = [8, 128], strides = [1, 1]} : vector<256x128xf32> to vector<8x128xf32>
      %add3A_185 = arith.addf %add3A_183, %slice3A_184 : vector<8x128xf32>
      %slice3A_186 = vector.extract_strided_slice %reshape3A {offsets = [224, 0], sizes = [8, 128], strides = [1, 1]} : vector<256x128xf32> to vector<8x128xf32>
      %slice3A_187 = vector.extract_strided_slice %reshape3A {offsets = [232, 0], sizes = [8, 128], strides = [1, 1]} : vector<256x128xf32> to vector<8x128xf32>
      %add3A_188 = arith.addf %slice3A_186, %slice3A_187 : vector<8x128xf32>
      %slice3A_189 = vector.extract_strided_slice %reshape3A {offsets = [240, 0], sizes = [8, 128], strides = [1, 1]} : vector<256x128xf32> to vector<8x128xf32>
      %add3A_190 = arith.addf %add3A_188, %slice3A_189 : vector<8x128xf32>
      %slice3A_191 = vector.extract_strided_slice %reshape3A {offsets = [248, 0], sizes = [8, 128], strides = [1, 1]} : vector<256x128xf32> to vector<8x128xf32>
      %add3A_192 = arith.addf %add3A_190, %slice3A_191 : vector<8x128xf32>
      %get3A_193 = arith.constant 0 : index
      %get3A_194 = arith.constant 0 : index
      %get3A_195 = vector.load %arg2[%get3A_193, %get3A_194] : memref<8x128xf32, #tpu.memory_space<vmem>>, vector<8x128xf32>
      %add3A_196 = arith.addf %add3A_143, %add3A_150 : vector<8x128xf32>
      %add3A_197 = arith.addf %add3A_157, %add3A_164 : vector<8x128xf32>
      %add3A_198 = arith.addf %add3A_171, %add3A_178 : vector<8x128xf32>
      %add3A_199 = arith.addf %add3A_185, %add3A_192 : vector<8x128xf32>
      %add3A_200 = arith.addf %add3A_196, %add3A_197 : vector<8x128xf32>
      %add3A_201 = arith.addf %add3A_198, %add3A_199 : vector<8x128xf32>
      %add3A_202 = arith.addf %add3A_200, %add3A_201 : vector<8x128xf32>
      %add3A_203 = arith.addf %get3A_195, %add3A_202 : vector<8x128xf32>
      %swap3A_204 = arith.constant 0 : index
      %swap3A_205 = arith.constant 0 : index
      %swap3A_206 = vector.load %arg2[%swap3A_204, %swap3A_205] : memref<8x128xf32, #tpu.memory_space<vmem>>, vector<8x128xf32>
      tpu.vector_store %arg2[%swap3A_204, %swap3A_205], %add3A_203 {strides = array<i32>} : memref<8x128xf32, #tpu.memory_space<vmem>>, vector<8x128xf32>,
    }
    %scan3A_118 = arith.constant 8 : i32
    %dma_wait3A_119 = arith.constant 0 : i32
    %dma_wait3A_120 = tpu.memref_slice %arg0[%dma_wait3A_119] : memref<4294967xf32, #tpu.memory_space<any>> -> memref<262144xf32, #tpu.memory_space<any>>
    tpu.wait_dma2 semaphore(%arg8 : memref<!tpu.dma_semaphore, #tpu.memory_space<semaphore_mem>>) src(%dma_wait3A_120 : memref<262144xf32, #tpu.memory_space<any>>) dst(%arg4 : memref<262144xf32, #tpu.memory_space<vmem>>)
    %scan3A_121 = arith.constant 0 : i32
    %scan3A_122 = arith.constant 8 : i32
    %scan3A_123 = arith.addi %scan3A_121, %scan3A_122 : i32
    %scan3A_124 = arith.constant 1 : i32
    scf.for %scan3A_135 = %scan3A_121 to %scan3A_123 step %scan3A_124  : i32 {
      %mul3A = arith.constant 32768 : i32
      %mul3A_136 = arith.muli %scan3A_135, %mul3A : i32
      %get3A_137 = arith.index_cast %mul3A_136 : i32 to index
      %get3A_138 = vector.load %arg4[%get3A_137] : memref<262144xf32, #tpu.memory_space<vmem>>, vector<32768xf32>
      %reshape3A = vector.shape_cast %get3A_138 : vector<32768xf32> to vector<256x128xf32>
      %slice3A = vector.extract_strided_slice %reshape3A {offsets = [0, 0], sizes = [8, 128], strides = [1, 1]} : vector<256x128xf32> to vector<8x128xf32>
      %slice3A_139 = vector.extract_strided_slice %reshape3A {offsets = [8, 0], sizes = [8, 128], strides = [1, 1]} : vector<256x128xf32> to vector<8x128xf32>
      %add3A = arith.addf %slice3A, %slice3A_139 : vector<8x128xf32>
      %slice3A_140 = vector.extract_strided_slice %reshape3A {offsets = [16, 0], sizes = [8, 128], strides = [1, 1]} : vector<256x128xf32> to vector<8x128xf32>
      %add3A_141 = arith.addf %add3A, %slice3A_140 : vector<8x128xf32>
      %slice3A_142 = vector.extract_strided_slice %reshape3A {offsets = [24, 0], sizes = [8, 128], strides = [1, 1]} : vector<256x128xf32> to vector<8x128xf32>
      %add3A_143 = arith.addf %add3A_141, %slice3A_142 : vector<8x128xf32>
      %slice3A_144 = vector.extract_strided_slice %reshape3A {offsets = [32, 0], sizes = [8, 128], strides = [1, 1]} : vector<256x128xf32> to vector<8x128xf32>
      %slice3A_145 = vector.extract_strided_slice %reshape3A {offsets = [40, 0], sizes = [8, 128], strides = [1, 1]} : vector<256x128xf32> to vector<8x128xf32>
      %add3A_146 = arith.addf %slice3A_144, %slice3A_145 : vector<8x128xf32>
      %slice3A_147 = vector.extract_strided_slice %reshape3A {offsets = [48, 0], sizes = [8, 128], strides = [1, 1]} : vector<256x128xf32> to vector<8x128xf32>
      %add3A_148 = arith.addf %add3A_146, %slice3A_147 : vector<8x128xf32>
      %slice3A_149 = vector.extract_strided_slice %reshape3A {offsets = [56, 0], sizes = [8, 128], strides = [1, 1]} : vector<256x128xf32> to vector<8x128xf32>
      %add3A_150 = arith.addf %add3A_148, %slice3A_149 : vector<8x128xf32>
      %slice3A_151 = vector.extract_strided_slice %reshape3A {offsets = [64, 0], sizes = [8, 128], strides = [1, 1]} : vector<256x128xf32> to vector<8x128xf32>
      %slice3A_152 = vector.extract_strided_slice %reshape3A {offsets = [72, 0], sizes = [8, 128], strides = [1, 1]} : vector<256x128xf32> to vector<8x128xf32>
      %add3A_153 = arith.addf %slice3A_151, %slice3A_152 : vector<8x128xf32>
      %slice3A_154 = vector.extract_strided_slice %reshape3A {offsets = [80, 0], sizes = [8, 128], strides = [1, 1]} : vector<256x128xf32> to vector<8x128xf32>
      %add3A_155 = arith.addf %add3A_153, %slice3A_154 : vector<8x128xf32>
      %slice3A_156 = vector.extract_strided_slice %reshape3A {offsets = [88, 0], sizes = [8, 128], strides = [1, 1]} : vector<256x128xf32> to vector<8x128xf32>
      %add3A_157 = arith.addf %add3A_155, %slice3A_156 : vector<8x128xf32>
      %slice3A_158 = vector.extract_strided_slice %reshape3A {offsets = [96, 0], sizes = [8, 128], strides = [1, 1]} : vector<256x128xf32> to vector<8x128xf32>
      %slice3A_159 = vector.extract_strided_slice %reshape3A {offsets = [104, 0], sizes = [8, 128], strides = [1, 1]} : vector<256x128xf32> to vector<8x128xf32>
      %add3A_160 = arith.addf %slice3A_158, %slice3A_159 : vector<8x128xf32>
      %slice3A_161 = vector.extract_strided_slice %reshape3A {offsets = [112, 0], sizes = [8, 128], strides = [1, 1]} : vector<256x128xf32> to vector<8x128xf32>
      %add3A_162 = arith.addf %add3A_160, %slice3A_161 : vector<8x128xf32>
      %slice3A_163 = vector.extract_strided_slice %reshape3A {offsets = [120, 0], sizes = [8, 128], strides = [1, 1]} : vector<256x128xf32> to vector<8x128xf32>
      %add3A_164 = arith.addf %add3A_162, %slice3A_163 : vector<8x128xf32>
      %slice3A_165 = vector.extract_strided_slice %reshape3A {offsets = [128, 0], sizes = [8, 128], strides = [1, 1]} : vector<256x128xf32> to vector<8x128xf32>
      %slice3A_166 = vector.extract_strided_slice %reshape3A {offsets = [136, 0], sizes = [8, 128], strides = [1, 1]} : vector<256x128xf32> to vector<8x128xf32>
      %add3A_167 = arith.addf %slice3A_165, %slice3A_166 : vector<8x128xf32>
      %slice3A_168 = vector.extract_strided_slice %reshape3A {offsets = [144, 0], sizes = [8, 128], strides = [1, 1]} : vector<256x128xf32> to vector<8x128xf32>
      %add3A_169 = arith.addf %add3A_167, %slice3A_168 : vector<8x128xf32>
      %slice3A_170 = vector.extract_strided_slice %reshape3A {offsets = [152, 0], sizes = [8, 128], strides = [1, 1]} : vector<256x128xf32> to vector<8x128xf32>
      %add3A_171 = arith.addf %add3A_169, %slice3A_170 : vector<8x128xf32>
      %slice3A_172 = vector.extract_strided_slice %reshape3A {offsets = [160, 0], sizes = [8, 128], strides = [1, 1]} : vector<256x128xf32> to vector<8x128xf32>
      %slice3A_173 = vector.extract_strided_slice %reshape3A {offsets = [168, 0], sizes = [8, 128], strides = [1, 1]} : vector<256x128xf32> to vector<8x128xf32>
      %add3A_174 = arith.addf %slice3A_172, %slice3A_173 : vector<8x128xf32>
      %slice3A_175 = vector.extract_strided_slice %reshape3A {offsets = [176, 0], sizes = [8, 128], strides = [1, 1]} : vector<256x128xf32> to vector<8x128xf32>
      %add3A_176 = arith.addf %add3A_174, %slice3A_175 : vector<8x128xf32>
      %slice3A_177 = vector.extract_strided_slice %reshape3A {offsets = [184, 0], sizes = [8, 128], strides = [1, 1]} : vector<256x128xf32> to vector<8x128xf32>
      %add3A_178 = arith.addf %add3A_176, %slice3A_177 : vector<8x128xf32>
      %slice3A_179 = vector.extract_strided_slice %reshape3A {offsets = [192, 0], sizes = [8, 128], strides = [1, 1]} : vector<256x128xf32> to vector<8x128xf32>
      %slice3A_180 = vector.extract_strided_slice %reshape3A {offsets = [200, 0], sizes = [8, 128], strides = [1, 1]} : vector<256x128xf32> to vector<8x128xf32>
      %add3A_181 = arith.addf %slice3A_179, %slice3A_180 : vector<8x128xf32>
      %slice3A_182 = vector.extract_strided_slice %reshape3A {offsets = [208, 0], sizes = [8, 128], strides = [1, 1]} : vector<256x128xf32> to vector<8x128xf32>
      %add3A_183 = arith.addf %add3A_181, %slice3A_182 : vector<8x128xf32>
      %slice3A_184 = vector.extract_strided_slice %reshape3A {offsets = [216, 0], sizes = [8, 128], strides = [1, 1]} : vector<256x128xf32> to vector<8x128xf32>
      %add3A_185 = arith.addf %add3A_183, %slice3A_184 : vector<8x128xf32>
      %slice3A_186 = vector.extract_strided_slice %reshape3A {offsets = [224, 0], sizes = [8, 128], strides = [1, 1]} : vector<256x128xf32> to vector<8x128xf32>
      %slice3A_187 = vector.extract_strided_slice %reshape3A {offsets = [232, 0], sizes = [8, 128], strides = [1, 1]} : vector<256x128xf32> to vector<8x128xf32>
      %add3A_188 = arith.addf %slice3A_186, %slice3A_187 : vector<8x128xf32>
      %slice3A_189 = vector.extract_strided_slice %reshape3A {offsets = [240, 0], sizes = [8, 128], strides = [1, 1]} : vector<256x128xf32> to vector<8x128xf32>
      %add3A_190 = arith.addf %add3A_188, %slice3A_189 : vector<8x128xf32>
      %slice3A_191 = vector.extract_strided_slice %reshape3A {offsets = [248, 0], sizes = [8, 128], strides = [1, 1]} : vector<256x128xf32> to vector<8x128xf32>
      %add3A_192 = arith.addf %add3A_190, %slice3A_191 : vector<8x128xf32>
      %get3A_193 = arith.constant 0 : index
      %get3A_194 = arith.constant 0 : index
      %get3A_195 = vector.load %arg2[%get3A_193, %get3A_194] : memref<8x128xf32, #tpu.memory_space<vmem>>, vector<8x128xf32>
      %add3A_196 = arith.addf %add3A_143, %add3A_150 : vector<8x128xf32>
      %add3A_197 = arith.addf %add3A_157, %add3A_164 : vector<8x128xf32>
      %add3A_198 = arith.addf %add3A_171, %add3A_178 : vector<8x128xf32>
      %add3A_199 = arith.addf %add3A_185, %add3A_192 : vector<8x128xf32>
      %add3A_200 = arith.addf %add3A_196, %add3A_197 : vector<8x128xf32>
      %add3A_201 = arith.addf %add3A_198, %add3A_199 : vector<8x128xf32>
      %add3A_202 = arith.addf %add3A_200, %add3A_201 : vector<8x128xf32>
      %add3A_203 = arith.addf %get3A_195, %add3A_202 : vector<8x128xf32>
      %swap3A_204 = arith.constant 0 : index
      %swap3A_205 = arith.constant 0 : index
      %swap3A_206 = vector.load %arg2[%swap3A_204, %swap3A_205] : memref<8x128xf32, #tpu.memory_space<vmem>>, vector<8x128xf32>
      tpu.vector_store %arg2[%swap3A_204, %swap3A_205], %add3A_203 {strides = array<i32>} : memref<8x128xf32, #tpu.memory_space<vmem>>, vector<8x128xf32>,
    }
    %scan3A_125 = arith.constant 8 : i32
    %get3A = arith.constant 0 : index
    %get3A_126 = arith.constant 0 : index
    %get3A_127 = vector.load %arg2[%get3A, %get3A_126] : memref<8x128xf32, #tpu.memory_space<vmem>>, vector<8x128xf32>
    %reduce_sum3A = vector.shape_cast %get3A_127 : vector<8x128xf32> to vector<1x8x128xf32>
    %reduce_sum3A_128 = arith.constant dense<0.000000e+00> : vector<1xf32>
    %reduce_sum3A_129 = vector.multi_reduction <add>, %reduce_sum3A, %reduce_sum3A_128 [1, 2] : vector<1x8x128xf32> to vector<1xf32>
    %reduce_sum3A_130 = vector.shape_cast %reduce_sum3A_129 : vector<1xf32> to vector<1x1x1xf32>
    %reduce_sum3A_131 = vector.extract %reduce_sum3A_130[0, 0, 0] : f32 from vector<1x1x1xf32>
    %swap3A_132 = arith.constant 0 : index
    %swap3A_133 = arith.constant 0 : index
    %swap3A_134 = memref.load %arg1[%swap3A_132, %swap3A_133] : memref<1x1xf32, #tpu.memory_space<smem>>
    memref.store %reduce_sum3A_131, %arg1[%swap3A_132, %swap3A_133] : memref<1x1xf32, #tpu.memory_space<smem>>
    return
  }
}

</mosaic_0001>

<sc_bundles>
// kernel: kernel.4.cloned.1.call-start
scs
__scs_entry_jumppad:
0x0: {  	(pc) =	sbr.rel $0x88, $3  }
0x1: {  	(tag) =	ssettag $0x0;
	lr =	simm.s32 $0x1  }
0x2: {  	[smem:$0x3FA0] =	sst lr;
	_ =	strace $0xD0000000  }
0x3: {  	_ = 	snop  }
0x4: {  	_ = 	snop  }
0x5: {  	_ = 	snop  }
0x6: {  	_ = 	snop  }
0x7: {  	_ = 	snop  }
__scs_overlays_trampoline_lowered:
0x8: {  	[smem:$0x3FAF] =	sst s0  }
0x9: {  	[smem:$0x3FB0] =	sst s1  }
0xa: {  	[smem:$0x3FB1] =	sst s2  }
0xb: {  	[smem:$0x3FB2] =	sst s3  }
0xc: {  	[smem:$0x3FB3] =	sst s4  }
0xd: {  	[smem:$0x3FB4] =	sst s5  }
0xe: {  	[smem:$0x3FB5] =	sst s6  }
0xf: {  	[smem:$0x3FB6] =	sst s7  }
0x10: {  	[smem:$0x3FB7] =	sst s8  }
0x11: {  	[smem:$0x3FB8] =	sst s9;
	s0 =	simm.s32 @!p0 $0x0  }
0x12: {  	s1 =	sld [smem:$0x3F9E];
	s0 =	simm.s32 @p0 $0x1  }
0x13: {  	[smem:$0x3FB9] =	sst s0;
	s0 =	simm.s32 @!p1 $0x0  }
0x14: {  	s2 =	sld [smem:$0x3F9D];
	s0 =	simm.s32 @p1 $0x1  }
0x15: {  	[smem:$0x3FBA] =	sst s0;
	s0 =	simm.s32 @!p2 $0x0  }
0x16: {  	s3 =	sld [smem:$0x3FDB];
	s0 =	simm.s32 @p2 $0x1  }
0x17: {  	s4 =	simm.s32 $0x1BF5;
	[smem:$0x3FBC] =	sst s0  }
0x18: {  	s0 =	sld [smem:$0x3F9F];
	_ =	swait.ge [sflag:s4], $0x0  }
0x19: {  	s7 =	sld [smem:$0x3FA0]  }
0x1a: {  	s8 =	sadd.s32 $0xFFFFE003, lr  }
0x1b: {  	s9 =	sadd.s32 $0xFFFFFEF7, lr;
	s5 =	simm.s32 $0xFFFFFFFF;
	p2 =	slt.u32 s8, $0xFFFFF086  }
0x1c: {  	p1 =	slt.u32 s9, $0xF7A;
	s5 =	simm.s32 @!p2 $0x0  }
0x1d: {  	s5 =	simm.s32 @p1 $0x1;
	p0 =	seq.s32 s7, s2  }
0x1e: {  	s7 =	smul.u32 @!p0 $0xF7A, s2;
	p2 =	seq.s32 @!p0 s5, $0x0  }
0x1f: {  	s9 =	smul.u32 $0xF7A, s1;
	s8 =	simm.s32 @!p0 $0x1BF5;
	p2 =	por !p2, p0  }
0x20: {  	[sflag:s8] =	ssyncset.s32 @!p0 $0xFFFFF086;
	s6 =	sadd.s32 @!p0 s3, s7;
	s7 =	simm.s32 @!p0 $0x108  }
0x21: {  	s3 =	sadd.s32 s3, s9;
	s6 =	sadd.s32 @!p0 $0x88, s6;
	s7 =	simm.s32 @p2 $0x1082  }
0x22: {  	[simem:s7], [sflag:s8] =	dma.local @!p0 [hbm:s6], $0xF7A  }
0x23: {  	s9 =	sor.u32 $0xD0000000, s2;
	s6 =	simm.s32 $0x108;
	_ =	swait.ge @!p0 [sflag:s8], $0x0  }
0x24: {  	s3 =	sadd.s32 $0x88, s3;
	s6 =	simm.s32 @!p1 $0x1082;
	[sflag:s4] =	ssyncset.s32 $0xFFFFF086  }
0x25: {  	[simem:s6], [sflag:s4] =	dma.local [hbm:s3], $0xF7A  }
0x26: {  	[smem:$0x3FA0] =	sst s1;
	(tag) =	ssettag s2;
	_ =	strace s9  }
0x27: {  	s1 =	sld [smem:$0x3FB0]  }
0x28: {  	s2 =	sld [smem:$0x3FB1]  }
0x29: {  	s4 =	sld [smem:$0x3FB3]  }
0x2a: {  	p0 =	seq.s32 s5, $0x0;
	s5 =	sld [smem:$0x3FB4]  }
0x2b: {  	s6 =	sld [smem:$0x3FB5]  }
0x2c: {  	s7 =	sld [smem:$0x3FB6]  }
0x2d: {  	s3 =	simm.s32 $0x108;
	s8 =	sld [smem:$0x3FB7]  }
0x2e: {  	s3 =	simm.s32 @!p0 $0x1082;
	s9 =	sld [smem:$0x3FB8]  }
0x2f: {  	lr =	sadd.s32 s0, s3;
	s0 =	sld [smem:$0x3FAF]  }
0x30: {  	s3 =	sld [smem:$0x3FB2]  }
0x31: {  	[smem:$0x3FBB] =	sst s10  }
0x32: {  	s10 =	sld [smem:$0x3FB9];
	_ =	sdelay $0x3  }
0x33: {  	p0 =	seq.s32 s10, $0x1;
	s10 =	sld [smem:$0x3FBB];
	_ =	sdelay $0x3  }
0x34: {  	[smem:$0x3FBB] =	sst s10  }
0x35: {  	s10 =	sld [smem:$0x3FBA];
	_ =	sdelay $0x3  }
0x36: {  	p1 =	seq.s32 s10, $0x1;
	s10 =	sld [smem:$0x3FBB];
	_ =	sdelay $0x3  }
0x37: {  	[smem:$0x3FBB] =	sst s10  }
0x38: {  	s10 =	sld [smem:$0x3FBC]  }
0x39: {  	_ = 	snop;
	(pc) =	sbr.ind lr, $3  }
0x3a: {  	_ = 	snop  }
0x3b: {  	_ = 	snop  }
0x3c: {  	p2 =	seq.s32 s10, $0x1;
	s10 =	sld [smem:$0x3FBB]  }
0x3d: {  	_ =	shalt  }
0x3e: {  	_ =	shalt  }
0x3f: {  	_ =	shalt  }
0x40: {  	_ =	shalt  }
0x41: {  	_ =	shalt  }
0x42: {  	_ =	shalt  }
0x43: {  	_ =	shalt  }
0x44: {  	_ =	shalt  }
0x45: {  	_ =	shalt  }
0x46: {  	_ =	shalt  }
0x47: {  	_ =	shalt  }
0x48: {  	_ =	shalt  }
0x49: {  	_ =	shalt  }
0x4a: {  	_ =	shalt  }
0x4b: {  	_ =	shalt  }
0x4c: {  	_ =	shalt  }
0x4d: {  	_ =	shalt  }
0x4e: {  	_ =	shalt  }
0x4f: {  	_ =	shalt  }
0x50: {  	_ =	shalt  }
0x51: {  	_ =	shalt  }
0x52: {  	_ =	shalt  }
0x53: {  	_ =	shalt  }
0x54: {  	_ =	shalt  }
0x55: {  	_ =	shalt  }
0x56: {  	_ =	shalt  }
0x57: {  	_ =	shalt  }
0x58: {  	_ =	shalt  }
0x59: {  	_ =	shalt  }
0x5a: {  	_ =	shalt  }
0x5b: {  	_ =	shalt  }
0x5c: {  	_ =	shalt  }
0x5d: {  	_ =	shalt  }
0x5e: {  	_ =	shalt  }
0x5f: {  	_ =	shalt  }
0x60: {  	_ =	shalt  }
0x61: {  	_ =	shalt  }
0x62: {  	_ =	shalt  }
0x63: {  	_ =	shalt  }
0x64: {  	_ =	shalt  }
0x65: {  	_ =	shalt  }
0x66: {  	_ =	shalt  }
0x67: {  	_ =	shalt  }
0x68: {  	_ =	shalt  }
0x69: {  	_ =	shalt  }
0x6a: {  	_ =	shalt  }
0x6b: {  	_ =	shalt  }
0x6c: {  	_ =	shalt  }
0x6d: {  	_ =	shalt  }
0x6e: {  	_ =	shalt  }
0x6f: {  	_ =	shalt  }
0x70: {  	_ =	shalt  }
0x71: {  	_ =	shalt  }
0x72: {  	_ =	shalt  }
0x73: {  	_ =	shalt  }
0x74: {  	_ =	shalt  }
0x75: {  	_ =	shalt  }
0x76: {  	_ =	shalt  }
0x77: {  	_ =	shalt  }
0x78: {  	_ =	shalt  }
0x79: {  	_ =	shalt  }
0x7a: {  	_ =	shalt  }
0x7b: {  	_ =	shalt  }
0x7c: {  	_ =	shalt  }
0x7d: {  	_ =	shalt  }
0x7e: {  	_ =	shalt  }
0x7f: {  	_ =	shalt  }
0x80: {  	_ =	shalt  }
0x81: {  	_ =	shalt  }
0x82: {  	_ =	shalt  }
0x83: {  	_ =	shalt  }
0x84: {  	_ =	shalt  }
0x85: {  	_ =	shalt  }
0x86: {  	_ =	shalt  }
0x87: {  	_ =	shalt  }
.Lfunc_end0:
.L_simem_size_0:
called_computation_lowered:
.L_overlay_start_0:
0x88: {  	s2 =	sld [smem:$0x3FD9]  }
0x89: {  	s3 =	sld [smem:$0x3FFE];
	_ =	sdelay $0x1  }
0x8a: {  	s1 =	srdreg.scid  }
0x8b: {  	s0 =	sand.u32 $0x1, s1  }
0x8c: {  	s17 =	sshll.u32 s0, $0xA;
	s2 =	sadd.s32 s3, s2  }
0x8d: {  	s2 =	sadd.s32 s2, s17  }
0x8e: {  	[smem:$0x3FC7] =	sst s2  }
0x8f: {  	_ = 	snop  }
0x90: {  	s2 =	sld [smem:$0x3FC9];
	(tm) =	ssettm $0x1  }
0x91: {  	s18 =	sld [smem:$0x3FFB];
	_ =	sdelay $0x3  }
0x92: {  	_ =	strace s18  }
0x93: {  	s3 =	sld [smem:$0x3FFC];
	_ =	sdelay $0x3  }
0x94: {  	_ =	strace s3  }
0x95: {  	s3 =	sld [smem:$0x3FFD];
	_ =	sdelay $0x3  }
0x96: {  	_ =	strace s3  }
0x97: {  	_ =	strace $0x8FFFFFFF  }
0x98: {  	s19 =	sld [smem:$0x3FDB];
	_ =	sdelay $0x1  }
0x99: {  	s4 =	simm.s32 $_scs_section_size  }
0x9a: {  	s5 =	simm.s32 $_size__tile_overlayer_lowered;
	s6 =	simm.s32 $_tile_overlayer_lowered  }
0x9b: {  	s22 =	simm.s32 $0x1BFF;
	s21 =	sshll.u32 s6, $0x1;
	s3 =	sadd.s32 s4, s19  }
0x9c: {  	s7 =	simm.s32 $0x0;
	s20 =	sshll.u32 s5, $0x1;
	s5 =	sadd.s32 s21, s3  }
0x9d: {  	[timem:s7], [sflag:s22] =	dma.local [hbm:s5], s20  }
0x9e: {  	_ =	swait.ge [sflag:s22], s20  }
0x9f: {  	s4 =	ssub.s32 $0x0, s20;
	[sflag:s22] =	ssyncset.done $0x0  }
0xa0: {  	[sflag:s22] =	ssyncadd.s32 s4;
	_ =	sdelay $0x1  }
0xa1: {  	s23 =	simm.s32 $0x1B8B  }
0xa2: {  	_ =	swait.ge [sflag:s23], $0x1  }
0xa3: {  	[sflag:s23] =	ssyncset.done $0x0  }
0xa4: {  	s25 =	simm.s32 $0x1B8E;
	s24 =	sld [smem:$0x3FFE];
	[sflag:s23] =	ssyncadd.s32 $0xFFFFFFFF  }
0xa5: {  	s26 =	simm.s32 $execute0_lowered;
	[smem:$0x3FD2] =	sst s25  }
0xa6: {  	s5 =	sshll.u32 s26, $0x1;
	_ =	strace $0x80000046;
	[dreg:$0x1] =	wrdreg $0xFFFFFFFF  }
0xa7: {  	s28 =	simm.s32 $_size_execute0_lowered;
	s3 =	sadd.s32 s3, s5;
	[dreg:$0x0] =	wrdreg $0x0  }
0xa8: {  	s5 =	sshll.u32 s28, $0x1;
	[dreg:$0x2] =	wrdreg s3  }
0xa9: {  	[dreg:$0x3] =	wrdreg s5  }
0xaa: {  	[dreg:$0x4] =	wrdreg $0xC0  }
0xab: {  	_ =	task [dreg:s7], $0x5FFFF  }
0xac: {  	[dreg:$0x1] =	wrdreg $0xFFFFFFFF  }
0xad: {  	[dreg:$0x0] =	wrdreg $0x60  }
0xae: {  	[dreg:$0x2] =	wrdreg s2  }
0xaf: {  	[dreg:$0x3] =	wrdreg s24  }
0xb0: {  	[dreg:$0x4] =	wrdreg $0x9  }
0xb1: {  	_ =	task.clear_ibuf [dreg:s7], $0x5FFFF;
	_ =	strace $0x90000046  }
0xb2: {  	s29 =	simm.s32 $0x9;
	_ =	strace $0x80000048  }
0xb3: {  	_ =	swait.ge [sflag:s29], $0x1  }
0xb4: {  	[sflag:s29] =	ssyncadd.s32 $0xFFFFFFFF  }
0xb5: {  	_ =	strace $0x90000048  }
0xb6: {  	_ =	sfence  }
0xb7: {  	s30 =	sld [smem:$0x0];
	_ =	sdelay $0x2  }
0xb8: {  	s31 =	sshll.u32 s1, $0xD;
	s1 =	sshrl.u32 s1, $0x2  }
0xb9: {  	s3 =	sand.u32 $0x4000, s31;
	s1 =	sadd.s32 s1, s30  }
0xba: {  	s0 =	sor.u32 s3, s0;
	s1 =	sshll.u32 s1, $0x11  }
0xbb: {  	s0 =	sor.u32 s1, s0  }
0xbc: {  	s0 =	sadd.s32 $0x8F2B, s0  }
0xbd: {  	[sflag:s0] =	ssyncadd.remote.s32 $0x1  }
0xbe: {  	_ =	sfence.sel $0xFFFF  }
0xbf: {  	[dreg:$0x0] =	wrdreg $0xFFFFFFFF;
	(pc) =	sbr.abs _section_cstart, $3  }
0xc0: {  	[dreg:$0x1] =	wrdreg $0xFFFFFFFF  }
0xc1: {  	_ =	task.clear_ibuf [dreg:s7], $0x2FFFF;
	_ =	strace $0x9FFFFFFF  }
0xc2: {  	(tm) =	ssettm $0x7FFFFFFF  }
0xc3: {  	_ =	shalt  }
tec
execute0_lowered:
.L_overlay_start_1:
0x0: {  	(tag) =	ssettag $0x1  }
0x1: {  	s4 =	rddreg [dreg:$0x0]  }
0x2: {  	s1 =	srdreg.scid;
	s0 =	stileid.u32  }
0x3: {  	s3 =	rddreg [dreg:$0x1];
	s2 =	simm.s32 $0x0;
	s11 =	simm.s32 $0x2  }
0x4: {  	s12 =	simm.s32 $0x3;
	s13 =	simm.s32 $0x6000;
	s14 =	simm.s32 $0x4  }
0x5: {  	s15 =	simm.s32 $0x0;
	s5 =	sand.u32 $0x1, s1;
	s1 =	rddreg [dreg:$0x2]  }
0x6: {  	s6 =	sshll.u32 s0, $0x1;
	[smem:$0x7FF] =	sst s2;
	p0 =	sgt.u32 s0, $0x5  }
0x7: {  	s9 =	sor.u32 s5, s6;
	_ =	strace $0x80000047;
	s29 =	ssub.s32 $0x2, s5  }
0x8: {  	s6 =	sshll.u32 s9, $0x4;
	s5 =	sshrl.u32 s29, $0x1;
	s30 =	sshll.u32 s9, $0xB  }
.Ltmp0:
0x9: {  	s8 =	sshll.u32 s9, $0xA;
	p1 =	sne.s32 s9, $0x1F;
	(pc) =	sbr.rel .LBB2_1-.Ltmp0, $4  }
0xa: {  	s9 =	simm.s32 $0x2000;
	s7 =	sadd.s32 s6, s3;
	s10 =	ssub.s32 s29, s5  }
0xb: {  	s31 =	sadd.s32 s8, s4;
	s6 =	sadd.s32 s30, s4;
	s4 =	sadd.s32 $0x83000, s4  }
0xc: {  	s3 =	sadd.s32 $0x80000, s31;
	s5 =	sadd.s32 $0x70000, s6;
	s6 =	sadd.s32 $0x70400, s6  }
0xd: {  	s7 =	sadd.s32 $0x200, s7;
	s8 =	smax.u32 s10, $0x1;
	s10 =	simm.s32 $0x1  }
.LBB2_12:
0xe: {  	v25 =	vld [tilespmem:s16+$0x4070]  }
0xf: {  	v26 =	vld [tilespmem:s16+$0x40E0]  }
0x10: {  	v27 =	vld [tilespmem:s16+$0x40F0]  }
0x11: {  	v28 =	vld [tilespmem:s16+$0x4160]  }
0x12: {  	v29 =	vld [tilespmem:s16+$0x4170]  }
0x13: {  	v30 =	vld [tilespmem:s16+$0x41E0]  }
0x14: {  	v31 =	vld [tilespmem:s16+$0x41F0]  }
0x15: {  	v32 =	vld [tilespmem:$0x4800]  }
0x16: {  	v33 =	vld [tilespmem:$0x4810]  }
0x17: {  	v34 =	vld [tilespmem:$0x4820]  }
0x18: {  	v13 =	vadd.f32 v13, v21;
	v16 =	vadd.f32 v16, v22;
	v36 =	vld [tilespmem:$0x4830]  }
0x19: {  	v12 =	vadd.f32 v12, v23;
	v14 =	vadd.f32 v14, v24;
	v37 =	vld [tilespmem:$0x4840]  }
0x1a: {  	v38 =	vld [tilespmem:$0x4850];
	v8 =	vadd.f32 v18, v8;
	v11 =	vadd.f32 v19, v11  }
0x1b: {  	v39 =	vld [tilespmem:$0x4860];
	v9 =	vadd.f32 v20, v9;
	v3 =	vadd.f32 v3, v13  }
0x1c: {  	v40 =	vld [tilespmem:$0x4870];
	v4 =	vadd.f32 v4, v16;
	v8 =	vadd.f32 v15, v8  }
0x1d: {  	v41 =	vld [tilespmem:$0x4880];
	v5 =	vadd.f32 v5, v12;
	v11 =	vadd.f32 v17, v11  }
0x1e: {  	v42 =	vld [tilespmem:$0x4890];
	v6 =	vadd.f32 v6, v14;
	v2 =	vadd.f32 v2, v8  }
0x1f: {  	v43 =	vld [tilespmem:$0x48A0];
	v7 =	vadd.f32 v7, v11;
	v10 =	vadd.f32 v25, v10  }
0x20: {  	v44 =	vld [tilespmem:$0x48B0];
	v9 =	vadd.f32 v26, v9;
	v3 =	vadd.f32 v32, v3  }
0x21: {  	v45 =	vld [tilespmem:$0x48C0];
	v4 =	vadd.f32 v33, v4;
	v5 =	vadd.f32 v34, v5  }
0x22: {  	v50 =	vld [tilespmem:$0x4900];
	v6 =	vadd.f32 v36, v6;
	v0 =	vadd.f32 v0, v2  }
0x23: {  	v51 =	vld [tilespmem:$0x4910];
	v1 =	vadd.f32 v1, v7;
	v10 =	vadd.f32 v27, v10  }
0x24: {  	v52 =	vld [tilespmem:$0x4920];
	v9 =	vadd.f32 v28, v9;
	v3 =	vadd.f32 v41, v3  }
0x25: {  	v53 =	vld [tilespmem:$0x4930];
	v4 =	vadd.f32 v42, v4;
	v5 =	vadd.f32 v43, v5  }
0x26: {  	v46 =	vld [tilespmem:$0x48D0];
	v6 =	vadd.f32 v44, v6;
	v0 =	vadd.f32 v37, v0  }
0x27: {  	v49 =	vld [tilespmem:$0x48E0];
	v1 =	vadd.f32 v38, v1;
	v10 =	vadd.f32 v29, v10  }
0x28: {  	v54 =	vld [tilespmem:$0x48F0];
	v47 =	vadd.f32 v30, v9;
	v55 =	vadd.f32 v50, v3  }
0x29: {  	v56 =	vadd.f32 v51, v4;
	v48 =	vadd.f32 v31, v10  }
0x2a: {  	v57 =	vadd.f32 v52, v5;
	v58 =	vadd.f32 v53, v6  }
0x2b: {  	v7 =	vadd.f32 v39, v47;
	v9 =	vadd.f32 v40, v48  }
0x2c: {  	v0 =	vadd.f32 v45, v0;
	v1 =	vadd.f32 v46, v1  }
0x2d: {  	v59 =	vadd.f32 v49, v7;
	v60 =	vadd.f32 v54, v9  }
0x2e: {  	v2 =	vadd.f32 v56, v55;
	v61 =	vadd.f32 v58, v57  }
0x2f: {  	v0 =	vadd.f32 v1, v0;
	v62 =	vadd.f32 v60, v59  }
0x30: {  	v63 =	vld [tilespmem:$0x6000]  }
0x31: {  	v2 =	vadd.f32 v61, v2;
	v0 =	vadd.f32 v62, v0;
	_ =	sdelay $0x1  }
0x32: {  	v0 =	vadd.f32 v2, v0;
	_ =	sdelay $0x1  }
0x33: {  	v0 =	vadd.f32 v0, v63;
	_ =	sdelay $0x1  }
0x34: {  	[tilespmem:$0x6000] =	vst v0  }
.LBB2_13:
0x35: {  	s15 =	sadd.s32 $0x1, s15  }
0x36: {  	p2 =	sne.s32 s15, s8  }
.Ltmp1:
0x37: {  	_ = 	snop;
	(pc) =	sbr.rel @!p2 .LBB2_14-.Ltmp1, $4  }
0x38: {  	[hbm4b:s7+s2] =	stream.linear.scatter [tilespmem:s13], [sflag:$0x4], $0x80, $0x38;
	[tilespmem:$0x6080] =	vst v63  }
0x39: {  	_ =	swait.ge [sflag:s14], $0x80  }
0x3a: {  	[sflag:s14] =	ssyncset.done $0x0  }
0x3b: {  	[sflag:s14] =	ssyncadd.s32 $0xFFFFFF80  }
.LBB2_1:
0x3c: {  	s16 =	simm.s32 @!p0 $0x0;
	s17 =	simm.s32 @!p0 $0x4000  }
0x3d: {  	v0 =	vimm.f32 @!p1 $0.0e+00;
	[tilespmem:s17], [sflag:$0x3] =	stream.linear.gather @!p0 [hbm4b:s3+s16], $0x2000, $0x38;
	[tilespmem:$0x6080] =	vst v63  }
0x3e: {  	s16 =	simm.s32 @!p1 $0x0;
	s17 =	simm.s32 @!p1 $0x4000;
	[tilespmem:$0x4930] =	vst @!p1 v0  }
0x3f: {  	[tilespmem:s17], [sflag:$0x3] =	stream.linear.gather @!p1 [hbm4b:s4+s16], $0x937, $0x38;
	[tilespmem:$0x6080] =	vst v63  }
0x40: {  	_ = 	snop  }
0x41: {  	[tilespmem:s2], [sflag:$0x1] =	stream.linear.gather [hbm4b:s5+s2], $0x2000, $0x38;
	[tilespmem:$0x6080] =	vst v63  }
0x42: {  	_ = 	snop  }
0x43: {  	[tilespmem:s9], [sflag:$0x2] =	stream.linear.gather [hbm4b:s6+s2], $0x2000, $0x38;
	[tilespmem:$0x6080] =	vst v63  }
0x44: {  	_ =	swait.ge [sflag:s10], $0x2000  }
0x45: {  	[sflag:s10] =	ssyncset.done $0x0  }
0x46: {  	s16 =	simm.s32 $0x0;
	[sflag:s10] =	ssyncadd.s32 $0xFFFFE000  }
0x47: {  	v6 =	vld [tilespmem:s16+$0x180]  }
0x48: {  	v10 =	vld [tilespmem:s16+$0x190]  }
0x49: {  	v11 =	vld [tilespmem:s16+$0x1A0]  }
0x4a: {  	v13 =	vld [tilespmem:s16+$0x1B0]  }
0x4b: {  	v0 =	vld [tilespmem:s16+$0x1C0]  }
0x4c: {  	v1 =	vld [tilespmem:s16+$0x1D0]  }
0x4d: {  	v21 =	vld [tilespmem:s16+$0x100]  }
0x4e: {  	v25 =	vld [tilespmem:s16+$0x110]  }
0x4f: {  	v9 =	vld [tilespmem:s16+$0x120]  }
0x50: {  	v22 =	vld [tilespmem:s16+$0x130]  }
0x51: {  	v4 =	vld [tilespmem:s16+$0x140]  }
0x52: {  	v2 =	vld [tilespmem:s16+$0x80]  }
0x53: {  	v3 =	vld [tilespmem:s16+$0x90]  }
0x54: {  	v5 =	vld [tilespmem:s16+$0x0]  }
0x55: {  	v7 =	vld [tilespmem:s16+$0x10]  }
0x56: {  	v8 =	vld [tilespmem:s16+$0x20]  }
0x57: {  	v12 =	vld [tilespmem:s16+$0x30]  }
0x58: {  	v16 =	vld [tilespmem:s16+$0xA0]  }
0x59: {  	v17 =	vld [tilespmem:s16+$0xB0]  }
0x5a: {  	v15 =	vimm.f32 $0.0e+00;
	v14 =	vld [tilespmem:s16+$0x150]  }
0x5b: {  	v23 =	vld [tilespmem:s16+$0xC0];
	v5 =	vadd.f32 v5, v15  }
0x5c: {  	v26 =	vld [tilespmem:s16+$0xD0];
	v7 =	vadd.f32 v7, v15;
	v8 =	vadd.f32 v8, v15  }
0x5d: {  	v27 =	vld [tilespmem:s16+$0x40];
	v12 =	vadd.f32 v12, v15;
	v30 =	vadd.f32 v2, v5  }
0x5e: {  	v18 =	vimm.f32 $0.0e+00;
	v28 =	vld [tilespmem:s16+$0x50];
	v31 =	vadd.f32 v3, v7;
	v32 =	vadd.f32 v16, v8  }
0x5f: {  	s17 =	simm.s32 $0x800;
	v29 =	vld [tilespmem:s16+$0x60];
	v33 =	vadd.f32 v17, v12;
	v16 =	vimm.f32 $0.0e+00;
	v17 =	vimm.f32 $0.0e+00  }
.LBB2_2:
0x60: {  	p2 =	sne.s32 s17, $0x7800;
	v2 =	vld [tilespmem:s16+$0x70];
	v3 =	vadd.f32 v21, v30;
	v5 =	vadd.f32 v25, v31  }
0x61: {  	v7 =	vld [tilespmem:s16+$0xE0];
	v8 =	vadd.f32 v9, v32;
	v9 =	vadd.f32 v22, v33  }
0x62: {  	v12 =	vld [tilespmem:s16+$0xF0];
	v3 =	vadd.f32 v6, v3;
	v5 =	vadd.f32 v10, v5  }
0x63: {  	v19 =	vld [tilespmem:s16+$0x160];
	v8 =	vadd.f32 v11, v8;
	v20 =	vadd.f32 v13, v9  }
0x64: {  	v6 =	vadd.f32 v27, v15;
	v10 =	vadd.f32 v28, v18;
	v9 =	vld [tilespmem:s16+$0x170]  }
0x65: {  	v11 =	vadd.f32 v29, v16;
	v21 =	vld [tilespmem:s16+$0x1E0];
	v2 =	vadd.f32 v2, v17  }
0x66: {  	v13 =	vadd.f32 v23, v6;
	v15 =	vadd.f32 v26, v10;
	v17 =	vld [tilespmem:s16+$0x1F0];
	s16 =	sshra.s32 s17, $0x2  }
0x67: {  	v7 =	vadd.f32 v7, v11;
	v6 =	vld [tilespmem:s16+$0x180];
	v2 =	vadd.f32 v12, v2  }
0x68: {  	v4 =	vadd.f32 v4, v13;
	v12 =	vadd.f32 v14, v15;
	v10 =	vld [tilespmem:s16+$0x190]  }
0x69: {  	v7 =	vadd.f32 v19, v7;
	v11 =	vld [tilespmem:s16+$0x1A0];
	v2 =	vadd.f32 v9, v2  }
0x6a: {  	v15 =	vadd.f32 v0, v4;
	v18 =	vadd.f32 v1, v12;
	v13 =	vld [tilespmem:s16+$0x1B0]  }
0x6b: {  	v16 =	vadd.f32 v21, v7;
	v0 =	vld [tilespmem:s16+$0x1C0];
	v17 =	vadd.f32 v17, v2  }
0x6c: {  	v1 =	vld [tilespmem:s16+$0x1D0]  }
0x6d: {  	v21 =	vld [tilespmem:s16+$0x100]  }
0x6e: {  	v25 =	vld [tilespmem:s16+$0x110]  }
0x6f: {  	v9 =	vld [tilespmem:s16+$0x120]  }
0x70: {  	v22 =	vld [tilespmem:s16+$0x130]  }
0x71: {  	v4 =	vld [tilespmem:s16+$0x140]  }
0x72: {  	v14 =	vld [tilespmem:s16+$0x150]  }
0x73: {  	v2 =	vld [tilespmem:s16+$0x80]  }
0x74: {  	v7 =	vld [tilespmem:s16+$0x90]  }
0x75: {  	v12 =	vld [tilespmem:s16+$0x0]  }
0x76: {  	v19 =	vld [tilespmem:s16+$0x10]  }
0x77: {  	v24 =	vld [tilespmem:s16+$0x20]  }
0x78: {  	v28 =	vld [tilespmem:s16+$0x30]  }
0x79: {  	v32 =	vld [tilespmem:s16+$0xA0]  }
0x7a: {  	v33 =	vld [tilespmem:s16+$0xB0]  }
.Ltmp2:
0x7b: {  	v23 =	vld [tilespmem:s16+$0xC0];
	(pc) =	sbr.rel @p2 .LBB2_2-.Ltmp2, $4  }
0x7c: {  	v3 =	vadd.f32 v12, v3;
	v5 =	vadd.f32 v19, v5;
	v26 =	vld [tilespmem:s16+$0xD0]  }
0x7d: {  	v8 =	vadd.f32 v24, v8;
	v27 =	vld [tilespmem:s16+$0x40];
	v12 =	vadd.f32 v28, v20  }
0x7e: {  	v30 =	vadd.f32 v2, v3;
	v31 =	vadd.f32 v7, v5;
	v28 =	vld [tilespmem:s16+$0x50]  }
0x7f: {  	s17 =	sadd.s32 $0x800, s17;
	v32 =	vadd.f32 v32, v8;
	v29 =	vld [tilespmem:s16+$0x60];
	v33 =	vadd.f32 v33, v12  }
0x80: {  	v34 =	vld [tilespmem:s16+$0x70]  }
0x81: {  	v35 =	vld [tilespmem:s16+$0xE0]  }
0x82: {  	v36 =	vld [tilespmem:s16+$0xF0]  }
0x83: {  	v37 =	vld [tilespmem:s16+$0x160]  }
0x84: {  	v38 =	vld [tilespmem:s16+$0x170]  }
0x85: {  	v39 =	vld [tilespmem:s16+$0x1E0]  }
0x86: {  	v40 =	vld [tilespmem:s16+$0x1F0];
	_ =	swait.ge [sflag:s11], $0x2000  }
0x87: {  	[sflag:s11] =	ssyncset.done $0x0  }
0x88: {  	s16 =	simm.s32 $0x0;
	[sflag:s11] =	ssyncadd.s32 $0xFFFFE000  }
0x89: {  	v5 =	vld [tilespmem:s16+$0x2180]  }
0x8a: {  	v7 =	vld [tilespmem:s16+$0x2190]  }
0x8b: {  	v8 =	vld [tilespmem:s16+$0x21A0]  }
0x8c: {  	v12 =	vld [tilespmem:s16+$0x21B0]  }
0x8d: {  	v2 =	vld [tilespmem:s16+$0x21C0]  }
0x8e: {  	v3 =	vld [tilespmem:s16+$0x21D0]  }
0x8f: {  	v20 =	vld [tilespmem:s16+$0x2100]  }
0x90: {  	v24 =	vld [tilespmem:s16+$0x2110]  }
0x91: {  	v19 =	vld [tilespmem:s16+$0x2120]  }
0x92: {  	v30 =	vadd.f32 v21, v30;
	v25 =	vadd.f32 v25, v31;
	v21 =	vld [tilespmem:s16+$0x2130]  }
0x93: {  	v61 =	vadd.f32 v9, v32;
	v22 =	vadd.f32 v22, v33;
	v9 =	vld [tilespmem:s16+$0x2140]  }
0x94: {  	v30 =	vadd.f32 v6, v30;
	v25 =	vadd.f32 v10, v25;
	v6 =	vld [tilespmem:s16+$0x2150]  }
0x95: {  	v10 =	vadd.f32 v27, v15;
	v31 =	vadd.f32 v11, v61;
	v62 =	vld [tilespmem:s16+$0x2080]  }
0x96: {  	v22 =	vadd.f32 v13, v22;
	v11 =	vadd.f32 v28, v18;
	v18 =	vld [tilespmem:s16+$0x2090]  }
0x97: {  	v13 =	vadd.f32 v29, v16;
	v16 =	vld [tilespmem:s16+$0x2000];
	v10 =	vadd.f32 v23, v10  }
0x98: {  	v23 =	vld [tilespmem:s16+$0x2020];
	v15 =	vadd.f32 v34, v17;
	v11 =	vadd.f32 v26, v11  }
0x99: {  	v17 =	vld [tilespmem:s16+$0x2010];
	v13 =	vadd.f32 v35, v13;
	v4 =	vadd.f32 v4, v10  }
0x9a: {  	v26 =	vld [tilespmem:s16+$0x2030];
	v15 =	vadd.f32 v36, v15;
	v10 =	vadd.f32 v14, v11  }
0x9b: {  	v27 =	vld [tilespmem:s16+$0x20A0];
	v11 =	vadd.f32 v37, v13;
	v0 =	vadd.f32 v0, v4  }
0x9c: {  	v63 =	vld [tilespmem:s16+$0x20B0];
	v13 =	vadd.f32 v38, v15;
	v1 =	vadd.f32 v1, v10  }
0x9d: {  	v14 =	vld [tilespmem:s16+$0x2040];
	v16 =	vadd.f32 v16, v30;
	v23 =	vadd.f32 v23, v31  }
0x9e: {  	v15 =	vld [tilespmem:s16+$0x2050];
	v4 =	vadd.f32 v39, v11;
	v25 =	vadd.f32 v17, v25  }
0x9f: {  	v11 =	vld [tilespmem:s16+$0x20C0];
	v26 =	vadd.f32 v26, v22;
	v10 =	vadd.f32 v40, v13  }
0xa0: {  	v13 =	vld [tilespmem:s16+$0x20D0];
	v17 =	vadd.f32 v62, v16;
	v18 =	vadd.f32 v18, v25  }
0xa1: {  	s17 =	simm.s32 $0x800;
	v16 =	vld [tilespmem:s16+$0x2060];
	v22 =	vadd.f32 v27, v23;
	v23 =	vadd.f32 v63, v26  }
.LBB2_4:
0xa2: {  	p2 =	sne.s32 s17, $0x7800;
	v25 =	vld [tilespmem:s16+$0x2070];
	v17 =	vadd.f32 v20, v17;
	v18 =	vadd.f32 v24, v18  }
0xa3: {  	v20 =	vld [tilespmem:s16+$0x20E0];
	v19 =	vadd.f32 v19, v22;
	v21 =	vadd.f32 v21, v23  }
0xa4: {  	v22 =	vld [tilespmem:s16+$0x20F0];
	v17 =	vadd.f32 v5, v17;
	v18 =	vadd.f32 v7, v18  }
0xa5: {  	v23 =	vld [tilespmem:s16+$0x2160];
	v26 =	vadd.f32 v8, v19;
	v27 =	vadd.f32 v12, v21  }
0xa6: {  	v0 =	vadd.f32 v14, v0;
	v1 =	vadd.f32 v15, v1;
	v12 =	vld [tilespmem:s16+$0x2170]  }
0xa7: {  	v4 =	vadd.f32 v16, v4;
	v14 =	vld [tilespmem:s16+$0x21E0];
	v7 =	vadd.f32 v25, v10  }
0xa8: {  	v0 =	vadd.f32 v11, v0;
	v1 =	vadd.f32 v13, v1;
	v10 =	vld [tilespmem:s16+$0x21F0];
	s16 =	sshra.s32 s17, $0x2  }
0xa9: {  	v4 =	vadd.f32 v20, v4;
	v5 =	vld [tilespmem:s16+$0x2180];
	v11 =	vadd.f32 v22, v7  }
0xaa: {  	v0 =	vadd.f32 v9, v0;
	v1 =	vadd.f32 v6, v1;
	v7 =	vld [tilespmem:s16+$0x2190]  }
0xab: {  	v4 =	vadd.f32 v23, v4;
	v8 =	vld [tilespmem:s16+$0x21A0];
	v6 =	vadd.f32 v12, v11  }
0xac: {  	v0 =	vadd.f32 v2, v0;
	v1 =	vadd.f32 v3, v1;
	v12 =	vld [tilespmem:s16+$0x21B0]  }
0xad: {  	v4 =	vadd.f32 v14, v4;
	v2 =	vld [tilespmem:s16+$0x21C0];
	v10 =	vadd.f32 v10, v6  }
0xae: {  	v3 =	vld [tilespmem:s16+$0x21D0]  }
0xaf: {  	v20 =	vld [tilespmem:s16+$0x2100]  }
0xb0: {  	v24 =	vld [tilespmem:s16+$0x2110]  }
0xb1: {  	v19 =	vld [tilespmem:s16+$0x2120]  }
0xb2: {  	v21 =	vld [tilespmem:s16+$0x2130]  }
0xb3: {  	v9 =	vld [tilespmem:s16+$0x2140]  }
0xb4: {  	v6 =	vld [tilespmem:s16+$0x2150]  }
0xb5: {  	v16 =	vld [tilespmem:s16+$0x2080]  }
0xb6: {  	v22 =	vld [tilespmem:s16+$0x2090]  }
0xb7: {  	v14 =	vld [tilespmem:s16+$0x2000]  }
0xb8: {  	v15 =	vld [tilespmem:s16+$0x2010]  }
0xb9: {  	v23 =	vld [tilespmem:s16+$0x2020]  }
0xba: {  	v25 =	vld [tilespmem:s16+$0x2030]  }
0xbb: {  	v28 =	vld [tilespmem:s16+$0x20A0]  }
0xbc: {  	v29 =	vld [tilespmem:s16+$0x20B0]  }
.Ltmp3:
0xbd: {  	v11 =	vld [tilespmem:s16+$0x20C0];
	(pc) =	sbr.rel @p2 .LBB2_4-.Ltmp3, $4  }
0xbe: {  	v17 =	vadd.f32 v14, v17;
	v18 =	vadd.f32 v15, v18;
	v13 =	vld [tilespmem:s16+$0x20D0]  }
0xbf: {  	v23 =	vadd.f32 v23, v26;
	v14 =	vld [tilespmem:s16+$0x2040];
	v25 =	vadd.f32 v25, v27  }
0xc0: {  	v17 =	vadd.f32 v16, v17;
	v18 =	vadd.f32 v22, v18;
	v15 =	vld [tilespmem:s16+$0x2050]  }
0xc1: {  	s17 =	sadd.s32 $0x800, s17;
	v22 =	vadd.f32 v28, v23;
	v16 =	vld [tilespmem:s16+$0x2060];
	v23 =	vadd.f32 v29, v25  }
0xc2: {  	v25 =	vld [tilespmem:s16+$0x2070];
	v17 =	vadd.f32 v20, v17;
	v18 =	vadd.f32 v24, v18  }
0xc3: {  	v55 =	vld [tilespmem:s16+$0x20E0];
	v19 =	vadd.f32 v19, v22;
	v21 =	vadd.f32 v21, v23  }
0xc4: {  	v56 =	vld [tilespmem:s16+$0x20F0];
	v5 =	vadd.f32 v5, v17;
	v7 =	vadd.f32 v7, v18  }
0xc5: {  	v57 =	vld [tilespmem:s16+$0x2160];
	v0 =	vadd.f32 v14, v0;
	v8 =	vadd.f32 v8, v19  }
0xc6: {  	v58 =	vld [tilespmem:s16+$0x2170];
	v12 =	vadd.f32 v12, v21;
	v1 =	vadd.f32 v15, v1  }
0xc7: {  	v59 =	vld [tilespmem:s16+$0x21E0];
	v4 =	vadd.f32 v16, v4;
	v10 =	vadd.f32 v25, v10  }
0xc8: {  	v60 =	vld [tilespmem:s16+$0x21F0];
	v0 =	vadd.f32 v11, v0;
	v1 =	vadd.f32 v13, v1  }
0xc9: {  	v4 =	vadd.f32 v55, v4;
	v10 =	vadd.f32 v56, v10  }
0xca: {  	v0 =	vadd.f32 v9, v0;
	v1 =	vadd.f32 v6, v1  }
0xcb: {  	v4 =	vadd.f32 v57, v4;
	v61 =	vadd.f32 v58, v10  }
0xcc: {  	v0 =	vadd.f32 v2, v0;
	v1 =	vadd.f32 v3, v1  }
0xcd: {  	v2 =	vadd.f32 v59, v4;
	v3 =	vadd.f32 v60, v61  }
0xce: {  	v62 =	vadd.f32 v7, v5;
	v63 =	vadd.f32 v12, v8  }
0xcf: {  	v0 =	vadd.f32 v1, v0;
	v1 =	vadd.f32 v3, v2;
	_ =	sdelay $0x1  }
.Ltmp4:
0xd0: {  	v2 =	vadd.f32 v63, v62;
	v0 =	vadd.f32 v1, v0;
	(pc) =	sbr.rel @p0 .LBB2_9-.Ltmp4, $3  }
0xd1: {  	_ = 	snop  }
0xd2: {  	v0 =	vadd.f32 v0, v2;
	_ =	sdelay $0x1  }
0xd3: {  	[tilespmem:$0x6000] =	vst v0  }
0xd4: {  	_ =	swait.ge [sflag:s12], $0x2000  }
0xd5: {  	[sflag:s12] =	ssyncset.done $0x0  }
0xd6: {  	s16 =	simm.s32 $0x0;
	[sflag:s12] =	ssyncadd.s32 $0xFFFFE000  }
0xd7: {  	v4 =	vld [tilespmem:s16+$0x4180]  }
0xd8: {  	v5 =	vld [tilespmem:s16+$0x4190]  }
0xd9: {  	v6 =	vld [tilespmem:s16+$0x41A0]  }
0xda: {  	v7 =	vld [tilespmem:s16+$0x41B0]  }
0xdb: {  	v1 =	vld [tilespmem:s16+$0x41C0]  }
0xdc: {  	v2 =	vld [tilespmem:s16+$0x41D0]  }
0xdd: {  	v14 =	vld [tilespmem:s16+$0x4100]  }
0xde: {  	v17 =	vld [tilespmem:s16+$0x4110]  }
0xdf: {  	v13 =	vld [tilespmem:s16+$0x4120]  }
0xe0: {  	v15 =	vld [tilespmem:s16+$0x4130]  }
0xe1: {  	v3 =	vld [tilespmem:s16+$0x4140]  }
0xe2: {  	v10 =	vld [tilespmem:s16+$0x4080]  }
0xe3: {  	v11 =	vld [tilespmem:s16+$0x4090]  }
0xe4: {  	v12 =	vld [tilespmem:s16+$0x4000]  }
0xe5: {  	v18 =	vld [tilespmem:s16+$0x4010]  }
0xe6: {  	v19 =	vld [tilespmem:s16+$0x4020]  }
0xe7: {  	v20 =	vld [tilespmem:s16+$0x4030]  }
0xe8: {  	v21 =	vld [tilespmem:s16+$0x40A0]  }
0xe9: {  	v25 =	vld [tilespmem:s16+$0x40B0]  }
0xea: {  	v9 =	vimm.f32 $0.0e+00;
	v8 =	vld [tilespmem:s16+$0x4150]  }
0xeb: {  	v16 =	vld [tilespmem:s16+$0x40C0];
	v12 =	vadd.f32 v12, v9;
	v23 =	vadd.f32 v18, v9  }
0xec: {  	v18 =	vld [tilespmem:s16+$0x40D0];
	v24 =	vadd.f32 v19, v9;
	v26 =	vadd.f32 v20, v9  }
0xed: {  	v19 =	vld [tilespmem:s16+$0x4040];
	v22 =	vadd.f32 v10, v12;
	v23 =	vadd.f32 v11, v23  }
0xee: {  	v20 =	vld [tilespmem:s16+$0x4050];
	v24 =	vadd.f32 v21, v24;
	v25 =	vadd.f32 v25, v26  }
0xef: {  	s17 =	simm.s32 $0x800;
	v21 =	vld [tilespmem:s16+$0x4060];
	v12 =	vimm.f32 $0.0e+00;
	v10 =	vimm.f32 $0.0e+00;
	v11 =	vimm.f32 $0.0e+00  }
.LBB2_7:
0xf0: {  	p2 =	sne.s32 s17, $0x7800;
	v26 =	vld [tilespmem:s16+$0x4070];
	v14 =	vadd.f32 v14, v22;
	v17 =	vadd.f32 v17, v23  }
0xf1: {  	v22 =	vld [tilespmem:s16+$0x40E0];
	v13 =	vadd.f32 v13, v24;
	v15 =	vadd.f32 v15, v25  }
0xf2: {  	v23 =	vld [tilespmem:s16+$0x40F0];
	v24 =	vadd.f32 v4, v14;
	v25 =	vadd.f32 v5, v17  }
0xf3: {  	v14 =	vld [tilespmem:s16+$0x4160];
	v27 =	vadd.f32 v6, v13;
	v28 =	vadd.f32 v7, v15  }
0xf4: {  	v4 =	vadd.f32 v19, v9;
	v5 =	vadd.f32 v20, v12;
	v7 =	vld [tilespmem:s16+$0x4170]  }
0xf5: {  	v6 =	vadd.f32 v21, v10;
	v13 =	vld [tilespmem:s16+$0x41E0];
	v9 =	vadd.f32 v26, v11  }
0xf6: {  	v10 =	vadd.f32 v16, v4;
	v12 =	vadd.f32 v18, v5;
	v11 =	vld [tilespmem:s16+$0x41F0];
	s16 =	sshra.s32 s17, $0x2  }
0xf7: {  	v15 =	vadd.f32 v22, v6;
	v4 =	vld [tilespmem:s16+$0x4180];
	v9 =	vadd.f32 v23, v9  }
0xf8: {  	v3 =	vadd.f32 v3, v10;
	v8 =	vadd.f32 v8, v12;
	v5 =	vld [tilespmem:s16+$0x4190]  }
0xf9: {  	v10 =	vadd.f32 v14, v15;
	v6 =	vld [tilespmem:s16+$0x41A0];
	v14 =	vadd.f32 v7, v9  }
0xfa: {  	v9 =	vadd.f32 v1, v3;
	v12 =	vadd.f32 v2, v8;
	v7 =	vld [tilespmem:s16+$0x41B0]  }
0xfb: {  	v10 =	vadd.f32 v13, v10;
	v1 =	vld [tilespmem:s16+$0x41C0];
	v11 =	vadd.f32 v11, v14  }
0xfc: {  	v2 =	vld [tilespmem:s16+$0x41D0]  }
0xfd: {  	v14 =	vld [tilespmem:s16+$0x4100]  }
0xfe: {  	v17 =	vld [tilespmem:s16+$0x4110]  }
0xff: {  	v13 =	vld [tilespmem:s16+$0x4120]  }
0x100: {  	v15 =	vld [tilespmem:s16+$0x4130]  }
0x101: {  	v3 =	vld [tilespmem:s16+$0x4140]  }
0x102: {  	v8 =	vld [tilespmem:s16+$0x4150]  }
0x103: {  	v21 =	vld [tilespmem:s16+$0x4080]  }
0x104: {  	v23 =	vld [tilespmem:s16+$0x4090]  }
0x105: {  	v19 =	vld [tilespmem:s16+$0x4000]  }
0x106: {  	v20 =	vld [tilespmem:s16+$0x4010]  }
0x107: {  	v22 =	vld [tilespmem:s16+$0x4020]  }
0x108: {  	v26 =	vld [tilespmem:s16+$0x4030]  }
0x109: {  	v29 =	vld [tilespmem:s16+$0x40A0]  }
0x10a: {  	v30 =	vld [tilespmem:s16+$0x40B0]  }
.Ltmp5:
0x10b: {  	v16 =	vld [tilespmem:s16+$0x40C0];
	(pc) =	sbr.rel @p2 .LBB2_7-.Ltmp5, $4  }
0x10c: {  	v24 =	vadd.f32 v19, v24;
	v25 =	vadd.f32 v20, v25;
	v18 =	vld [tilespmem:s16+$0x40D0]  }
0x10d: {  	v27 =	vadd.f32 v22, v27;
	v19 =	vld [tilespmem:s16+$0x4040];
	v26 =	vadd.f32 v26, v28  }
0x10e: {  	v22 =	vadd.f32 v21, v24;
	v23 =	vadd.f32 v23, v25;
	v20 =	vld [tilespmem:s16+$0x4050]  }
0x10f: {  	s17 =	sadd.s32 $0x800, s17;
	v24 =	vadd.f32 v29, v27;
	v21 =	vld [tilespmem:s16+$0x4060];
	v25 =	vadd.f32 v30, v26  }
0x110: {  	v26 =	vld [tilespmem:s16+$0x4070];
	v14 =	vadd.f32 v14, v22;
	v17 =	vadd.f32 v17, v23  }
0x111: {  	v51 =	vld [tilespmem:s16+$0x40E0];
	v13 =	vadd.f32 v13, v24;
	v15 =	vadd.f32 v15, v25  }
0x112: {  	v52 =	vld [tilespmem:s16+$0x40F0];
	v4 =	vadd.f32 v4, v14;
	v5 =	vadd.f32 v5, v17  }
0x113: {  	v53 =	vld [tilespmem:s16+$0x4160];
	v9 =	vadd.f32 v19, v9;
	v6 =	vadd.f32 v6, v13  }
0x114: {  	v54 =	vld [tilespmem:s16+$0x4170];
	v7 =	vadd.f32 v7, v15;
	v12 =	vadd.f32 v20, v12  }
0x115: {  	v55 =	vld [tilespmem:s16+$0x41E0];
	v10 =	vadd.f32 v21, v10;
	v11 =	vadd.f32 v26, v11  }
0x116: {  	v56 =	vld [tilespmem:s16+$0x41F0];
	v9 =	vadd.f32 v16, v9;
	v12 =	vadd.f32 v18, v12  }
0x117: {  	v10 =	vadd.f32 v51, v10;
	v11 =	vadd.f32 v52, v11  }
0x118: {  	v3 =	vadd.f32 v3, v9;
	v8 =	vadd.f32 v8, v12  }
0x119: {  	v57 =	vadd.f32 v53, v10;
	v58 =	vadd.f32 v54, v11  }
0x11a: {  	v1 =	vadd.f32 v1, v3;
	v2 =	vadd.f32 v2, v8  }
0x11b: {  	v59 =	vadd.f32 v55, v57;
	v60 =	vadd.f32 v56, v58  }
0x11c: {  	v4 =	vadd.f32 v5, v4;
	v61 =	vadd.f32 v7, v6  }
0x11d: {  	v1 =	vadd.f32 v2, v1;
	v62 =	vadd.f32 v60, v59;
	_ =	sdelay $0x1  }
0x11e: {  	v63 =	vadd.f32 v61, v4;
	v1 =	vadd.f32 v62, v1;
	_ =	sdelay $0x1  }
0x11f: {  	v1 =	vadd.f32 v1, v63;
	_ =	sdelay $0x1  }
0x120: {  	v0 =	vadd.f32 v1, v0;
	_ =	sdelay $0x1  }
0x121: {  	[tilespmem:$0x6000] =	vst v0  }
.LBB2_9:
.Ltmp6:
0x122: {  	(pc) =	sbr.rel @p1 .LBB2_13-.Ltmp6, $1  }
0x123: {  	_ =	sdelay $0x3  }
0x124: {  	_ =	swait.ge [sflag:s12], $0x937  }
0x125: {  	[sflag:s12] =	ssyncset.done $0x0  }
0x126: {  	s16 =	simm.s32 $0x0;
	[sflag:s12] =	ssyncadd.s32 $0xFFFFF6C9  }
0x127: {  	v3 =	vld [tilespmem:s16+$0x4180]  }
0x128: {  	v4 =	vld [tilespmem:s16+$0x4190]  }
0x129: {  	v5 =	vld [tilespmem:s16+$0x41A0]  }
0x12a: {  	v6 =	vld [tilespmem:s16+$0x41B0]  }
0x12b: {  	v0 =	vld [tilespmem:s16+$0x41C0]  }
0x12c: {  	v1 =	vld [tilespmem:s16+$0x41D0]  }
0x12d: {  	v13 =	vld [tilespmem:s16+$0x4100]  }
0x12e: {  	v16 =	vld [tilespmem:s16+$0x4110]  }
0x12f: {  	v12 =	vld [tilespmem:s16+$0x4120]  }
0x130: {  	v14 =	vld [tilespmem:s16+$0x4130]  }
0x131: {  	v2 =	vld [tilespmem:s16+$0x4140]  }
0x132: {  	v9 =	vld [tilespmem:s16+$0x4080]  }
0x133: {  	v10 =	vld [tilespmem:s16+$0x4090]  }
0x134: {  	v11 =	vld [tilespmem:s16+$0x4000]  }
0x135: {  	v17 =	vld [tilespmem:s16+$0x4010]  }
0x136: {  	v18 =	vld [tilespmem:s16+$0x4020]  }
0x137: {  	v19 =	vld [tilespmem:s16+$0x4030]  }
0x138: {  	v20 =	vld [tilespmem:s16+$0x40A0]  }
0x139: {  	v24 =	vld [tilespmem:s16+$0x40B0]  }
0x13a: {  	v8 =	vimm.f32 $0.0e+00;
	v7 =	vld [tilespmem:s16+$0x4150]  }
0x13b: {  	v15 =	vld [tilespmem:s16+$0x40C0];
	v11 =	vadd.f32 v11, v8;
	v22 =	vadd.f32 v17, v8  }
0x13c: {  	v17 =	vld [tilespmem:s16+$0x40D0];
	v23 =	vadd.f32 v18, v8;
	v25 =	vadd.f32 v19, v8  }
0x13d: {  	v18 =	vld [tilespmem:s16+$0x4040];
	v21 =	vadd.f32 v9, v11;
	v22 =	vadd.f32 v10, v22  }
0x13e: {  	v19 =	vld [tilespmem:s16+$0x4050];
	v23 =	vadd.f32 v20, v23;
	v24 =	vadd.f32 v24, v25  }
0x13f: {  	s17 =	simm.s32 $0x800;
	v20 =	vld [tilespmem:s16+$0x4060];
	v11 =	vimm.f32 $0.0e+00;
	v9 =	vimm.f32 $0.0e+00;
	v10 =	vimm.f32 $0.0e+00  }
.LBB2_11:
0x140: {  	p2 =	sne.s32 s17, $0x1800;
	v25 =	vld [tilespmem:s16+$0x4070];
	v13 =	vadd.f32 v13, v21;
	v16 =	vadd.f32 v16, v22  }
0x141: {  	v12 =	vadd.f32 v12, v23;
	v14 =	vadd.f32 v14, v24;
	v21 =	vld [tilespmem:s16+$0x40E0]  }
0x142: {  	v22 =	vld [tilespmem:s16+$0x40F0];
	v23 =	vadd.f32 v3, v13;
	v24 =	vadd.f32 v4, v16  }
0x143: {  	v26 =	vadd.f32 v5, v12;
	v27 =	vadd.f32 v6, v14;
	v13 =	vld [tilespmem:s16+$0x4160]  }
0x144: {  	v3 =	vadd.f32 v18, v8;
	v4 =	vadd.f32 v19, v11;
	v6 =	vld [tilespmem:s16+$0x4170]  }
0x145: {  	v5 =	vadd.f32 v20, v9;
	v12 =	vld [tilespmem:s16+$0x41E0];
	v8 =	vadd.f32 v25, v10  }
0x146: {  	v9 =	vadd.f32 v15, v3;
	v11 =	vadd.f32 v17, v4;
	v10 =	vld [tilespmem:s16+$0x41F0];
	s16 =	sshra.s32 s17, $0x2  }
0x147: {  	v14 =	vadd.f32 v21, v5;
	v3 =	vld [tilespmem:s16+$0x4180];
	v8 =	vadd.f32 v22, v8  }
0x148: {  	v2 =	vadd.f32 v2, v9;
	v7 =	vadd.f32 v7, v11;
	v4 =	vld [tilespmem:s16+$0x4190]  }
0x149: {  	v9 =	vadd.f32 v13, v14;
	v5 =	vld [tilespmem:s16+$0x41A0];
	v13 =	vadd.f32 v6, v8  }
0x14a: {  	v11 =	vadd.f32 v1, v7;
	v8 =	vadd.f32 v0, v2;
	v6 =	vld [tilespmem:s16+$0x41B0]  }
0x14b: {  	v9 =	vadd.f32 v12, v9;
	v0 =	vld [tilespmem:s16+$0x41C0];
	v10 =	vadd.f32 v10, v13  }
0x14c: {  	v1 =	vld [tilespmem:s16+$0x41D0]  }
0x14d: {  	v13 =	vld [tilespmem:s16+$0x4100]  }
0x14e: {  	v16 =	vld [tilespmem:s16+$0x4110]  }
0x14f: {  	v12 =	vld [tilespmem:s16+$0x4120]  }
0x150: {  	v14 =	vld [tilespmem:s16+$0x4130]  }
0x151: {  	v2 =	vld [tilespmem:s16+$0x4140]  }
0x152: {  	v7 =	vld [tilespmem:s16+$0x4150]  }
0x153: {  	v20 =	vld [tilespmem:s16+$0x4080]  }
0x154: {  	v22 =	vld [tilespmem:s16+$0x4090]  }
0x155: {  	v18 =	vld [tilespmem:s16+$0x4000]  }
0x156: {  	v19 =	vld [tilespmem:s16+$0x4010]  }
0x157: {  	v21 =	vld [tilespmem:s16+$0x4020]  }
0x158: {  	v25 =	vld [tilespmem:s16+$0x4030]  }
0x159: {  	v28 =	vld [tilespmem:s16+$0x40A0]  }
0x15a: {  	v29 =	vld [tilespmem:s16+$0x40B0]  }
.Ltmp7:
0x15b: {  	v15 =	vld [tilespmem:s16+$0x40C0];
	(pc) =	sbr.rel @p2 .LBB2_11-.Ltmp7, $4  }
0x15c: {  	v23 =	vadd.f32 v18, v23;
	v24 =	vadd.f32 v19, v24;
	v17 =	vld [tilespmem:s16+$0x40D0]  }
0x15d: {  	v26 =	vadd.f32 v21, v26;
	v18 =	vld [tilespmem:s16+$0x4040];
	v25 =	vadd.f32 v25, v27  }
0x15e: {  	v21 =	vadd.f32 v20, v23;
	v22 =	vadd.f32 v22, v24;
	v19 =	vld [tilespmem:s16+$0x4050]  }
0x15f: {  	s17 =	sadd.s32 $0x800, s17;
	v23 =	vadd.f32 v28, v26;
	v20 =	vld [tilespmem:s16+$0x4060];
	v24 =	vadd.f32 v29, v25  }
.Ltmp8:
0x160: {  	_ = 	snop;
	(pc) =	sbr.rel .LBB2_12-.Ltmp8, $1  }
0x161: {  	_ =	sdelay $0x3  }
.LBB2_14:
0x162: {  	_ =	sfence.sel $0x180000  }
0x163: {  	[bflag:$0x0] =	sbarrier.arrive $0xFFFF  }
0x164: {  	p0 =	sne.s32 s0, $0x0;
	_ =	strace $0x90000047  }
0x165: {  	s0 =	sadd.s32 @!p0 $0x100000, s1;
	[bflag:$0x2] =	sbarrier.arrive $0xFFFF  }
0x166: {  	[sflag:s0] =	ssyncadd.tile.s32 @!p0 $0x1;
	_ =	shalt  }
.Lfunc_end2:
_tile_overlayer_lowered:
.L_overlay_start_2:
0x167: {  	(tag) =	ssettag $0x2  }
0x168: {  	s0 =	rddreg [dreg:$0x0];
	s2 =	stileid.u32  }
0x169: {  	s1 =	rddreg [dreg:$0x1];
	p0 =	sne.s32 s2, $0x0  }
0x16a: {  	s3 =	rddreg [dreg:$0x2];
	[bflag:$0x3] =	sbarrier.arrive $0xFFFF;
	s2 =	simm.s32 @!p0 $0x1C04  }
0x16b: {  	[timem:s3], [sflag:s2] =	dma.local @!p0 [hbm:s0], s1  }
0x16c: {  	s0 =	simm.s32 @!p0 $0x4  }
0x16d: {  	_ =	swait.ge @!p0 [sflag:s0], s1  }
0x16e: {  	s1 =	ssub.s32 @!p0 $0x0, s1;
	[sflag:s0] =	ssyncset.done @!p0 $0x0  }
0x16f: {  	[sflag:s0] =	ssyncadd.s32 @!p0 s1  }
0x170: {  	[bflag:$0x3] =	sbarrier.arrive $0xFFFF  }
0x171: {  	_ =	shalt  }

</sc_bundles>
